<compile_context>
chip_gen: v7x
topology: tpu7x:2x2x1
jax: 0.10.2.dev20260603
libtpu: 0.0.44.dev20260713+nightly
codegen_flags: <defaults>
</compile_context>

<pallas_src>
import functools

import jax
import jax.numpy as jnp
from jax import lax
from jax.experimental import pallas as pl
from jax.experimental.pallas import tpu as pltpu
from jax.experimental.pallas import tpu_sc as plsc

_INFO = plsc.get_sparse_core_info()
_NC, _NS = _INFO.num_cores, _INFO.num_subcores
_NW = _NC * _NS

_BATCH = 4
_SEQ = 4096
_D = 1024
_BPW = _BATCH * _SEQ // _NW
_WPB = _SEQ // _BPW
_C = 16
_NCHUNK = _BPW // _C
_NBUF = 7
_LOOKAHEAD = 5


def _gather_kernel(idx_hbm, table_hbm, out_hbm, idx_v, bufs, gsems, wsems):
    wid = lax.axis_index("s") * _NC + lax.axis_index("c")
    b = wid // _WPB
    off = (wid % _WPB) * _BPW
    pltpu.sync_copy(idx_hbm.at[b, pl.ds(off, _BPW)], idx_v)
    table2d = table_hbm.at[0]

    def gather(c):
        return pltpu.async_copy(
            table2d.at[idx_v.at[pl.ds(c * _C, _C)]],
            bufs[c % _NBUF], gsems[c % _NBUF])

    def write(c):
        return pltpu.async_copy(
            bufs[c % _NBUF], out_hbm.at[b, pl.ds(off + c * _C, _C)],
            wsems[c % _NBUF])

    g = [None] * _NCHUNK
    w = [None] * _NCHUNK
    for c in range(_LOOKAHEAD):
        g[c] = gather(c)
    for c in range(_NCHUNK):
        g[c].wait()
        w[c] = write(c)
        nc = c + _LOOKAHEAD
        if nc < _NCHUNK:
            if nc - _NBUF >= 0:
                w[nc - _NBUF].wait()
            g[nc] = gather(nc)
    for c in range(max(0, _NCHUNK - _NBUF), _NCHUNK):
        w[c].wait()


@jax.jit
def _run(idx, table):
    mesh = plsc.VectorSubcoreMesh(core_axis_name="c", subcore_axis_name="s")
    k = pl.kernel(
        _gather_kernel,
        out_type=jax.ShapeDtypeStruct((_BATCH, _SEQ, _D), jnp.float32),
        mesh=mesh,
        compiler_params=pltpu.CompilerParams(use_tc_tiling_on_sc=True),
        scratch_types=[
            pltpu.VMEM((_BPW,), jnp.int32),
            [pltpu.VMEM((_C, _D), jnp.float32) for _ in range(_NBUF)],
            [pltpu.SemaphoreType.DMA for _ in range(_NBUF)],
            [pltpu.SemaphoreType.DMA for _ in range(_NBUF)],
        ],
    )
    return k(idx, table)


def kernel(accumulated_times, time_encoding):
    return _run(accumulated_times, time_encoding)

# --- scband reference (transcript-rebuilt; emitter-appended) ---
"""Pipeline reference for scband-temporal-embedding-83408264889083 (READ-ONLY COPY).

The authoritative reference and input builder live on the scoring server;
editing this copy changes nothing except your own understanding.
"""

import jax, jax.numpy as jnp
import numpy as np
import math


def _create_time_encoding(max_time, d_model):
    position = jnp.arange(max_time, dtype=jnp.float32)[:, None]
    div_term = jnp.exp(jnp.arange(0, d_model, 2, dtype=jnp.float32) * -(math.log(10000.0) / d_model))
    ang = position * div_term
    pe = jnp.zeros((max_time, d_model), dtype=jnp.float32)
    pe = pe.at[:, 0::2].set(jnp.sin(ang))
    pe = pe.at[:, 1::2].set(jnp.cos(ang))
    return pe[None, :, :]


def setup_inputs(seed: int = 0) -> dict:
    key = jax.random.key(seed)
    max_time = 4096
    d_model = 1024
    pe = _create_time_encoding(max_time + 1, d_model)
    # include_time_pad_token=True: append a zero row, pad id = 4097
    pe = jnp.concatenate([pe, jnp.zeros((1, 1, d_model), dtype=jnp.float32)], axis=1)
    accumulated_times = jax.random.randint(key, (4, 4096), 0, pe.shape[1], dtype=jnp.int32)
    return {"accumulated_times": accumulated_times, "time_encoding": pe}


def reference(accumulated_times, time_encoding):
    # gather rows of the precomputed sinusoidal table: time_encoding[0, accumulated_times]
    return jnp.take(time_encoding[0], accumulated_times, axis=0)

if __name__ == "__main__":
    import jax
    _d = setup_inputs()
    print(jax.jit(kernel)(*tuple(_d.values())))

</pallas_src>

<mosaic_0001>
#map = affine_map<(d0, d1) -> (0, 0)>
#map1 = affine_map<(d0, d1) -> (0, 0, 0)>
module attributes {stable_mosaic.version = 14 : i64} {
  func.func @_gather_kernel(%arg0: i32, %arg1: i32, %arg2: memref<4x4096xi32, #tpu.memory_space<hbm>>, %arg3: memref<1x4098x1024xf32, #tpu.memory_space<hbm>>, %arg4: memref<4x4096x1024xf32, #tpu.memory_space<hbm>>, %arg5: memref<512xi32, #tpu.memory_space<vmem>>, %arg6: memref<16x1024xf32, #tpu.memory_space<vmem>>, %arg7: memref<16x1024xf32, #tpu.memory_space<vmem>>, %arg8: memref<16x1024xf32, #tpu.memory_space<vmem>>, %arg9: memref<16x1024xf32, #tpu.memory_space<vmem>>, %arg10: memref<16x1024xf32, #tpu.memory_space<vmem>>, %arg11: memref<16x1024xf32, #tpu.memory_space<vmem>>, %arg12: memref<16x1024xf32, #tpu.memory_space<vmem>>, %arg13: memref<!tpu.dma_semaphore, #tpu.memory_space<semaphore_mem>>, %arg14: memref<!tpu.dma_semaphore, #tpu.memory_space<semaphore_mem>>, %arg15: memref<!tpu.dma_semaphore, #tpu.memory_space<semaphore_mem>>, %arg16: memref<!tpu.dma_semaphore, #tpu.memory_space<semaphore_mem>>, %arg17: memref<!tpu.dma_semaphore, #tpu.memory_space<semaphore_mem>>, %arg18: memref<!tpu.dma_semaphore, #tpu.memory_space<semaphore_mem>>, %arg19: memref<!tpu.dma_semaphore, #tpu.memory_space<semaphore_mem>>, %arg20: memref<!tpu.dma_semaphore, #tpu.memory_space<semaphore_mem>>, %arg21: memref<!tpu.dma_semaphore, #tpu.memory_space<semaphore_mem>>, %arg22: memref<!tpu.dma_semaphore, #tpu.memory_space<semaphore_mem>>, %arg23: memref<!tpu.dma_semaphore, #tpu.memory_space<semaphore_mem>>, %arg24: memref<!tpu.dma_semaphore, #tpu.memory_space<semaphore_mem>>, %arg25: memref<!tpu.dma_semaphore, #tpu.memory_space<semaphore_mem>>, %arg26: memref<!tpu.dma_semaphore, #tpu.memory_space<semaphore_mem>>) attributes {dimension_semantics = [#tpu.dimension_semantics<core_parallel>, #tpu.dimension_semantics<subcore_parallel>], iteration_bounds = array<i64: 2, 16>, scalar_prefetch = 0 : i64, scratch_operands = 22 : i64, tpu.core_type = #tpu.core_type<sc_vector_subcore>, window_params = [{transform_indices = #map}, {transform_indices = #map1}, {transform_indices = #map1}]} {
    %mul3A = arith.constant 2 : i32
    %mul3A_0 = arith.muli %arg1, %mul3A : i32
    %add3A = arith.addi %mul3A_0, %arg0 : i32
    %jit3A = arith.constant 8 : i32
    %div3A = arith.divsi %add3A, %jit3A : i32
    %sign3A = arith.constant 0 : i32
    %sign3A_1 = arith.cmpi sgt, %add3A, %sign3A : i32
    %sign3A_2 = arith.extui %sign3A_1 : i1 to i32
    %sign3A_3 = arith.constant 0 : i32
    %sign3A_4 = arith.cmpi slt, %add3A, %sign3A_3 : i32
    %sign3A_5 = arith.extui %sign3A_4 : i1 to i32
    %sign3A_6 = arith.subi %sign3A_2, %sign3A_5 : i32
    %sign3A_7 = arith.constant 0 : i32
    %sign3A_8 = arith.cmpi sgt, %jit3A, %sign3A_7 : i32
    %sign3A_9 = arith.extui %sign3A_8 : i1 to i32
    %sign3A_10 = arith.constant 0 : i32
    %sign3A_11 = arith.cmpi slt, %jit3A, %sign3A_10 : i32
    %sign3A_12 = arith.extui %sign3A_11 : i1 to i32
    %sign3A_13 = arith.subi %sign3A_9, %sign3A_12 : i32
    %ne3A = arith.cmpi ne, %sign3A_6, %sign3A_13 : i32
    %rem3A = arith.remsi %add3A, %jit3A : i32
    %ne3A_14 = arith.constant 0 : i32
    %ne3A_15 = arith.cmpi ne, %rem3A, %ne3A_14 : i32
    %and3A = arith.andi %ne3A, %ne3A_15 : i1
    %sub3A = arith.constant 1 : i32
    %sub3A_16 = arith.subi %div3A, %sub3A : i32
    %select_n3A = arith.select %and3A, %sub3A_16, %div3A : i32
    %jit3A_17 = arith.constant 8 : i32
    %eq3A = arith.constant 0 : i32
    %eq3A_18 = arith.cmpi eq, %jit3A_17, %eq3A : i32
    %jit3A_19 = arith.constant 1 : i32
    %select_n3A_20 = arith.select %eq3A_18, %jit3A_19, %jit3A_17 : i32
    %rem3A_21 = arith.remsi %add3A, %select_n3A_20 : i32
    %ne3A_22 = arith.constant 0 : i32
    %ne3A_23 = arith.cmpi ne, %rem3A_21, %ne3A_22 : i32
    %lt3A = arith.constant 0 : i32
    %lt3A_24 = arith.cmpi slt, %rem3A_21, %lt3A : i32
    %lt3A_25 = arith.constant 0 : i32
    %lt3A_26 = arith.cmpi slt, %select_n3A_20, %lt3A_25 : i32
    %ne3A_27 = arith.xori %lt3A_24, %lt3A_26 : i1
    %and3A_28 = arith.andi %ne3A_27, %ne3A_23 : i1
    %add3A_29 = arith.addi %rem3A_21, %select_n3A_20 : i32
    %select_n3A_30 = arith.select %and3A_28, %add3A_29, %rem3A_21 : i32
    %mul3A_31 = arith.constant 512 : i32
    %mul3A_32 = arith.muli %select_n3A_30, %mul3A_31 : i32
    "tpu.region"() ({
      %run_scoped3A = tpu.sem_alloc : memref<!tpu.dma_semaphore, #tpu.memory_space<semaphore_mem>>
      %dma_start3A_1119 = tpu.memref_slice %arg2[%select_n3A, %mul3A_32] : memref<4x4096xi32, #tpu.memory_space<hbm>> -> memref<1x512xi32, #tpu.memory_space<hbm>>
      %dma_start3A_1120 = tpu.memref_squeeze %dma_start3A_1119 : memref<1x512xi32, #tpu.memory_space<hbm>> -> memref<512xi32, #tpu.memory_space<hbm>>
      %dma_start3A_1121 = tpu.memref_slice %arg2[%select_n3A, %mul3A_32] : memref<4x4096xi32, #tpu.memory_space<hbm>> -> memref<1x512xi32, #tpu.memory_space<hbm>>
      %dma_start3A_1122 = tpu.memref_squeeze %dma_start3A_1121 : memref<1x512xi32, #tpu.memory_space<hbm>> -> memref<512xi32, #tpu.memory_space<hbm>>
      tpu.enqueue_dma source(%dma_start3A_1122 : memref<512xi32, #tpu.memory_space<hbm>>) target(%arg5 : memref<512xi32, #tpu.memory_space<vmem>>) target_semaphore(%run_scoped3A : memref<!tpu.dma_semaphore, #tpu.memory_space<semaphore_mem>>)
      %dma_wait3A_1123 = tpu.memref_slice %arg2[%select_n3A, %mul3A_32] : memref<4x4096xi32, #tpu.memory_space<hbm>> -> memref<1x512xi32, #tpu.memory_space<hbm>>
      %dma_wait3A_1124 = tpu.memref_squeeze %dma_wait3A_1123 : memref<1x512xi32, #tpu.memory_space<hbm>> -> memref<512xi32, #tpu.memory_space<hbm>>
      %dma_wait3A_1125 = tpu.memref_slice %arg2[%select_n3A, %mul3A_32] : memref<4x4096xi32, #tpu.memory_space<hbm>> -> memref<1x512xi32, #tpu.memory_space<hbm>>
      %dma_wait3A_1126 = tpu.memref_squeeze %dma_wait3A_1125 : memref<1x512xi32, #tpu.memory_space<hbm>> -> memref<512xi32, #tpu.memory_space<hbm>>
      tpu.wait_dma2 semaphore(%run_scoped3A : memref<!tpu.dma_semaphore, #tpu.memory_space<semaphore_mem>>) src(%dma_wait3A_1126 : memref<512xi32, #tpu.memory_space<hbm>>) dst(%arg5 : memref<512xi32, #tpu.memory_space<vmem>>)
      tpu.yield
    }) : () -> ()
    %dma_start3A = arith.constant 0 : i32
    %dma_start3A_33 = arith.constant 0 : i32
    %dma_start3A_34 = tpu.memref_slice %arg5[%dma_start3A_33] : memref<512xi32, #tpu.memory_space<vmem>> -> memref<16xi32, #tpu.memory_space<vmem>>
    %dma_start3A_35 = arith.constant 0 : i32
    %dma_start3A_36 = arith.constant 0 : i32
    %dma_start3A_37 = tpu.memref_slice %arg3[%dma_start3A, %dma_start3A_35, %dma_start3A_36] : memref<1x4098x1024xf32, #tpu.memory_space<hbm>> -> memref<1x4098x1024xf32, #tpu.memory_space<hbm>>
    %dma_start3A_38 = tpu.memref_squeeze %dma_start3A_37 : memref<1x4098x1024xf32, #tpu.memory_space<hbm>> -> memref<4098x1024xf32, #tpu.memory_space<hbm>>
    %dma_start3A_39 = arith.constant 0 : i32
    %dma_start3A_40 = arith.constant 0 : i32
    %dma_start3A_41 = tpu.memref_slice %dma_start3A_38[%dma_start3A_39, %dma_start3A_40] : memref<4098x1024xf32, #tpu.memory_space<hbm>> -> memref<4098x1024xf32, #tpu.memory_space<hbm>>
    tpu.enqueue_indirect_dma source(%dma_start3A_41 : memref<4098x1024xf32, #tpu.memory_space<hbm>>) target(%arg6 : memref<16x1024xf32, #tpu.memory_space<vmem>>) offsets(%dma_start3A_34 : memref<16xi32, #tpu.memory_space<vmem>>) semaphore(%arg13 : memref<!tpu.dma_semaphore, #tpu.memory_space<semaphore_mem>>)
    %dma_start3A_42 = arith.constant 0 : i32
    %dma_start3A_43 = arith.constant 16 : i32
    %dma_start3A_44 = tpu.memref_slice %arg5[%dma_start3A_43] : memref<512xi32, #tpu.memory_space<vmem>> -> memref<16xi32, #tpu.memory_space<vmem>>
    %dma_start3A_45 = arith.constant 0 : i32
    %dma_start3A_46 = arith.constant 0 : i32
    %dma_start3A_47 = tpu.memref_slice %arg3[%dma_start3A_42, %dma_start3A_45, %dma_start3A_46] : memref<1x4098x1024xf32, #tpu.memory_space<hbm>> -> memref<1x4098x1024xf32, #tpu.memory_space<hbm>>
    %dma_start3A_48 = tpu.memref_squeeze %dma_start3A_47 : memref<1x4098x1024xf32, #tpu.memory_space<hbm>> -> memref<4098x1024xf32, #tpu.memory_space<hbm>>
    %dma_start3A_49 = arith.constant 0 : i32
    %dma_start3A_50 = arith.constant 0 : i32
    %dma_start3A_51 = tpu.memref_slice %dma_start3A_48[%dma_start3A_49, %dma_start3A_50] : memref<4098x1024xf32, #tpu.memory_space<hbm>> -> memref<4098x1024xf32, #tpu.memory_space<hbm>>
    tpu.enqueue_indirect_dma source(%dma_start3A_51 : memref<4098x1024xf32, #tpu.memory_space<hbm>>) target(%arg7 : memref<16x1024xf32, #tpu.memory_space<vmem>>) offsets(%dma_start3A_44 : memref<16xi32, #tpu.memory_space<vmem>>) semaphore(%arg14 : memref<!tpu.dma_semaphore, #tpu.memory_space<semaphore_mem>>)
    %dma_start3A_52 = arith.constant 0 : i32
    %dma_start3A_53 = arith.constant 32 : i32
    %dma_start3A_54 = tpu.memref_slice %arg5[%dma_start3A_53] : memref<512xi32, #tpu.memory_space<vmem>> -> memref<16xi32, #tpu.memory_space<vmem>>
    %dma_start3A_55 = arith.constant 0 : i32
    %dma_start3A_56 = arith.constant 0 : i32
    %dma_start3A_57 = tpu.memref_slice %arg3[%dma_start3A_52, %dma_start3A_55, %dma_start3A_56] : memref<1x4098x1024xf32, #tpu.memory_space<hbm>> -> memref<1x4098x1024xf32, #tpu.memory_space<hbm>>
    %dma_start3A_58 = tpu.memref_squeeze %dma_start3A_57 : memref<1x4098x1024xf32, #tpu.memory_space<hbm>> -> memref<4098x1024xf32, #tpu.memory_space<hbm>>
    %dma_start3A_59 = arith.constant 0 : i32
    %dma_start3A_60 = arith.constant 0 : i32
    %dma_start3A_61 = tpu.memref_slice %dma_start3A_58[%dma_start3A_59, %dma_start3A_60] : memref<4098x1024xf32, #tpu.memory_space<hbm>> -> memref<4098x1024xf32, #tpu.memory_space<hbm>>
    tpu.enqueue_indirect_dma source(%dma_start3A_61 : memref<4098x1024xf32, #tpu.memory_space<hbm>>) target(%arg8 : memref<16x1024xf32, #tpu.memory_space<vmem>>) offsets(%dma_start3A_54 : memref<16xi32, #tpu.memory_space<vmem>>) semaphore(%arg15 : memref<!tpu.dma_semaphore, #tpu.memory_space<semaphore_mem>>)
    %dma_start3A_62 = arith.constant 0 : i32
    %dma_start3A_63 = arith.constant 48 : i32
    %dma_start3A_64 = tpu.memref_slice %arg5[%dma_start3A_63] : memref<512xi32, #tpu.memory_space<vmem>> -> memref<16xi32, #tpu.memory_space<vmem>>
    %dma_start3A_65 = arith.constant 0 : i32
    %dma_start3A_66 = arith.constant 0 : i32
    %dma_start3A_67 = tpu.memref_slice %arg3[%dma_start3A_62, %dma_start3A_65, %dma_start3A_66] : memref<1x4098x1024xf32, #tpu.memory_space<hbm>> -> memref<1x4098x1024xf32, #tpu.memory_space<hbm>>
    %dma_start3A_68 = tpu.memref_squeeze %dma_start3A_67 : memref<1x4098x1024xf32, #tpu.memory_space<hbm>> -> memref<4098x1024xf32, #tpu.memory_space<hbm>>
    %dma_start3A_69 = arith.constant 0 : i32
    %dma_start3A_70 = arith.constant 0 : i32
    %dma_start3A_71 = tpu.memref_slice %dma_start3A_68[%dma_start3A_69, %dma_start3A_70] : memref<4098x1024xf32, #tpu.memory_space<hbm>> -> memref<4098x1024xf32, #tpu.memory_space<hbm>>
    tpu.enqueue_indirect_dma source(%dma_start3A_71 : memref<4098x1024xf32, #tpu.memory_space<hbm>>) target(%arg9 : memref<16x1024xf32, #tpu.memory_space<vmem>>) offsets(%dma_start3A_64 : memref<16xi32, #tpu.memory_space<vmem>>) semaphore(%arg16 : memref<!tpu.dma_semaphore, #tpu.memory_space<semaphore_mem>>)
    %dma_start3A_72 = arith.constant 0 : i32
    %dma_start3A_73 = arith.constant 64 : i32
    %dma_start3A_74 = tpu.memref_slice %arg5[%dma_start3A_73] : memref<512xi32, #tpu.memory_space<vmem>> -> memref<16xi32, #tpu.memory_space<vmem>>
    %dma_start3A_75 = arith.constant 0 : i32
    %dma_start3A_76 = arith.constant 0 : i32
    %dma_start3A_77 = tpu.memref_slice %arg3[%dma_start3A_72, %dma_start3A_75, %dma_start3A_76] : memref<1x4098x1024xf32, #tpu.memory_space<hbm>> -> memref<1x4098x1024xf32, #tpu.memory_space<hbm>>
    %dma_start3A_78 = tpu.memref_squeeze %dma_start3A_77 : memref<1x4098x1024xf32, #tpu.memory_space<hbm>> -> memref<4098x1024xf32, #tpu.memory_space<hbm>>
    %dma_start3A_79 = arith.constant 0 : i32
    %dma_start3A_80 = arith.constant 0 : i32
    %dma_start3A_81 = tpu.memref_slice %dma_start3A_78[%dma_start3A_79, %dma_start3A_80] : memref<4098x1024xf32, #tpu.memory_space<hbm>> -> memref<4098x1024xf32, #tpu.memory_space<hbm>>
    tpu.enqueue_indirect_dma source(%dma_start3A_81 : memref<4098x1024xf32, #tpu.memory_space<hbm>>) target(%arg10 : memref<16x1024xf32, #tpu.memory_space<vmem>>) offsets(%dma_start3A_74 : memref<16xi32, #tpu.memory_space<vmem>>) semaphore(%arg17 : memref<!tpu.dma_semaphore, #tpu.memory_space<semaphore_mem>>)
    %dma_wait3A = arith.constant 0 : i32
    %dma_wait3A_82 = arith.constant 0 : i32
    %dma_wait3A_83 = tpu.memref_slice %arg5[%dma_wait3A_82] : memref<512xi32, #tpu.memory_space<vmem>> -> memref<16xi32, #tpu.memory_space<vmem>>
    %dma_wait3A_84 = arith.constant 0 : i32
    %dma_wait3A_85 = arith.constant 0 : i32
    %dma_wait3A_86 = tpu.memref_slice %arg3[%dma_wait3A, %dma_wait3A_84, %dma_wait3A_85] : memref<1x4098x1024xf32, #tpu.memory_space<hbm>> -> memref<1x4098x1024xf32, #tpu.memory_space<hbm>>
    %dma_wait3A_87 = tpu.memref_squeeze %dma_wait3A_86 : memref<1x4098x1024xf32, #tpu.memory_space<hbm>> -> memref<4098x1024xf32, #tpu.memory_space<hbm>>
    %dma_wait3A_88 = arith.constant 0 : i32
    %dma_wait3A_89 = arith.constant 0 : i32
    %dma_wait3A_90 = tpu.memref_slice %dma_wait3A_87[%dma_wait3A_88, %dma_wait3A_89] : memref<4098x1024xf32, #tpu.memory_space<hbm>> -> memref<4098x1024xf32, #tpu.memory_space<hbm>>
    tpu.wait_indirect_dma semaphore(%arg13 : memref<!tpu.dma_semaphore, #tpu.memory_space<semaphore_mem>>) src(%dma_wait3A_90 : memref<4098x1024xf32, #tpu.memory_space<hbm>>) dst(%arg6 : memref<16x1024xf32, #tpu.memory_space<vmem>>)
    %add3A_91 = arith.constant 0 : i32
    %add3A_92 = arith.addi %mul3A_32, %add3A_91 : i32
    %dma_start3A_93 = arith.constant 0 : i32
    %dma_start3A_94 = tpu.memref_slice %arg4[%select_n3A, %add3A_92, %dma_start3A_93] : memref<4x4096x1024xf32, #tpu.memory_space<hbm>> -> memref<1x16x1024xf32, #tpu.memory_space<hbm>>
    %dma_start3A_95 = tpu.memref_squeeze %dma_start3A_94 : memref<1x16x1024xf32, #tpu.memory_space<hbm>> -> memref<16x1024xf32, #tpu.memory_space<hbm>>
    %dma_start3A_96 = arith.constant 0 : i32
    %dma_start3A_97 = tpu.memref_slice %arg4[%select_n3A, %add3A_92, %dma_start3A_96] : memref<4x4096x1024xf32, #tpu.memory_space<hbm>> -> memref<1x16x1024xf32, #tpu.memory_space<hbm>>
    %dma_start3A_98 = tpu.memref_squeeze %dma_start3A_97 : memref<1x16x1024xf32, #tpu.memory_space<hbm>> -> memref<16x1024xf32, #tpu.memory_space<hbm>>
    tpu.enqueue_dma source(%arg6 : memref<16x1024xf32, #tpu.memory_space<vmem>>) target(%dma_start3A_98 : memref<16x1024xf32, #tpu.memory_space<hbm>>) target_semaphore(%arg20 : memref<!tpu.dma_semaphore, #tpu.memory_space<semaphore_mem>>)
    %dma_start3A_99 = arith.constant 0 : i32
    %dma_start3A_100 = arith.constant 80 : i32
    %dma_start3A_101 = tpu.memref_slice %arg5[%dma_start3A_100] : memref<512xi32, #tpu.memory_space<vmem>> -> memref<16xi32, #tpu.memory_space<vmem>>
    %dma_start3A_102 = arith.constant 0 : i32
    %dma_start3A_103 = arith.constant 0 : i32
    %dma_start3A_104 = tpu.memref_slice %arg3[%dma_start3A_99, %dma_start3A_102, %dma_start3A_103] : memref<1x4098x1024xf32, #tpu.memory_space<hbm>> -> memref<1x4098x1024xf32, #tpu.memory_space<hbm>>
    %dma_start3A_105 = tpu.memref_squeeze %dma_start3A_104 : memref<1x4098x1024xf32, #tpu.memory_space<hbm>> -> memref<4098x1024xf32, #tpu.memory_space<hbm>>
    %dma_start3A_106 = arith.constant 0 : i32
    %dma_start3A_107 = arith.constant 0 : i32
    %dma_start3A_108 = tpu.memref_slice %dma_start3A_105[%dma_start3A_106, %dma_start3A_107] : memref<4098x1024xf32, #tpu.memory_space<hbm>> -> memref<4098x1024xf32, #tpu.memory_space<hbm>>
    tpu.enqueue_indirect_dma source(%dma_start3A_108 : memref<4098x1024xf32, #tpu.memory_space<hbm>>) target(%arg11 : memref<16x1024xf32, #tpu.memory_space<vmem>>) offsets(%dma_start3A_101 : memref<16xi32, #tpu.memory_space<vmem>>) semaphore(%arg18 : memref<!tpu.dma_semaphore, #tpu.memory_space<semaphore_mem>>)
    %dma_wait3A_109 = arith.constant 0 : i32
    %dma_wait3A_110 = arith.constant 16 : i32
    %dma_wait3A_111 = tpu.memref_slice %arg5[%dma_wait3A_110] : memref<512xi32, #tpu.memory_space<vmem>> -> memref<16xi32, #tpu.memory_space<vmem>>
    %dma_wait3A_112 = arith.constant 0 : i32
    %dma_wait3A_113 = arith.constant 0 : i32
    %dma_wait3A_114 = tpu.memref_slice %arg3[%dma_wait3A_109, %dma_wait3A_112, %dma_wait3A_113] : memref<1x4098x1024xf32, #tpu.memory_space<hbm>> -> memref<1x4098x1024xf32, #tpu.memory_space<hbm>>
    %dma_wait3A_115 = tpu.memref_squeeze %dma_wait3A_114 : memref<1x4098x1024xf32, #tpu.memory_space<hbm>> -> memref<4098x1024xf32, #tpu.memory_space<hbm>>
    %dma_wait3A_116 = arith.constant 0 : i32
    %dma_wait3A_117 = arith.constant 0 : i32
    %dma_wait3A_118 = tpu.memref_slice %dma_wait3A_115[%dma_wait3A_116, %dma_wait3A_117] : memref<4098x1024xf32, #tpu.memory_space<hbm>> -> memref<4098x1024xf32, #tpu.memory_space<hbm>>
    tpu.wait_indirect_dma semaphore(%arg14 : memref<!tpu.dma_semaphore, #tpu.memory_space<semaphore_mem>>) src(%dma_wait3A_118 : memref<4098x1024xf32, #tpu.memory_space<hbm>>) dst(%arg7 : memref<16x1024xf32, #tpu.memory_space<vmem>>)
    %add3A_119 = arith.constant 16 : i32
    %add3A_120 = arith.addi %mul3A_32, %add3A_119 : i32
    %dma_start3A_121 = arith.constant 0 : i32
    %dma_start3A_122 = tpu.memref_slice %arg4[%select_n3A, %add3A_120, %dma_start3A_121] : memref<4x4096x1024xf32, #tpu.memory_space<hbm>> -> memref<1x16x1024xf32, #tpu.memory_space<hbm>>
    %dma_start3A_123 = tpu.memref_squeeze %dma_start3A_122 : memref<1x16x1024xf32, #tpu.memory_space<hbm>> -> memref<16x1024xf32, #tpu.memory_space<hbm>>
    %dma_start3A_124 = arith.constant 0 : i32
    %dma_start3A_125 = tpu.memref_slice %arg4[%select_n3A, %add3A_120, %dma_start3A_124] : memref<4x4096x1024xf32, #tpu.memory_space<hbm>> -> memref<1x16x1024xf32, #tpu.memory_space<hbm>>
    %dma_start3A_126 = tpu.memref_squeeze %dma_start3A_125 : memref<1x16x1024xf32, #tpu.memory_space<hbm>> -> memref<16x1024xf32, #tpu.memory_space<hbm>>
    tpu.enqueue_dma source(%arg7 : memref<16x1024xf32, #tpu.memory_space<vmem>>) target(%dma_start3A_126 : memref<16x1024xf32, #tpu.memory_space<hbm>>) target_semaphore(%arg21 : memref<!tpu.dma_semaphore, #tpu.memory_space<semaphore_mem>>)
    %dma_start3A_127 = arith.constant 0 : i32
    %dma_start3A_128 = arith.constant 96 : i32
    %dma_start3A_129 = tpu.memref_slice %arg5[%dma_start3A_128] : memref<512xi32, #tpu.memory_space<vmem>> -> memref<16xi32, #tpu.memory_space<vmem>>
    %dma_start3A_130 = arith.constant 0 : i32
    %dma_start3A_131 = arith.constant 0 : i32
    %dma_start3A_132 = tpu.memref_slice %arg3[%dma_start3A_127, %dma_start3A_130, %dma_start3A_131] : memref<1x4098x1024xf32, #tpu.memory_space<hbm>> -> memref<1x4098x1024xf32, #tpu.memory_space<hbm>>
    %dma_start3A_133 = tpu.memref_squeeze %dma_start3A_132 : memref<1x4098x1024xf32, #tpu.memory_space<hbm>> -> memref<4098x1024xf32, #tpu.memory_space<hbm>>
    %dma_start3A_134 = arith.constant 0 : i32
    %dma_start3A_135 = arith.constant 0 : i32
    %dma_start3A_136 = tpu.memref_slice %dma_start3A_133[%dma_start3A_134, %dma_start3A_135] : memref<4098x1024xf32, #tpu.memory_space<hbm>> -> memref<4098x1024xf32, #tpu.memory_space<hbm>>
    tpu.enqueue_indirect_dma source(%dma_start3A_136 : memref<4098x1024xf32, #tpu.memory_space<hbm>>) target(%arg12 : memref<16x1024xf32, #tpu.memory_space<vmem>>) offsets(%dma_start3A_129 : memref<16xi32, #tpu.memory_space<vmem>>) semaphore(%arg19 : memref<!tpu.dma_semaphore, #tpu.memory_space<semaphore_mem>>)
    %dma_wait3A_137 = arith.constant 0 : i32
    %dma_wait3A_138 = arith.constant 32 : i32
    %dma_wait3A_139 = tpu.memref_slice %arg5[%dma_wait3A_138] : memref<512xi32, #tpu.memory_space<vmem>> -> memref<16xi32, #tpu.memory_space<vmem>>
    %dma_wait3A_140 = arith.constant 0 : i32
    %dma_wait3A_141 = arith.constant 0 : i32
    %dma_wait3A_142 = tpu.memref_slice %arg3[%dma_wait3A_137, %dma_wait3A_140, %dma_wait3A_141] : memref<1x4098x1024xf32, #tpu.memory_space<hbm>> -> memref<1x4098x1024xf32, #tpu.memory_space<hbm>>
    %dma_wait3A_143 = tpu.memref_squeeze %dma_wait3A_142 : memref<1x4098x1024xf32, #tpu.memory_space<hbm>> -> memref<4098x1024xf32, #tpu.memory_space<hbm>>
    %dma_wait3A_144 = arith.constant 0 : i32
    %dma_wait3A_145 = arith.constant 0 : i32
    %dma_wait3A_146 = tpu.memref_slice %dma_wait3A_143[%dma_wait3A_144, %dma_wait3A_145] : memref<4098x1024xf32, #tpu.memory_space<hbm>> -> memref<4098x1024xf32, #tpu.memory_space<hbm>>
    tpu.wait_indirect_dma semaphore(%arg15 : memref<!tpu.dma_semaphore, #tpu.memory_space<semaphore_mem>>) src(%dma_wait3A_146 : memref<4098x1024xf32, #tpu.memory_space<hbm>>) dst(%arg8 : memref<16x1024xf32, #tpu.memory_space<vmem>>)
    %add3A_147 = arith.constant 32 : i32
    %add3A_148 = arith.addi %mul3A_32, %add3A_147 : i32
    %dma_start3A_149 = arith.constant 0 : i32
    %dma_start3A_150 = tpu.memref_slice %arg4[%select_n3A, %add3A_148, %dma_start3A_149] : memref<4x4096x1024xf32, #tpu.memory_space<hbm>> -> memref<1x16x1024xf32, #tpu.memory_space<hbm>>
    %dma_start3A_151 = tpu.memref_squeeze %dma_start3A_150 : memref<1x16x1024xf32, #tpu.memory_space<hbm>> -> memref<16x1024xf32, #tpu.memory_space<hbm>>
    %dma_start3A_152 = arith.constant 0 : i32
    %dma_start3A_153 = tpu.memref_slice %arg4[%select_n3A, %add3A_148, %dma_start3A_152] : memref<4x4096x1024xf32, #tpu.memory_space<hbm>> -> memref<1x16x1024xf32, #tpu.memory_space<hbm>>
    %dma_start3A_154 = tpu.memref_squeeze %dma_start3A_153 : memref<1x16x1024xf32, #tpu.memory_space<hbm>> -> memref<16x1024xf32, #tpu.memory_space<hbm>>
    tpu.enqueue_dma source(%arg8 : memref<16x1024xf32, #tpu.memory_space<vmem>>) target(%dma_start3A_154 : memref<16x1024xf32, #tpu.memory_space<hbm>>) target_semaphore(%arg22 : memref<!tpu.dma_semaphore, #tpu.memory_space<semaphore_mem>>)
    %dma_wait3A_155 = arith.constant 0 : i32
    %dma_wait3A_156 = tpu.memref_slice %arg4[%select_n3A, %add3A_92, %dma_wait3A_155] : memref<4x4096x1024xf32, #tpu.memory_space<hbm>> -> memref<1x16x1024xf32, #tpu.memory_space<hbm>>
    %dma_wait3A_157 = tpu.memref_squeeze %dma_wait3A_156 : memref<1x16x1024xf32, #tpu.memory_space<hbm>> -> memref<16x1024xf32, #tpu.memory_space<hbm>>
    %dma_wait3A_158 = arith.constant 0 : i32
    %dma_wait3A_159 = tpu.memref_slice %arg4[%select_n3A, %add3A_92, %dma_wait3A_158] : memref<4x4096x1024xf32, #tpu.memory_space<hbm>> -> memref<1x16x1024xf32, #tpu.memory_space<hbm>>
    %dma_wait3A_160 = tpu.memref_squeeze %dma_wait3A_159 : memref<1x16x1024xf32, #tpu.memory_space<hbm>> -> memref<16x1024xf32, #tpu.memory_space<hbm>>
    tpu.wait_dma2 semaphore(%arg20 : memref<!tpu.dma_semaphore, #tpu.memory_space<semaphore_mem>>) src(%arg6 : memref<16x1024xf32, #tpu.memory_space<vmem>>) dst(%dma_wait3A_160 : memref<16x1024xf32, #tpu.memory_space<hbm>>)
    %dma_start3A_161 = arith.constant 0 : i32
    %dma_start3A_162 = arith.constant 112 : i32
    %dma_start3A_163 = tpu.memref_slice %arg5[%dma_start3A_162] : memref<512xi32, #tpu.memory_space<vmem>> -> memref<16xi32, #tpu.memory_space<vmem>>
    %dma_start3A_164 = arith.constant 0 : i32
    %dma_start3A_165 = arith.constant 0 : i32
    %dma_start3A_166 = tpu.memref_slice %arg3[%dma_start3A_161, %dma_start3A_164, %dma_start3A_165] : memref<1x4098x1024xf32, #tpu.memory_space<hbm>> -> memref<1x4098x1024xf32, #tpu.memory_space<hbm>>
    %dma_start3A_167 = tpu.memref_squeeze %dma_start3A_166 : memref<1x4098x1024xf32, #tpu.memory_space<hbm>> -> memref<4098x1024xf32, #tpu.memory_space<hbm>>
    %dma_start3A_168 = arith.constant 0 : i32
    %dma_start3A_169 = arith.constant 0 : i32
    %dma_start3A_170 = tpu.memref_slice %dma_start3A_167[%dma_start3A_168, %dma_start3A_169] : memref<4098x1024xf32, #tpu.memory_space<hbm>> -> memref<4098x1024xf32, #tpu.memory_space<hbm>>
    tpu.enqueue_indirect_dma source(%dma_start3A_170 : memref<4098x1024xf32, #tpu.memory_space<hbm>>) target(%arg6 : memref<16x1024xf32, #tpu.memory_space<vmem>>) offsets(%dma_start3A_163 : memref<16xi32, #tpu.memory_space<vmem>>) semaphore(%arg13 : memref<!tpu.dma_semaphore, #tpu.memory_space<semaphore_mem>>)
    %dma_wait3A_171 = arith.constant 0 : i32
    %dma_wait3A_172 = arith.constant 48 : i32
    %dma_wait3A_173 = tpu.memref_slice %arg5[%dma_wait3A_172] : memref<512xi32, #tpu.memory_space<vmem>> -> memref<16xi32, #tpu.memory_space<vmem>>
    %dma_wait3A_174 = arith.constant 0 : i32
    %dma_wait3A_175 = arith.constant 0 : i32
    %dma_wait3A_176 = tpu.memref_slice %arg3[%dma_wait3A_171, %dma_wait3A_174, %dma_wait3A_175] : memref<1x4098x1024xf32, #tpu.memory_space<hbm>> -> memref<1x4098x1024xf32, #tpu.memory_space<hbm>>
    %dma_wait3A_177 = tpu.memref_squeeze %dma_wait3A_176 : memref<1x4098x1024xf32, #tpu.memory_space<hbm>> -> memref<4098x1024xf32, #tpu.memory_space<hbm>>
    %dma_wait3A_178 = arith.constant 0 : i32
    %dma_wait3A_179 = arith.constant 0 : i32
    %dma_wait3A_180 = tpu.memref_slice %dma_wait3A_177[%dma_wait3A_178, %dma_wait3A_179] : memref<4098x1024xf32, #tpu.memory_space<hbm>> -> memref<4098x1024xf32, #tpu.memory_space<hbm>>
    tpu.wait_indirect_dma semaphore(%arg16 : memref<!tpu.dma_semaphore, #tpu.memory_space<semaphore_mem>>) src(%dma_wait3A_180 : memref<4098x1024xf32, #tpu.memory_space<hbm>>) dst(%arg9 : memref<16x1024xf32, #tpu.memory_space<vmem>>)
    %add3A_181 = arith.constant 48 : i32
    %add3A_182 = arith.addi %mul3A_32, %add3A_181 : i32
    %dma_start3A_183 = arith.constant 0 : i32
    %dma_start3A_184 = tpu.memref_slice %arg4[%select_n3A, %add3A_182, %dma_start3A_183] : memref<4x4096x1024xf32, #tpu.memory_space<hbm>> -> memref<1x16x1024xf32, #tpu.memory_space<hbm>>
    %dma_start3A_185 = tpu.memref_squeeze %dma_start3A_184 : memref<1x16x1024xf32, #tpu.memory_space<hbm>> -> memref<16x1024xf32, #tpu.memory_space<hbm>>
    %dma_start3A_186 = arith.constant 0 : i32
    %dma_start3A_187 = tpu.memref_slice %arg4[%select_n3A, %add3A_182, %dma_start3A_186] : memref<4x4096x1024xf32, #tpu.memory_space<hbm>> -> memref<1x16x1024xf32, #tpu.memory_space<hbm>>
    %dma_start3A_188 = tpu.memref_squeeze %dma_start3A_187 : memref<1x16x1024xf32, #tpu.memory_space<hbm>> -> memref<16x1024xf32, #tpu.memory_space<hbm>>
    tpu.enqueue_dma source(%arg9 : memref<16x1024xf32, #tpu.memory_space<vmem>>) target(%dma_start3A_188 : memref<16x1024xf32, #tpu.memory_space<hbm>>) target_semaphore(%arg23 : memref<!tpu.dma_semaphore, #tpu.memory_space<semaphore_mem>>)
    %dma_wait3A_189 = arith.constant 0 : i32
    %dma_wait3A_190 = tpu.memref_slice %arg4[%select_n3A, %add3A_120, %dma_wait3A_189] : memref<4x4096x1024xf32, #tpu.memory_space<hbm>> -> memref<1x16x1024xf32, #tpu.memory_space<hbm>>
    %dma_wait3A_191 = tpu.memref_squeeze %dma_wait3A_190 : memref<1x16x1024xf32, #tpu.memory_space<hbm>> -> memref<16x1024xf32, #tpu.memory_space<hbm>>
    %dma_wait3A_192 = arith.constant 0 : i32
    %dma_wait3A_193 = tpu.memref_slice %arg4[%select_n3A, %add3A_120, %dma_wait3A_192] : memref<4x4096x1024xf32, #tpu.memory_space<hbm>> -> memref<1x16x1024xf32, #tpu.memory_space<hbm>>
    %dma_wait3A_194 = tpu.memref_squeeze %dma_wait3A_193 : memref<1x16x1024xf32, #tpu.memory_space<hbm>> -> memref<16x1024xf32, #tpu.memory_space<hbm>>
    tpu.wait_dma2 semaphore(%arg21 : memref<!tpu.dma_semaphore, #tpu.memory_space<semaphore_mem>>) src(%arg7 : memref<16x1024xf32, #tpu.memory_space<vmem>>) dst(%dma_wait3A_194 : memref<16x1024xf32, #tpu.memory_space<hbm>>)
    %dma_start3A_195 = arith.constant 0 : i32
    %dma_start3A_196 = arith.constant 128 : i32
    %dma_start3A_197 = tpu.memref_slice %arg5[%dma_start3A_196] : memref<512xi32, #tpu.memory_space<vmem>> -> memref<16xi32, #tpu.memory_space<vmem>>
    %dma_start3A_198 = arith.constant 0 : i32
    %dma_start3A_199 = arith.constant 0 : i32
    %dma_start3A_200 = tpu.memref_slice %arg3[%dma_start3A_195, %dma_start3A_198, %dma_start3A_199] : memref<1x4098x1024xf32, #tpu.memory_space<hbm>> -> memref<1x4098x1024xf32, #tpu.memory_space<hbm>>
    %dma_start3A_201 = tpu.memref_squeeze %dma_start3A_200 : memref<1x4098x1024xf32, #tpu.memory_space<hbm>> -> memref<4098x1024xf32, #tpu.memory_space<hbm>>
    %dma_start3A_202 = arith.constant 0 : i32
    %dma_start3A_203 = arith.constant 0 : i32
    %dma_start3A_204 = tpu.memref_slice %dma_start3A_201[%dma_start3A_202, %dma_start3A_203] : memref<4098x1024xf32, #tpu.memory_space<hbm>> -> memref<4098x1024xf32, #tpu.memory_space<hbm>>
    tpu.enqueue_indirect_dma source(%dma_start3A_204 : memref<4098x1024xf32, #tpu.memory_space<hbm>>) target(%arg7 : memref<16x1024xf32, #tpu.memory_space<vmem>>) offsets(%dma_start3A_197 : memref<16xi32, #tpu.memory_space<vmem>>) semaphore(%arg14 : memref<!tpu.dma_semaphore, #tpu.memory_space<semaphore_mem>>)
    %dma_wait3A_205 = arith.constant 0 : i32
    %dma_wait3A_206 = arith.constant 64 : i32
    %dma_wait3A_207 = tpu.memref_slice %arg5[%dma_wait3A_206] : memref<512xi32, #tpu.memory_space<vmem>> -> memref<16xi32, #tpu.memory_space<vmem>>
    %dma_wait3A_208 = arith.constant 0 : i32
    %dma_wait3A_209 = arith.constant 0 : i32
    %dma_wait3A_210 = tpu.memref_slice %arg3[%dma_wait3A_205, %dma_wait3A_208, %dma_wait3A_209] : memref<1x4098x1024xf32, #tpu.memory_space<hbm>> -> memref<1x4098x1024xf32, #tpu.memory_space<hbm>>
    %dma_wait3A_211 = tpu.memref_squeeze %dma_wait3A_210 : memref<1x4098x1024xf32, #tpu.memory_space<hbm>> -> memref<4098x1024xf32, #tpu.memory_space<hbm>>
    %dma_wait3A_212 = arith.constant 0 : i32
    %dma_wait3A_213 = arith.constant 0 : i32
    %dma_wait3A_214 = tpu.memref_slice %dma_wait3A_211[%dma_wait3A_212, %dma_wait3A_213] : memref<4098x1024xf32, #tpu.memory_space<hbm>> -> memref<4098x1024xf32, #tpu.memory_space<hbm>>
    tpu.wait_indirect_dma semaphore(%arg17 : memref<!tpu.dma_semaphore, #tpu.memory_space<semaphore_mem>>) src(%dma_wait3A_214 : memref<4098x1024xf32, #tpu.memory_space<hbm>>) dst(%arg10 : memref<16x1024xf32, #tpu.memory_space<vmem>>)
    %add3A_215 = arith.constant 64 : i32
    %add3A_216 = arith.addi %mul3A_32, %add3A_215 : i32
    %dma_start3A_217 = arith.constant 0 : i32
    %dma_start3A_218 = tpu.memref_slice %arg4[%select_n3A, %add3A_216, %dma_start3A_217] : memref<4x4096x1024xf32, #tpu.memory_space<hbm>> -> memref<1x16x1024xf32, #tpu.memory_space<hbm>>
    %dma_start3A_219 = tpu.memref_squeeze %dma_start3A_218 : memref<1x16x1024xf32, #tpu.memory_space<hbm>> -> memref<16x1024xf32, #tpu.memory_space<hbm>>
    %dma_start3A_220 = arith.constant 0 : i32
    %dma_start3A_221 = tpu.memref_slice %arg4[%select_n3A, %add3A_216, %dma_start3A_220] : memref<4x4096x1024xf32, #tpu.memory_space<hbm>> -> memref<1x16x1024xf32, #tpu.memory_space<hbm>>
    %dma_start3A_222 = tpu.memref_squeeze %dma_start3A_221 : memref<1x16x1024xf32, #tpu.memory_space<hbm>> -> memref<16x1024xf32, #tpu.memory_space<hbm>>
    tpu.enqueue_dma source(%arg10 : memref<16x1024xf32, #tpu.memory_space<vmem>>) target(%dma_start3A_222 : memref<16x1024xf32, #tpu.memory_space<hbm>>) target_semaphore(%arg24 : memref<!tpu.dma_semaphore, #tpu.memory_space<semaphore_mem>>)
    %dma_wait3A_223 = arith.constant 0 : i32
    %dma_wait3A_224 = tpu.memref_slice %arg4[%select_n3A, %add3A_148, %dma_wait3A_223] : memref<4x4096x1024xf32, #tpu.memory_space<hbm>> -> memref<1x16x1024xf32, #tpu.memory_space<hbm>>
    %dma_wait3A_225 = tpu.memref_squeeze %dma_wait3A_224 : memref<1x16x1024xf32, #tpu.memory_space<hbm>> -> memref<16x1024xf32, #tpu.memory_space<hbm>>
    %dma_wait3A_226 = arith.constant 0 : i32
    %dma_wait3A_227 = tpu.memref_slice %arg4[%select_n3A, %add3A_148, %dma_wait3A_226] : memref<4x4096x1024xf32, #tpu.memory_space<hbm>> -> memref<1x16x1024xf32, #tpu.memory_space<hbm>>
    %dma_wait3A_228 = tpu.memref_squeeze %dma_wait3A_227 : memref<1x16x1024xf32, #tpu.memory_space<hbm>> -> memref<16x1024xf32, #tpu.memory_space<hbm>>
    tpu.wait_dma2 semaphore(%arg22 : memref<!tpu.dma_semaphore, #tpu.memory_space<semaphore_mem>>) src(%arg8 : memref<16x1024xf32, #tpu.memory_space<vmem>>) dst(%dma_wait3A_228 : memref<16x1024xf32, #tpu.memory_space<hbm>>)
    %dma_start3A_229 = arith.constant 0 : i32
    %dma_start3A_230 = arith.constant 144 : i32
    %dma_start3A_231 = tpu.memref_slice %arg5[%dma_start3A_230] : memref<512xi32, #tpu.memory_space<vmem>> -> memref<16xi32, #tpu.memory_space<vmem>>
    %dma_start3A_232 = arith.constant 0 : i32
    %dma_start3A_233 = arith.constant 0 : i32
    %dma_start3A_234 = tpu.memref_slice %arg3[%dma_start3A_229, %dma_start3A_232, %dma_start3A_233] : memref<1x4098x1024xf32, #tpu.memory_space<hbm>> -> memref<1x4098x1024xf32, #tpu.memory_space<hbm>>
    %dma_start3A_235 = tpu.memref_squeeze %dma_start3A_234 : memref<1x4098x1024xf32, #tpu.memory_space<hbm>> -> memref<4098x1024xf32, #tpu.memory_space<hbm>>
    %dma_start3A_236 = arith.constant 0 : i32
    %dma_start3A_237 = arith.constant 0 : i32
    %dma_start3A_238 = tpu.memref_slice %dma_start3A_235[%dma_start3A_236, %dma_start3A_237] : memref<4098x1024xf32, #tpu.memory_space<hbm>> -> memref<4098x1024xf32, #tpu.memory_space<hbm>>
    tpu.enqueue_indirect_dma source(%dma_start3A_238 : memref<4098x1024xf32, #tpu.memory_space<hbm>>) target(%arg8 : memref<16x1024xf32, #tpu.memory_space<vmem>>) offsets(%dma_start3A_231 : memref<16xi32, #tpu.memory_space<vmem>>) semaphore(%arg15 : memref<!tpu.dma_semaphore, #tpu.memory_space<semaphore_mem>>)
    %dma_wait3A_239 = arith.constant 0 : i32
    %dma_wait3A_240 = arith.constant 80 : i32
    %dma_wait3A_241 = tpu.memref_slice %arg5[%dma_wait3A_240] : memref<512xi32, #tpu.memory_space<vmem>> -> memref<16xi32, #tpu.memory_space<vmem>>
    %dma_wait3A_242 = arith.constant 0 : i32
    %dma_wait3A_243 = arith.constant 0 : i32
    %dma_wait3A_244 = tpu.memref_slice %arg3[%dma_wait3A_239, %dma_wait3A_242, %dma_wait3A_243] : memref<1x4098x1024xf32, #tpu.memory_space<hbm>> -> memref<1x4098x1024xf32, #tpu.memory_space<hbm>>
    %dma_wait3A_245 = tpu.memref_squeeze %dma_wait3A_244 : memref<1x4098x1024xf32, #tpu.memory_space<hbm>> -> memref<4098x1024xf32, #tpu.memory_space<hbm>>
    %dma_wait3A_246 = arith.constant 0 : i32
    %dma_wait3A_247 = arith.constant 0 : i32
    %dma_wait3A_248 = tpu.memref_slice %dma_wait3A_245[%dma_wait3A_246, %dma_wait3A_247] : memref<4098x1024xf32, #tpu.memory_space<hbm>> -> memref<4098x1024xf32, #tpu.memory_space<hbm>>
    tpu.wait_indirect_dma semaphore(%arg18 : memref<!tpu.dma_semaphore, #tpu.memory_space<semaphore_mem>>) src(%dma_wait3A_248 : memref<4098x1024xf32, #tpu.memory_space<hbm>>) dst(%arg11 : memref<16x1024xf32, #tpu.memory_space<vmem>>)
    %add3A_249 = arith.constant 80 : i32
    %add3A_250 = arith.addi %mul3A_32, %add3A_249 : i32
    %dma_start3A_251 = arith.constant 0 : i32
    %dma_start3A_252 = tpu.memref_slice %arg4[%select_n3A, %add3A_250, %dma_start3A_251] : memref<4x4096x1024xf32, #tpu.memory_space<hbm>> -> memref<1x16x1024xf32, #tpu.memory_space<hbm>>
    %dma_start3A_253 = tpu.memref_squeeze %dma_start3A_252 : memref<1x16x1024xf32, #tpu.memory_space<hbm>> -> memref<16x1024xf32, #tpu.memory_space<hbm>>
    %dma_start3A_254 = arith.constant 0 : i32
    %dma_start3A_255 = tpu.memref_slice %arg4[%select_n3A, %add3A_250, %dma_start3A_254] : memref<4x4096x1024xf32, #tpu.memory_space<hbm>> -> memref<1x16x1024xf32, #tpu.memory_space<hbm>>
    %dma_start3A_256 = tpu.memref_squeeze %dma_start3A_255 : memref<1x16x1024xf32, #tpu.memory_space<hbm>> -> memref<16x1024xf32, #tpu.memory_space<hbm>>
    tpu.enqueue_dma source(%arg11 : memref<16x1024xf32, #tpu.memory_space<vmem>>) target(%dma_start3A_256 : memref<16x1024xf32, #tpu.memory_space<hbm>>) target_semaphore(%arg25 : memref<!tpu.dma_semaphore, #tpu.memory_space<semaphore_mem>>)
    %dma_wait3A_257 = arith.constant 0 : i32
    %dma_wait3A_258 = tpu.memref_slice %arg4[%select_n3A, %add3A_182, %dma_wait3A_257] : memref<4x4096x1024xf32, #tpu.memory_space<hbm>> -> memref<1x16x1024xf32, #tpu.memory_space<hbm>>
    %dma_wait3A_259 = tpu.memref_squeeze %dma_wait3A_258 : memref<1x16x1024xf32, #tpu.memory_space<hbm>> -> memref<16x1024xf32, #tpu.memory_space<hbm>>
    %dma_wait3A_260 = arith.constant 0 : i32
    %dma_wait3A_261 = tpu.memref_slice %arg4[%select_n3A, %add3A_182, %dma_wait3A_260] : memref<4x4096x1024xf32, #tpu.memory_space<hbm>> -> memref<1x16x1024xf32, #tpu.memory_space<hbm>>
    %dma_wait3A_262 = tpu.memref_squeeze %dma_wait3A_261 : memref<1x16x1024xf32, #tpu.memory_space<hbm>> -> memref<16x1024xf32, #tpu.memory_space<hbm>>
    tpu.wait_dma2 semaphore(%arg23 : memref<!tpu.dma_semaphore, #tpu.memory_space<semaphore_mem>>) src(%arg9 : memref<16x1024xf32, #tpu.memory_space<vmem>>) dst(%dma_wait3A_262 : memref<16x1024xf32, #tpu.memory_space<hbm>>)
    %dma_start3A_263 = arith.constant 0 : i32
    %dma_start3A_264 = arith.constant 160 : i32
    %dma_start3A_265 = tpu.memref_slice %arg5[%dma_start3A_264] : memref<512xi32, #tpu.memory_space<vmem>> -> memref<16xi32, #tpu.memory_space<vmem>>
    %dma_start3A_266 = arith.constant 0 : i32
    %dma_start3A_267 = arith.constant 0 : i32
    %dma_start3A_268 = tpu.memref_slice %arg3[%dma_start3A_263, %dma_start3A_266, %dma_start3A_267] : memref<1x4098x1024xf32, #tpu.memory_space<hbm>> -> memref<1x4098x1024xf32, #tpu.memory_space<hbm>>
    %dma_start3A_269 = tpu.memref_squeeze %dma_start3A_268 : memref<1x4098x1024xf32, #tpu.memory_space<hbm>> -> memref<4098x1024xf32, #tpu.memory_space<hbm>>
    %dma_start3A_270 = arith.constant 0 : i32
    %dma_start3A_271 = arith.constant 0 : i32
    %dma_start3A_272 = tpu.memref_slice %dma_start3A_269[%dma_start3A_270, %dma_start3A_271] : memref<4098x1024xf32, #tpu.memory_space<hbm>> -> memref<4098x1024xf32, #tpu.memory_space<hbm>>
    tpu.enqueue_indirect_dma source(%dma_start3A_272 : memref<4098x1024xf32, #tpu.memory_space<hbm>>) target(%arg9 : memref<16x1024xf32, #tpu.memory_space<vmem>>) offsets(%dma_start3A_265 : memref<16xi32, #tpu.memory_space<vmem>>) semaphore(%arg16 : memref<!tpu.dma_semaphore, #tpu.memory_space<semaphore_mem>>)
    %dma_wait3A_273 = arith.constant 0 : i32
    %dma_wait3A_274 = arith.constant 96 : i32
    %dma_wait3A_275 = tpu.memref_slice %arg5[%dma_wait3A_274] : memref<512xi32, #tpu.memory_space<vmem>> -> memref<16xi32, #tpu.memory_space<vmem>>
    %dma_wait3A_276 = arith.constant 0 : i32
    %dma_wait3A_277 = arith.constant 0 : i32
    %dma_wait3A_278 = tpu.memref_slice %arg3[%dma_wait3A_273, %dma_wait3A_276, %dma_wait3A_277] : memref<1x4098x1024xf32, #tpu.memory_space<hbm>> -> memref<1x4098x1024xf32, #tpu.memory_space<hbm>>
    %dma_wait3A_279 = tpu.memref_squeeze %dma_wait3A_278 : memref<1x4098x1024xf32, #tpu.memory_space<hbm>> -> memref<4098x1024xf32, #tpu.memory_space<hbm>>
    %dma_wait3A_280 = arith.constant 0 : i32
    %dma_wait3A_281 = arith.constant 0 : i32
    %dma_wait3A_282 = tpu.memref_slice %dma_wait3A_279[%dma_wait3A_280, %dma_wait3A_281] : memref<4098x1024xf32, #tpu.memory_space<hbm>> -> memref<4098x1024xf32, #tpu.memory_space<hbm>>
    tpu.wait_indirect_dma semaphore(%arg19 : memref<!tpu.dma_semaphore, #tpu.memory_space<semaphore_mem>>) src(%dma_wait3A_282 : memref<4098x1024xf32, #tpu.memory_space<hbm>>) dst(%arg12 : memref<16x1024xf32, #tpu.memory_space<vmem>>)
    %add3A_283 = arith.constant 96 : i32
    %add3A_284 = arith.addi %mul3A_32, %add3A_283 : i32
    %dma_start3A_285 = arith.constant 0 : i32
    %dma_start3A_286 = tpu.memref_slice %arg4[%select_n3A, %add3A_284, %dma_start3A_285] : memref<4x4096x1024xf32, #tpu.memory_space<hbm>> -> memref<1x16x1024xf32, #tpu.memory_space<hbm>>
    %dma_start3A_287 = tpu.memref_squeeze %dma_start3A_286 : memref<1x16x1024xf32, #tpu.memory_space<hbm>> -> memref<16x1024xf32, #tpu.memory_space<hbm>>
    %dma_start3A_288 = arith.constant 0 : i32
    %dma_start3A_289 = tpu.memref_slice %arg4[%select_n3A, %add3A_284, %dma_start3A_288] : memref<4x4096x1024xf32, #tpu.memory_space<hbm>> -> memref<1x16x1024xf32, #tpu.memory_space<hbm>>
    %dma_start3A_290 = tpu.memref_squeeze %dma_start3A_289 : memref<1x16x1024xf32, #tpu.memory_space<hbm>> -> memref<16x1024xf32, #tpu.memory_space<hbm>>
    tpu.enqueue_dma source(%arg12 : memref<16x1024xf32, #tpu.memory_space<vmem>>) target(%dma_start3A_290 : memref<16x1024xf32, #tpu.memory_space<hbm>>) target_semaphore(%arg26 : memref<!tpu.dma_semaphore, #tpu.memory_space<semaphore_mem>>)
    %dma_wait3A_291 = arith.constant 0 : i32
    %dma_wait3A_292 = tpu.memref_slice %arg4[%select_n3A, %add3A_216, %dma_wait3A_291] : memref<4x4096x1024xf32, #tpu.memory_space<hbm>> -> memref<1x16x1024xf32, #tpu.memory_space<hbm>>
    %dma_wait3A_293 = tpu.memref_squeeze %dma_wait3A_292 : memref<1x16x1024xf32, #tpu.memory_space<hbm>> -> memref<16x1024xf32, #tpu.memory_space<hbm>>
    %dma_wait3A_294 = arith.constant 0 : i32
    %dma_wait3A_295 = tpu.memref_slice %arg4[%select_n3A, %add3A_216, %dma_wait3A_294] : memref<4x4096x1024xf32, #tpu.memory_space<hbm>> -> memref<1x16x1024xf32, #tpu.memory_space<hbm>>
    %dma_wait3A_296 = tpu.memref_squeeze %dma_wait3A_295 : memref<1x16x1024xf32, #tpu.memory_space<hbm>> -> memref<16x1024xf32, #tpu.memory_space<hbm>>
    tpu.wait_dma2 semaphore(%arg24 : memref<!tpu.dma_semaphore, #tpu.memory_space<semaphore_mem>>) src(%arg10 : memref<16x1024xf32, #tpu.memory_space<vmem>>) dst(%dma_wait3A_296 : memref<16x1024xf32, #tpu.memory_space<hbm>>)
    %dma_start3A_297 = arith.constant 0 : i32
    %dma_start3A_298 = arith.constant 176 : i32
    %dma_start3A_299 = tpu.memref_slice %arg5[%dma_start3A_298] : memref<512xi32, #tpu.memory_space<vmem>> -> memref<16xi32, #tpu.memory_space<vmem>>
    %dma_start3A_300 = arith.constant 0 : i32
    %dma_start3A_301 = arith.constant 0 : i32
    %dma_start3A_302 = tpu.memref_slice %arg3[%dma_start3A_297, %dma_start3A_300, %dma_start3A_301] : memref<1x4098x1024xf32, #tpu.memory_space<hbm>> -> memref<1x4098x1024xf32, #tpu.memory_space<hbm>>
    %dma_start3A_303 = tpu.memref_squeeze %dma_start3A_302 : memref<1x4098x1024xf32, #tpu.memory_space<hbm>> -> memref<4098x1024xf32, #tpu.memory_space<hbm>>
    %dma_start3A_304 = arith.constant 0 : i32
    %dma_start3A_305 = arith.constant 0 : i32
    %dma_start3A_306 = tpu.memref_slice %dma_start3A_303[%dma_start3A_304, %dma_start3A_305] : memref<4098x1024xf32, #tpu.memory_space<hbm>> -> memref<4098x1024xf32, #tpu.memory_space<hbm>>
    tpu.enqueue_indirect_dma source(%dma_start3A_306 : memref<4098x1024xf32, #tpu.memory_space<hbm>>) target(%arg10 : memref<16x1024xf32, #tpu.memory_space<vmem>>) offsets(%dma_start3A_299 : memref<16xi32, #tpu.memory_space<vmem>>) semaphore(%arg17 : memref<!tpu.dma_semaphore, #tpu.memory_space<semaphore_mem>>)
    %dma_wait3A_307 = arith.constant 0 : i32
    %dma_wait3A_308 = arith.constant 112 : i32
    %dma_wait3A_309 = tpu.memref_slice %arg5[%dma_wait3A_308] : memref<512xi32, #tpu.memory_space<vmem>> -> memref<16xi32, #tpu.memory_space<vmem>>
    %dma_wait3A_310 = arith.constant 0 : i32
    %dma_wait3A_311 = arith.constant 0 : i32
    %dma_wait3A_312 = tpu.memref_slice %arg3[%dma_wait3A_307, %dma_wait3A_310, %dma_wait3A_311] : memref<1x4098x1024xf32, #tpu.memory_space<hbm>> -> memref<1x4098x1024xf32, #tpu.memory_space<hbm>>
    %dma_wait3A_313 = tpu.memref_squeeze %dma_wait3A_312 : memref<1x4098x1024xf32, #tpu.memory_space<hbm>> -> memref<4098x1024xf32, #tpu.memory_space<hbm>>
    %dma_wait3A_314 = arith.constant 0 : i32
    %dma_wait3A_315 = arith.constant 0 : i32
    %dma_wait3A_316 = tpu.memref_slice %dma_wait3A_313[%dma_wait3A_314, %dma_wait3A_315] : memref<4098x1024xf32, #tpu.memory_space<hbm>> -> memref<4098x1024xf32, #tpu.memory_space<hbm>>
    tpu.wait_indirect_dma semaphore(%arg13 : memref<!tpu.dma_semaphore, #tpu.memory_space<semaphore_mem>>) src(%dma_wait3A_316 : memref<4098x1024xf32, #tpu.memory_space<hbm>>) dst(%arg6 : memref<16x1024xf32, #tpu.memory_space<vmem>>)
    %add3A_317 = arith.constant 112 : i32
    %add3A_318 = arith.addi %mul3A_32, %add3A_317 : i32
    %dma_start3A_319 = arith.constant 0 : i32
    %dma_start3A_320 = tpu.memref_slice %arg4[%select_n3A, %add3A_318, %dma_start3A_319] : memref<4x4096x1024xf32, #tpu.memory_space<hbm>> -> memref<1x16x1024xf32, #tpu.memory_space<hbm>>
    %dma_start3A_321 = tpu.memref_squeeze %dma_start3A_320 : memref<1x16x1024xf32, #tpu.memory_space<hbm>> -> memref<16x1024xf32, #tpu.memory_space<hbm>>
    %dma_start3A_322 = arith.constant 0 : i32
    %dma_start3A_323 = tpu.memref_slice %arg4[%select_n3A, %add3A_318, %dma_start3A_322] : memref<4x4096x1024xf32, #tpu.memory_space<hbm>> -> memref<1x16x1024xf32, #tpu.memory_space<hbm>>
    %dma_start3A_324 = tpu.memref_squeeze %dma_start3A_323 : memref<1x16x1024xf32, #tpu.memory_space<hbm>> -> memref<16x1024xf32, #tpu.memory_space<hbm>>
    tpu.enqueue_dma source(%arg6 : memref<16x1024xf32, #tpu.memory_space<vmem>>) target(%dma_start3A_324 : memref<16x1024xf32, #tpu.memory_space<hbm>>) target_semaphore(%arg20 : memref<!tpu.dma_semaphore, #tpu.memory_space<semaphore_mem>>)
    %dma_wait3A_325 = arith.constant 0 : i32
    %dma_wait3A_326 = tpu.memref_slice %arg4[%select_n3A, %add3A_250, %dma_wait3A_325] : memref<4x4096x1024xf32, #tpu.memory_space<hbm>> -> memref<1x16x1024xf32, #tpu.memory_space<hbm>>
    %dma_wait3A_327 = tpu.memref_squeeze %dma_wait3A_326 : memref<1x16x1024xf32, #tpu.memory_space<hbm>> -> memref<16x1024xf32, #tpu.memory_space<hbm>>
    %dma_wait3A_328 = arith.constant 0 : i32
    %dma_wait3A_329 = tpu.memref_slice %arg4[%select_n3A, %add3A_250, %dma_wait3A_328] : memref<4x4096x1024xf32, #tpu.memory_space<hbm>> -> memref<1x16x1024xf32, #tpu.memory_space<hbm>>
    %dma_wait3A_330 = tpu.memref_squeeze %dma_wait3A_329 : memref<1x16x1024xf32, #tpu.memory_space<hbm>> -> memref<16x1024xf32, #tpu.memory_space<hbm>>
    tpu.wait_dma2 semaphore(%arg25 : memref<!tpu.dma_semaphore, #tpu.memory_space<semaphore_mem>>) src(%arg11 : memref<16x1024xf32, #tpu.memory_space<vmem>>) dst(%dma_wait3A_330 : memref<16x1024xf32, #tpu.memory_space<hbm>>)
    %dma_start3A_331 = arith.constant 0 : i32
    %dma_start3A_332 = arith.constant 192 : i32
    %dma_start3A_333 = tpu.memref_slice %arg5[%dma_start3A_332] : memref<512xi32, #tpu.memory_space<vmem>> -> memref<16xi32, #tpu.memory_space<vmem>>
    %dma_start3A_334 = arith.constant 0 : i32
    %dma_start3A_335 = arith.constant 0 : i32
    %dma_start3A_336 = tpu.memref_slice %arg3[%dma_start3A_331, %dma_start3A_334, %dma_start3A_335] : memref<1x4098x1024xf32, #tpu.memory_space<hbm>> -> memref<1x4098x1024xf32, #tpu.memory_space<hbm>>
    %dma_start3A_337 = tpu.memref_squeeze %dma_start3A_336 : memref<1x4098x1024xf32, #tpu.memory_space<hbm>> -> memref<4098x1024xf32, #tpu.memory_space<hbm>>
    %dma_start3A_338 = arith.constant 0 : i32
    %dma_start3A_339 = arith.constant 0 : i32
    %dma_start3A_340 = tpu.memref_slice %dma_start3A_337[%dma_start3A_338, %dma_start3A_339] : memref<4098x1024xf32, #tpu.memory_space<hbm>> -> memref<4098x1024xf32, #tpu.memory_space<hbm>>
    tpu.enqueue_indirect_dma source(%dma_start3A_340 : memref<4098x1024xf32, #tpu.memory_space<hbm>>) target(%arg11 : memref<16x1024xf32, #tpu.memory_space<vmem>>) offsets(%dma_start3A_333 : memref<16xi32, #tpu.memory_space<vmem>>) semaphore(%arg18 : memref<!tpu.dma_semaphore, #tpu.memory_space<semaphore_mem>>)
    %dma_wait3A_341 = arith.constant 0 : i32
    %dma_wait3A_342 = arith.constant 128 : i32
    %dma_wait3A_343 = tpu.memref_slice %arg5[%dma_wait3A_342] : memref<512xi32, #tpu.memory_space<vmem>> -> memref<16xi32, #tpu.memory_space<vmem>>
    %dma_wait3A_344 = arith.constant 0 : i32
    %dma_wait3A_345 = arith.constant 0 : i32
    %dma_wait3A_346 = tpu.memref_slice %arg3[%dma_wait3A_341, %dma_wait3A_344, %dma_wait3A_345] : memref<1x4098x1024xf32, #tpu.memory_space<hbm>> -> memref<1x4098x1024xf32, #tpu.memory_space<hbm>>
    %dma_wait3A_347 = tpu.memref_squeeze %dma_wait3A_346 : memref<1x4098x1024xf32, #tpu.memory_space<hbm>> -> memref<4098x1024xf32, #tpu.memory_space<hbm>>
    %dma_wait3A_348 = arith.constant 0 : i32
    %dma_wait3A_349 = arith.constant 0 : i32
    %dma_wait3A_350 = tpu.memref_slice %dma_wait3A_347[%dma_wait3A_348, %dma_wait3A_349] : memref<4098x1024xf32, #tpu.memory_space<hbm>> -> memref<4098x1024xf32, #tpu.memory_space<hbm>>
    tpu.wait_indirect_dma semaphore(%arg14 : memref<!tpu.dma_semaphore, #tpu.memory_space<semaphore_mem>>) src(%dma_wait3A_350 : memref<4098x1024xf32, #tpu.memory_space<hbm>>) dst(%arg7 : memref<16x1024xf32, #tpu.memory_space<vmem>>)
    %add3A_351 = arith.constant 128 : i32
    %add3A_352 = arith.addi %mul3A_32, %add3A_351 : i32
    %dma_start3A_353 = arith.constant 0 : i32
    %dma_start3A_354 = tpu.memref_slice %arg4[%select_n3A, %add3A_352, %dma_start3A_353] : memref<4x4096x1024xf32, #tpu.memory_space<hbm>> -> memref<1x16x1024xf32, #tpu.memory_space<hbm>>
    %dma_start3A_355 = tpu.memref_squeeze %dma_start3A_354 : memref<1x16x1024xf32, #tpu.memory_space<hbm>> -> memref<16x1024xf32, #tpu.memory_space<hbm>>
    %dma_start3A_356 = arith.constant 0 : i32
    %dma_start3A_357 = tpu.memref_slice %arg4[%select_n3A, %add3A_352, %dma_start3A_356] : memref<4x4096x1024xf32, #tpu.memory_space<hbm>> -> memref<1x16x1024xf32, #tpu.memory_space<hbm>>
    %dma_start3A_358 = tpu.memref_squeeze %dma_start3A_357 : memref<1x16x1024xf32, #tpu.memory_space<hbm>> -> memref<16x1024xf32, #tpu.memory_space<hbm>>
    tpu.enqueue_dma source(%arg7 : memref<16x1024xf32, #tpu.memory_space<vmem>>) target(%dma_start3A_358 : memref<16x1024xf32, #tpu.memory_space<hbm>>) target_semaphore(%arg21 : memref<!tpu.dma_semaphore, #tpu.memory_space<semaphore_mem>>)
    %dma_wait3A_359 = arith.constant 0 : i32
    %dma_wait3A_360 = tpu.memref_slice %arg4[%select_n3A, %add3A_284, %dma_wait3A_359] : memref<4x4096x1024xf32, #tpu.memory_space<hbm>> -> memref<1x16x1024xf32, #tpu.memory_space<hbm>>
    %dma_wait3A_361 = tpu.memref_squeeze %dma_wait3A_360 : memref<1x16x1024xf32, #tpu.memory_space<hbm>> -> memref<16x1024xf32, #tpu.memory_space<hbm>>
    %dma_wait3A_362 = arith.constant 0 : i32
    %dma_wait3A_363 = tpu.memref_slice %arg4[%select_n3A, %add3A_284, %dma_wait3A_362] : memref<4x4096x1024xf32, #tpu.memory_space<hbm>> -> memref<1x16x1024xf32, #tpu.memory_space<hbm>>
    %dma_wait3A_364 = tpu.memref_squeeze %dma_wait3A_363 : memref<1x16x1024xf32, #tpu.memory_space<hbm>> -> memref<16x1024xf32, #tpu.memory_space<hbm>>
    tpu.wait_dma2 semaphore(%arg26 : memref<!tpu.dma_semaphore, #tpu.memory_space<semaphore_mem>>) src(%arg12 : memref<16x1024xf32, #tpu.memory_space<vmem>>) dst(%dma_wait3A_364 : memref<16x1024xf32, #tpu.memory_space<hbm>>)
    %dma_start3A_365 = arith.constant 0 : i32
    %dma_start3A_366 = arith.constant 208 : i32
    %dma_start3A_367 = tpu.memref_slice %arg5[%dma_start3A_366] : memref<512xi32, #tpu.memory_space<vmem>> -> memref<16xi32, #tpu.memory_space<vmem>>
    %dma_start3A_368 = arith.constant 0 : i32
    %dma_start3A_369 = arith.constant 0 : i32
    %dma_start3A_370 = tpu.memref_slice %arg3[%dma_start3A_365, %dma_start3A_368, %dma_start3A_369] : memref<1x4098x1024xf32, #tpu.memory_space<hbm>> -> memref<1x4098x1024xf32, #tpu.memory_space<hbm>>
    %dma_start3A_371 = tpu.memref_squeeze %dma_start3A_370 : memref<1x4098x1024xf32, #tpu.memory_space<hbm>> -> memref<4098x1024xf32, #tpu.memory_space<hbm>>
    %dma_start3A_372 = arith.constant 0 : i32
    %dma_start3A_373 = arith.constant 0 : i32
    %dma_start3A_374 = tpu.memref_slice %dma_start3A_371[%dma_start3A_372, %dma_start3A_373] : memref<4098x1024xf32, #tpu.memory_space<hbm>> -> memref<4098x1024xf32, #tpu.memory_space<hbm>>
    tpu.enqueue_indirect_dma source(%dma_start3A_374 : memref<4098x1024xf32, #tpu.memory_space<hbm>>) target(%arg12 : memref<16x1024xf32, #tpu.memory_space<vmem>>) offsets(%dma_start3A_367 : memref<16xi32, #tpu.memory_space<vmem>>) semaphore(%arg19 : memref<!tpu.dma_semaphore, #tpu.memory_space<semaphore_mem>>)
    %dma_wait3A_375 = arith.constant 0 : i32
    %dma_wait3A_376 = arith.constant 144 : i32
    %dma_wait3A_377 = tpu.memref_slice %arg5[%dma_wait3A_376] : memref<512xi32, #tpu.memory_space<vmem>> -> memref<16xi32, #tpu.memory_space<vmem>>
    %dma_wait3A_378 = arith.constant 0 : i32
    %dma_wait3A_379 = arith.constant 0 : i32
    %dma_wait3A_380 = tpu.memref_slice %arg3[%dma_wait3A_375, %dma_wait3A_378, %dma_wait3A_379] : memref<1x4098x1024xf32, #tpu.memory_space<hbm>> -> memref<1x4098x1024xf32, #tpu.memory_space<hbm>>
    %dma_wait3A_381 = tpu.memref_squeeze %dma_wait3A_380 : memref<1x4098x1024xf32, #tpu.memory_space<hbm>> -> memref<4098x1024xf32, #tpu.memory_space<hbm>>
    %dma_wait3A_382 = arith.constant 0 : i32
    %dma_wait3A_383 = arith.constant 0 : i32
    %dma_wait3A_384 = tpu.memref_slice %dma_wait3A_381[%dma_wait3A_382, %dma_wait3A_383] : memref<4098x1024xf32, #tpu.memory_space<hbm>> -> memref<4098x1024xf32, #tpu.memory_space<hbm>>
    tpu.wait_indirect_dma semaphore(%arg15 : memref<!tpu.dma_semaphore, #tpu.memory_space<semaphore_mem>>) src(%dma_wait3A_384 : memref<4098x1024xf32, #tpu.memory_space<hbm>>) dst(%arg8 : memref<16x1024xf32, #tpu.memory_space<vmem>>)
    %add3A_385 = arith.constant 144 : i32
    %add3A_386 = arith.addi %mul3A_32, %add3A_385 : i32
    %dma_start3A_387 = arith.constant 0 : i32
    %dma_start3A_388 = tpu.memref_slice %arg4[%select_n3A, %add3A_386, %dma_start3A_387] : memref<4x4096x1024xf32, #tpu.memory_space<hbm>> -> memref<1x16x1024xf32, #tpu.memory_space<hbm>>
    %dma_start3A_389 = tpu.memref_squeeze %dma_start3A_388 : memref<1x16x1024xf32, #tpu.memory_space<hbm>> -> memref<16x1024xf32, #tpu.memory_space<hbm>>
    %dma_start3A_390 = arith.constant 0 : i32
    %dma_start3A_391 = tpu.memref_slice %arg4[%select_n3A, %add3A_386, %dma_start3A_390] : memref<4x4096x1024xf32, #tpu.memory_space<hbm>> -> memref<1x16x1024xf32, #tpu.memory_space<hbm>>
    %dma_start3A_392 = tpu.memref_squeeze %dma_start3A_391 : memref<1x16x1024xf32, #tpu.memory_space<hbm>> -> memref<16x1024xf32, #tpu.memory_space<hbm>>
    tpu.enqueue_dma source(%arg8 : memref<16x1024xf32, #tpu.memory_space<vmem>>) target(%dma_start3A_392 : memref<16x1024xf32, #tpu.memory_space<hbm>>) target_semaphore(%arg22 : memref<!tpu.dma_semaphore, #tpu.memory_space<semaphore_mem>>)
    %dma_wait3A_393 = arith.constant 0 : i32
    %dma_wait3A_394 = tpu.memref_slice %arg4[%select_n3A, %add3A_318, %dma_wait3A_393] : memref<4x4096x1024xf32, #tpu.memory_space<hbm>> -> memref<1x16x1024xf32, #tpu.memory_space<hbm>>
    %dma_wait3A_395 = tpu.memref_squeeze %dma_wait3A_394 : memref<1x16x1024xf32, #tpu.memory_space<hbm>> -> memref<16x1024xf32, #tpu.memory_space<hbm>>
    %dma_wait3A_396 = arith.constant 0 : i32
    %dma_wait3A_397 = tpu.memref_slice %arg4[%select_n3A, %add3A_318, %dma_wait3A_396] : memref<4x4096x1024xf32, #tpu.memory_space<hbm>> -> memref<1x16x1024xf32, #tpu.memory_space<hbm>>
    %dma_wait3A_398 = tpu.memref_squeeze %dma_wait3A_397 : memref<1x16x1024xf32, #tpu.memory_space<hbm>> -> memref<16x1024xf32, #tpu.memory_space<hbm>>
    tpu.wait_dma2 semaphore(%arg20 : memref<!tpu.dma_semaphore, #tpu.memory_space<semaphore_mem>>) src(%arg6 : memref<16x1024xf32, #tpu.memory_space<vmem>>) dst(%dma_wait3A_398 : memref<16x1024xf32, #tpu.memory_space<hbm>>)
    %dma_start3A_399 = arith.constant 0 : i32
    %dma_start3A_400 = arith.constant 224 : i32
    %dma_start3A_401 = tpu.memref_slice %arg5[%dma_start3A_400] : memref<512xi32, #tpu.memory_space<vmem>> -> memref<16xi32, #tpu.memory_space<vmem>>
    %dma_start3A_402 = arith.constant 0 : i32
    %dma_start3A_403 = arith.constant 0 : i32
    %dma_start3A_404 = tpu.memref_slice %arg3[%dma_start3A_399, %dma_start3A_402, %dma_start3A_403] : memref<1x4098x1024xf32, #tpu.memory_space<hbm>> -> memref<1x4098x1024xf32, #tpu.memory_space<hbm>>
    %dma_start3A_405 = tpu.memref_squeeze %dma_start3A_404 : memref<1x4098x1024xf32, #tpu.memory_space<hbm>> -> memref<4098x1024xf32, #tpu.memory_space<hbm>>
    %dma_start3A_406 = arith.constant 0 : i32
    %dma_start3A_407 = arith.constant 0 : i32
    %dma_start3A_408 = tpu.memref_slice %dma_start3A_405[%dma_start3A_406, %dma_start3A_407] : memref<4098x1024xf32, #tpu.memory_space<hbm>> -> memref<4098x1024xf32, #tpu.memory_space<hbm>>
    tpu.enqueue_indirect_dma source(%dma_start3A_408 : memref<4098x1024xf32, #tpu.memory_space<hbm>>) target(%arg6 : memref<16x1024xf32, #tpu.memory_space<vmem>>) offsets(%dma_start3A_401 : memref<16xi32, #tpu.memory_space<vmem>>) semaphore(%arg13 : memref<!tpu.dma_semaphore, #tpu.memory_space<semaphore_mem>>)
    %dma_wait3A_409 = arith.constant 0 : i32
    %dma_wait3A_410 = arith.constant 160 : i32
    %dma_wait3A_411 = tpu.memref_slice %arg5[%dma_wait3A_410] : memref<512xi32, #tpu.memory_space<vmem>> -> memref<16xi32, #tpu.memory_space<vmem>>
    %dma_wait3A_412 = arith.constant 0 : i32
    %dma_wait3A_413 = arith.constant 0 : i32
    %dma_wait3A_414 = tpu.memref_slice %arg3[%dma_wait3A_409, %dma_wait3A_412, %dma_wait3A_413] : memref<1x4098x1024xf32, #tpu.memory_space<hbm>> -> memref<1x4098x1024xf32, #tpu.memory_space<hbm>>
    %dma_wait3A_415 = tpu.memref_squeeze %dma_wait3A_414 : memref<1x4098x1024xf32, #tpu.memory_space<hbm>> -> memref<4098x1024xf32, #tpu.memory_space<hbm>>
    %dma_wait3A_416 = arith.constant 0 : i32
    %dma_wait3A_417 = arith.constant 0 : i32
    %dma_wait3A_418 = tpu.memref_slice %dma_wait3A_415[%dma_wait3A_416, %dma_wait3A_417] : memref<4098x1024xf32, #tpu.memory_space<hbm>> -> memref<4098x1024xf32, #tpu.memory_space<hbm>>
    tpu.wait_indirect_dma semaphore(%arg16 : memref<!tpu.dma_semaphore, #tpu.memory_space<semaphore_mem>>) src(%dma_wait3A_418 : memref<4098x1024xf32, #tpu.memory_space<hbm>>) dst(%arg9 : memref<16x1024xf32, #tpu.memory_space<vmem>>)
    %add3A_419 = arith.constant 160 : i32
    %add3A_420 = arith.addi %mul3A_32, %add3A_419 : i32
    %dma_start3A_421 = arith.constant 0 : i32
    %dma_start3A_422 = tpu.memref_slice %arg4[%select_n3A, %add3A_420, %dma_start3A_421] : memref<4x4096x1024xf32, #tpu.memory_space<hbm>> -> memref<1x16x1024xf32, #tpu.memory_space<hbm>>
    %dma_start3A_423 = tpu.memref_squeeze %dma_start3A_422 : memref<1x16x1024xf32, #tpu.memory_space<hbm>> -> memref<16x1024xf32, #tpu.memory_space<hbm>>
    %dma_start3A_424 = arith.constant 0 : i32
    %dma_start3A_425 = tpu.memref_slice %arg4[%select_n3A, %add3A_420, %dma_start3A_424] : memref<4x4096x1024xf32, #tpu.memory_space<hbm>> -> memref<1x16x1024xf32, #tpu.memory_space<hbm>>
    %dma_start3A_426 = tpu.memref_squeeze %dma_start3A_425 : memref<1x16x1024xf32, #tpu.memory_space<hbm>> -> memref<16x1024xf32, #tpu.memory_space<hbm>>
    tpu.enqueue_dma source(%arg9 : memref<16x1024xf32, #tpu.memory_space<vmem>>) target(%dma_start3A_426 : memref<16x1024xf32, #tpu.memory_space<hbm>>) target_semaphore(%arg23 : memref<!tpu.dma_semaphore, #tpu.memory_space<semaphore_mem>>)
    %dma_wait3A_427 = arith.constant 0 : i32
    %dma_wait3A_428 = tpu.memref_slice %arg4[%select_n3A, %add3A_352, %dma_wait3A_427] : memref<4x4096x1024xf32, #tpu.memory_space<hbm>> -> memref<1x16x1024xf32, #tpu.memory_space<hbm>>
    %dma_wait3A_429 = tpu.memref_squeeze %dma_wait3A_428 : memref<1x16x1024xf32, #tpu.memory_space<hbm>> -> memref<16x1024xf32, #tpu.memory_space<hbm>>
    %dma_wait3A_430 = arith.constant 0 : i32
    %dma_wait3A_431 = tpu.memref_slice %arg4[%select_n3A, %add3A_352, %dma_wait3A_430] : memref<4x4096x1024xf32, #tpu.memory_space<hbm>> -> memref<1x16x1024xf32, #tpu.memory_space<hbm>>
    %dma_wait3A_432 = tpu.memref_squeeze %dma_wait3A_431 : memref<1x16x1024xf32, #tpu.memory_space<hbm>> -> memref<16x1024xf32, #tpu.memory_space<hbm>>
    tpu.wait_dma2 semaphore(%arg21 : memref<!tpu.dma_semaphore, #tpu.memory_space<semaphore_mem>>) src(%arg7 : memref<16x1024xf32, #tpu.memory_space<vmem>>) dst(%dma_wait3A_432 : memref<16x1024xf32, #tpu.memory_space<hbm>>)
    %dma_start3A_433 = arith.constant 0 : i32
    %dma_start3A_434 = arith.constant 240 : i32
    %dma_start3A_435 = tpu.memref_slice %arg5[%dma_start3A_434] : memref<512xi32, #tpu.memory_space<vmem>> -> memref<16xi32, #tpu.memory_space<vmem>>
    %dma_start3A_436 = arith.constant 0 : i32
    %dma_start3A_437 = arith.constant 0 : i32
    %dma_start3A_438 = tpu.memref_slice %arg3[%dma_start3A_433, %dma_start3A_436, %dma_start3A_437] : memref<1x4098x1024xf32, #tpu.memory_space<hbm>> -> memref<1x4098x1024xf32, #tpu.memory_space<hbm>>
    %dma_start3A_439 = tpu.memref_squeeze %dma_start3A_438 : memref<1x4098x1024xf32, #tpu.memory_space<hbm>> -> memref<4098x1024xf32, #tpu.memory_space<hbm>>
    %dma_start3A_440 = arith.constant 0 : i32
    %dma_start3A_441 = arith.constant 0 : i32
    %dma_start3A_442 = tpu.memref_slice %dma_start3A_439[%dma_start3A_440, %dma_start3A_441] : memref<4098x1024xf32, #tpu.memory_space<hbm>> -> memref<4098x1024xf32, #tpu.memory_space<hbm>>
    tpu.enqueue_indirect_dma source(%dma_start3A_442 : memref<4098x1024xf32, #tpu.memory_space<hbm>>) target(%arg7 : memref<16x1024xf32, #tpu.memory_space<vmem>>) offsets(%dma_start3A_435 : memref<16xi32, #tpu.memory_space<vmem>>) semaphore(%arg14 : memref<!tpu.dma_semaphore, #tpu.memory_space<semaphore_mem>>)
    %dma_wait3A_443 = arith.constant 0 : i32
    %dma_wait3A_444 = arith.constant 176 : i32
    %dma_wait3A_445 = tpu.memref_slice %arg5[%dma_wait3A_444] : memref<512xi32, #tpu.memory_space<vmem>> -> memref<16xi32, #tpu.memory_space<vmem>>
    %dma_wait3A_446 = arith.constant 0 : i32
    %dma_wait3A_447 = arith.constant 0 : i32
    %dma_wait3A_448 = tpu.memref_slice %arg3[%dma_wait3A_443, %dma_wait3A_446, %dma_wait3A_447] : memref<1x4098x1024xf32, #tpu.memory_space<hbm>> -> memref<1x4098x1024xf32, #tpu.memory_space<hbm>>
    %dma_wait3A_449 = tpu.memref_squeeze %dma_wait3A_448 : memref<1x4098x1024xf32, #tpu.memory_space<hbm>> -> memref<4098x1024xf32, #tpu.memory_space<hbm>>
    %dma_wait3A_450 = arith.constant 0 : i32
    %dma_wait3A_451 = arith.constant 0 : i32
    %dma_wait3A_452 = tpu.memref_slice %dma_wait3A_449[%dma_wait3A_450, %dma_wait3A_451] : memref<4098x1024xf32, #tpu.memory_space<hbm>> -> memref<4098x1024xf32, #tpu.memory_space<hbm>>
    tpu.wait_indirect_dma semaphore(%arg17 : memref<!tpu.dma_semaphore, #tpu.memory_space<semaphore_mem>>) src(%dma_wait3A_452 : memref<4098x1024xf32, #tpu.memory_space<hbm>>) dst(%arg10 : memref<16x1024xf32, #tpu.memory_space<vmem>>)
    %add3A_453 = arith.constant 176 : i32
    %add3A_454 = arith.addi %mul3A_32, %add3A_453 : i32
    %dma_start3A_455 = arith.constant 0 : i32
    %dma_start3A_456 = tpu.memref_slice %arg4[%select_n3A, %add3A_454, %dma_start3A_455] : memref<4x4096x1024xf32, #tpu.memory_space<hbm>> -> memref<1x16x1024xf32, #tpu.memory_space<hbm>>
    %dma_start3A_457 = tpu.memref_squeeze %dma_start3A_456 : memref<1x16x1024xf32, #tpu.memory_space<hbm>> -> memref<16x1024xf32, #tpu.memory_space<hbm>>
    %dma_start3A_458 = arith.constant 0 : i32
    %dma_start3A_459 = tpu.memref_slice %arg4[%select_n3A, %add3A_454, %dma_start3A_458] : memref<4x4096x1024xf32, #tpu.memory_space<hbm>> -> memref<1x16x1024xf32, #tpu.memory_space<hbm>>
    %dma_start3A_460 = tpu.memref_squeeze %dma_start3A_459 : memref<1x16x1024xf32, #tpu.memory_space<hbm>> -> memref<16x1024xf32, #tpu.memory_space<hbm>>
    tpu.enqueue_dma source(%arg10 : memref<16x1024xf32, #tpu.memory_space<vmem>>) target(%dma_start3A_460 : memref<16x1024xf32, #tpu.memory_space<hbm>>) target_semaphore(%arg24 : memref<!tpu.dma_semaphore, #tpu.memory_space<semaphore_mem>>)
    %dma_wait3A_461 = arith.constant 0 : i32
    %dma_wait3A_462 = tpu.memref_slice %arg4[%select_n3A, %add3A_386, %dma_wait3A_461] : memref<4x4096x1024xf32, #tpu.memory_space<hbm>> -> memref<1x16x1024xf32, #tpu.memory_space<hbm>>
    %dma_wait3A_463 = tpu.memref_squeeze %dma_wait3A_462 : memref<1x16x1024xf32, #tpu.memory_space<hbm>> -> memref<16x1024xf32, #tpu.memory_space<hbm>>
    %dma_wait3A_464 = arith.constant 0 : i32
    %dma_wait3A_465 = tpu.memref_slice %arg4[%select_n3A, %add3A_386, %dma_wait3A_464] : memref<4x4096x1024xf32, #tpu.memory_space<hbm>> -> memref<1x16x1024xf32, #tpu.memory_space<hbm>>
    %dma_wait3A_466 = tpu.memref_squeeze %dma_wait3A_465 : memref<1x16x1024xf32, #tpu.memory_space<hbm>> -> memref<16x1024xf32, #tpu.memory_space<hbm>>
    tpu.wait_dma2 semaphore(%arg22 : memref<!tpu.dma_semaphore, #tpu.memory_space<semaphore_mem>>) src(%arg8 : memref<16x1024xf32, #tpu.memory_space<vmem>>) dst(%dma_wait3A_466 : memref<16x1024xf32, #tpu.memory_space<hbm>>)
    %dma_start3A_467 = arith.constant 0 : i32
    %dma_start3A_468 = arith.constant 256 : i32
    %dma_start3A_469 = tpu.memref_slice %arg5[%dma_start3A_468] : memref<512xi32, #tpu.memory_space<vmem>> -> memref<16xi32, #tpu.memory_space<vmem>>
    %dma_start3A_470 = arith.constant 0 : i32
    %dma_start3A_471 = arith.constant 0 : i32
    %dma_start3A_472 = tpu.memref_slice %arg3[%dma_start3A_467, %dma_start3A_470, %dma_start3A_471] : memref<1x4098x1024xf32, #tpu.memory_space<hbm>> -> memref<1x4098x1024xf32, #tpu.memory_space<hbm>>
    %dma_start3A_473 = tpu.memref_squeeze %dma_start3A_472 : memref<1x4098x1024xf32, #tpu.memory_space<hbm>> -> memref<4098x1024xf32, #tpu.memory_space<hbm>>
    %dma_start3A_474 = arith.constant 0 : i32
    %dma_start3A_475 = arith.constant 0 : i32
    %dma_start3A_476 = tpu.memref_slice %dma_start3A_473[%dma_start3A_474, %dma_start3A_475] : memref<4098x1024xf32, #tpu.memory_space<hbm>> -> memref<4098x1024xf32, #tpu.memory_space<hbm>>
    tpu.enqueue_indirect_dma source(%dma_start3A_476 : memref<4098x1024xf32, #tpu.memory_space<hbm>>) target(%arg8 : memref<16x1024xf32, #tpu.memory_space<vmem>>) offsets(%dma_start3A_469 : memref<16xi32, #tpu.memory_space<vmem>>) semaphore(%arg15 : memref<!tpu.dma_semaphore, #tpu.memory_space<semaphore_mem>>)
    %dma_wait3A_477 = arith.constant 0 : i32
    %dma_wait3A_478 = arith.constant 192 : i32
    %dma_wait3A_479 = tpu.memref_slice %arg5[%dma_wait3A_478] : memref<512xi32, #tpu.memory_space<vmem>> -> memref<16xi32, #tpu.memory_space<vmem>>
    %dma_wait3A_480 = arith.constant 0 : i32
    %dma_wait3A_481 = arith.constant 0 : i32
    %dma_wait3A_482 = tpu.memref_slice %arg3[%dma_wait3A_477, %dma_wait3A_480, %dma_wait3A_481] : memref<1x4098x1024xf32, #tpu.memory_space<hbm>> -> memref<1x4098x1024xf32, #tpu.memory_space<hbm>>
    %dma_wait3A_483 = tpu.memref_squeeze %dma_wait3A_482 : memref<1x4098x1024xf32, #tpu.memory_space<hbm>> -> memref<4098x1024xf32, #tpu.memory_space<hbm>>
    %dma_wait3A_484 = arith.constant 0 : i32
    %dma_wait3A_485 = arith.constant 0 : i32
    %dma_wait3A_486 = tpu.memref_slice %dma_wait3A_483[%dma_wait3A_484, %dma_wait3A_485] : memref<4098x1024xf32, #tpu.memory_space<hbm>> -> memref<4098x1024xf32, #tpu.memory_space<hbm>>
    tpu.wait_indirect_dma semaphore(%arg18 : memref<!tpu.dma_semaphore, #tpu.memory_space<semaphore_mem>>) src(%dma_wait3A_486 : memref<4098x1024xf32, #tpu.memory_space<hbm>>) dst(%arg11 : memref<16x1024xf32, #tpu.memory_space<vmem>>)
    %add3A_487 = arith.constant 192 : i32
    %add3A_488 = arith.addi %mul3A_32, %add3A_487 : i32
    %dma_start3A_489 = arith.constant 0 : i32
    %dma_start3A_490 = tpu.memref_slice %arg4[%select_n3A, %add3A_488, %dma_start3A_489] : memref<4x4096x1024xf32, #tpu.memory_space<hbm>> -> memref<1x16x1024xf32, #tpu.memory_space<hbm>>
    %dma_start3A_491 = tpu.memref_squeeze %dma_start3A_490 : memref<1x16x1024xf32, #tpu.memory_space<hbm>> -> memref<16x1024xf32, #tpu.memory_space<hbm>>
    %dma_start3A_492 = arith.constant 0 : i32
    %dma_start3A_493 = tpu.memref_slice %arg4[%select_n3A, %add3A_488, %dma_start3A_492] : memref<4x4096x1024xf32, #tpu.memory_space<hbm>> -> memref<1x16x1024xf32, #tpu.memory_space<hbm>>
    %dma_start3A_494 = tpu.memref_squeeze %dma_start3A_493 : memref<1x16x1024xf32, #tpu.memory_space<hbm>> -> memref<16x1024xf32, #tpu.memory_space<hbm>>
    tpu.enqueue_dma source(%arg11 : memref<16x1024xf32, #tpu.memory_space<vmem>>) target(%dma_start3A_494 : memref<16x1024xf32, #tpu.memory_space<hbm>>) target_semaphore(%arg25 : memref<!tpu.dma_semaphore, #tpu.memory_space<semaphore_mem>>)
    %dma_wait3A_495 = arith.constant 0 : i32
    %dma_wait3A_496 = tpu.memref_slice %arg4[%select_n3A, %add3A_420, %dma_wait3A_495] : memref<4x4096x1024xf32, #tpu.memory_space<hbm>> -> memref<1x16x1024xf32, #tpu.memory_space<hbm>>
    %dma_wait3A_497 = tpu.memref_squeeze %dma_wait3A_496 : memref<1x16x1024xf32, #tpu.memory_space<hbm>> -> memref<16x1024xf32, #tpu.memory_space<hbm>>
    %dma_wait3A_498 = arith.constant 0 : i32
    %dma_wait3A_499 = tpu.memref_slice %arg4[%select_n3A, %add3A_420, %dma_wait3A_498] : memref<4x4096x1024xf32, #tpu.memory_space<hbm>> -> memref<1x16x1024xf32, #tpu.memory_space<hbm>>
    %dma_wait3A_500 = tpu.memref_squeeze %dma_wait3A_499 : memref<1x16x1024xf32, #tpu.memory_space<hbm>> -> memref<16x1024xf32, #tpu.memory_space<hbm>>
    tpu.wait_dma2 semaphore(%arg23 : memref<!tpu.dma_semaphore, #tpu.memory_space<semaphore_mem>>) src(%arg9 : memref<16x1024xf32, #tpu.memory_space<vmem>>) dst(%dma_wait3A_500 : memref<16x1024xf32, #tpu.memory_space<hbm>>)
    %dma_start3A_501 = arith.constant 0 : i32
    %dma_start3A_502 = arith.constant 272 : i32
    %dma_start3A_503 = tpu.memref_slice %arg5[%dma_start3A_502] : memref<512xi32, #tpu.memory_space<vmem>> -> memref<16xi32, #tpu.memory_space<vmem>>
    %dma_start3A_504 = arith.constant 0 : i32
    %dma_start3A_505 = arith.constant 0 : i32
    %dma_start3A_506 = tpu.memref_slice %arg3[%dma_start3A_501, %dma_start3A_504, %dma_start3A_505] : memref<1x4098x1024xf32, #tpu.memory_space<hbm>> -> memref<1x4098x1024xf32, #tpu.memory_space<hbm>>
    %dma_start3A_507 = tpu.memref_squeeze %dma_start3A_506 : memref<1x4098x1024xf32, #tpu.memory_space<hbm>> -> memref<4098x1024xf32, #tpu.memory_space<hbm>>
    %dma_start3A_508 = arith.constant 0 : i32
    %dma_start3A_509 = arith.constant 0 : i32
    %dma_start3A_510 = tpu.memref_slice %dma_start3A_507[%dma_start3A_508, %dma_start3A_509] : memref<4098x1024xf32, #tpu.memory_space<hbm>> -> memref<4098x1024xf32, #tpu.memory_space<hbm>>
    tpu.enqueue_indirect_dma source(%dma_start3A_510 : memref<4098x1024xf32, #tpu.memory_space<hbm>>) target(%arg9 : memref<16x1024xf32, #tpu.memory_space<vmem>>) offsets(%dma_start3A_503 : memref<16xi32, #tpu.memory_space<vmem>>) semaphore(%arg16 : memref<!tpu.dma_semaphore, #tpu.memory_space<semaphore_mem>>)
    %dma_wait3A_511 = arith.constant 0 : i32
    %dma_wait3A_512 = arith.constant 208 : i32
    %dma_wait3A_513 = tpu.memref_slice %arg5[%dma_wait3A_512] : memref<512xi32, #tpu.memory_space<vmem>> -> memref<16xi32, #tpu.memory_space<vmem>>
    %dma_wait3A_514 = arith.constant 0 : i32
    %dma_wait3A_515 = arith.constant 0 : i32
    %dma_wait3A_516 = tpu.memref_slice %arg3[%dma_wait3A_511, %dma_wait3A_514, %dma_wait3A_515] : memref<1x4098x1024xf32, #tpu.memory_space<hbm>> -> memref<1x4098x1024xf32, #tpu.memory_space<hbm>>
    %dma_wait3A_517 = tpu.memref_squeeze %dma_wait3A_516 : memref<1x4098x1024xf32, #tpu.memory_space<hbm>> -> memref<4098x1024xf32, #tpu.memory_space<hbm>>
    %dma_wait3A_518 = arith.constant 0 : i32
    %dma_wait3A_519 = arith.constant 0 : i32
    %dma_wait3A_520 = tpu.memref_slice %dma_wait3A_517[%dma_wait3A_518, %dma_wait3A_519] : memref<4098x1024xf32, #tpu.memory_space<hbm>> -> memref<4098x1024xf32, #tpu.memory_space<hbm>>
    tpu.wait_indirect_dma semaphore(%arg19 : memref<!tpu.dma_semaphore, #tpu.memory_space<semaphore_mem>>) src(%dma_wait3A_520 : memref<4098x1024xf32, #tpu.memory_space<hbm>>) dst(%arg12 : memref<16x1024xf32, #tpu.memory_space<vmem>>)
    %add3A_521 = arith.constant 208 : i32
    %add3A_522 = arith.addi %mul3A_32, %add3A_521 : i32
    %dma_start3A_523 = arith.constant 0 : i32
    %dma_start3A_524 = tpu.memref_slice %arg4[%select_n3A, %add3A_522, %dma_start3A_523] : memref<4x4096x1024xf32, #tpu.memory_space<hbm>> -> memref<1x16x1024xf32, #tpu.memory_space<hbm>>
    %dma_start3A_525 = tpu.memref_squeeze %dma_start3A_524 : memref<1x16x1024xf32, #tpu.memory_space<hbm>> -> memref<16x1024xf32, #tpu.memory_space<hbm>>
    %dma_start3A_526 = arith.constant 0 : i32
    %dma_start3A_527 = tpu.memref_slice %arg4[%select_n3A, %add3A_522, %dma_start3A_526] : memref<4x4096x1024xf32, #tpu.memory_space<hbm>> -> memref<1x16x1024xf32, #tpu.memory_space<hbm>>
    %dma_start3A_528 = tpu.memref_squeeze %dma_start3A_527 : memref<1x16x1024xf32, #tpu.memory_space<hbm>> -> memref<16x1024xf32, #tpu.memory_space<hbm>>
    tpu.enqueue_dma source(%arg12 : memref<16x1024xf32, #tpu.memory_space<vmem>>) target(%dma_start3A_528 : memref<16x1024xf32, #tpu.memory_space<hbm>>) target_semaphore(%arg26 : memref<!tpu.dma_semaphore, #tpu.memory_space<semaphore_mem>>)
    %dma_wait3A_529 = arith.constant 0 : i32
    %dma_wait3A_530 = tpu.memref_slice %arg4[%select_n3A, %add3A_454, %dma_wait3A_529] : memref<4x4096x1024xf32, #tpu.memory_space<hbm>> -> memref<1x16x1024xf32, #tpu.memory_space<hbm>>
    %dma_wait3A_531 = tpu.memref_squeeze %dma_wait3A_530 : memref<1x16x1024xf32, #tpu.memory_space<hbm>> -> memref<16x1024xf32, #tpu.memory_space<hbm>>
    %dma_wait3A_532 = arith.constant 0 : i32
    %dma_wait3A_533 = tpu.memref_slice %arg4[%select_n3A, %add3A_454, %dma_wait3A_532] : memref<4x4096x1024xf32, #tpu.memory_space<hbm>> -> memref<1x16x1024xf32, #tpu.memory_space<hbm>>
    %dma_wait3A_534 = tpu.memref_squeeze %dma_wait3A_533 : memref<1x16x1024xf32, #tpu.memory_space<hbm>> -> memref<16x1024xf32, #tpu.memory_space<hbm>>
    tpu.wait_dma2 semaphore(%arg24 : memref<!tpu.dma_semaphore, #tpu.memory_space<semaphore_mem>>) src(%arg10 : memref<16x1024xf32, #tpu.memory_space<vmem>>) dst(%dma_wait3A_534 : memref<16x1024xf32, #tpu.memory_space<hbm>>)
    %dma_start3A_535 = arith.constant 0 : i32
    %dma_start3A_536 = arith.constant 288 : i32
    %dma_start3A_537 = tpu.memref_slice %arg5[%dma_start3A_536] : memref<512xi32, #tpu.memory_space<vmem>> -> memref<16xi32, #tpu.memory_space<vmem>>
    %dma_start3A_538 = arith.constant 0 : i32
    %dma_start3A_539 = arith.constant 0 : i32
    %dma_start3A_540 = tpu.memref_slice %arg3[%dma_start3A_535, %dma_start3A_538, %dma_start3A_539] : memref<1x4098x1024xf32, #tpu.memory_space<hbm>> -> memref<1x4098x1024xf32, #tpu.memory_space<hbm>>
    %dma_start3A_541 = tpu.memref_squeeze %dma_start3A_540 : memref<1x4098x1024xf32, #tpu.memory_space<hbm>> -> memref<4098x1024xf32, #tpu.memory_space<hbm>>
    %dma_start3A_542 = arith.constant 0 : i32
    %dma_start3A_543 = arith.constant 0 : i32
    %dma_start3A_544 = tpu.memref_slice %dma_start3A_541[%dma_start3A_542, %dma_start3A_543] : memref<4098x1024xf32, #tpu.memory_space<hbm>> -> memref<4098x1024xf32, #tpu.memory_space<hbm>>
    tpu.enqueue_indirect_dma source(%dma_start3A_544 : memref<4098x1024xf32, #tpu.memory_space<hbm>>) target(%arg10 : memref<16x1024xf32, #tpu.memory_space<vmem>>) offsets(%dma_start3A_537 : memref<16xi32, #tpu.memory_space<vmem>>) semaphore(%arg17 : memref<!tpu.dma_semaphore, #tpu.memory_space<semaphore_mem>>)
    %dma_wait3A_545 = arith.constant 0 : i32
    %dma_wait3A_546 = arith.constant 224 : i32
    %dma_wait3A_547 = tpu.memref_slice %arg5[%dma_wait3A_546] : memref<512xi32, #tpu.memory_space<vmem>> -> memref<16xi32, #tpu.memory_space<vmem>>
    %dma_wait3A_548 = arith.constant 0 : i32
    %dma_wait3A_549 = arith.constant 0 : i32
    %dma_wait3A_550 = tpu.memref_slice %arg3[%dma_wait3A_545, %dma_wait3A_548, %dma_wait3A_549] : memref<1x4098x1024xf32, #tpu.memory_space<hbm>> -> memref<1x4098x1024xf32, #tpu.memory_space<hbm>>
    %dma_wait3A_551 = tpu.memref_squeeze %dma_wait3A_550 : memref<1x4098x1024xf32, #tpu.memory_space<hbm>> -> memref<4098x1024xf32, #tpu.memory_space<hbm>>
    %dma_wait3A_552 = arith.constant 0 : i32
    %dma_wait3A_553 = arith.constant 0 : i32
    %dma_wait3A_554 = tpu.memref_slice %dma_wait3A_551[%dma_wait3A_552, %dma_wait3A_553] : memref<4098x1024xf32, #tpu.memory_space<hbm>> -> memref<4098x1024xf32, #tpu.memory_space<hbm>>
    tpu.wait_indirect_dma semaphore(%arg13 : memref<!tpu.dma_semaphore, #tpu.memory_space<semaphore_mem>>) src(%dma_wait3A_554 : memref<4098x1024xf32, #tpu.memory_space<hbm>>) dst(%arg6 : memref<16x1024xf32, #tpu.memory_space<vmem>>)
    %add3A_555 = arith.constant 224 : i32
    %add3A_556 = arith.addi %mul3A_32, %add3A_555 : i32
    %dma_start3A_557 = arith.constant 0 : i32
    %dma_start3A_558 = tpu.memref_slice %arg4[%select_n3A, %add3A_556, %dma_start3A_557] : memref<4x4096x1024xf32, #tpu.memory_space<hbm>> -> memref<1x16x1024xf32, #tpu.memory_space<hbm>>
    %dma_start3A_559 = tpu.memref_squeeze %dma_start3A_558 : memref<1x16x1024xf32, #tpu.memory_space<hbm>> -> memref<16x1024xf32, #tpu.memory_space<hbm>>
    %dma_start3A_560 = arith.constant 0 : i32
    %dma_start3A_561 = tpu.memref_slice %arg4[%select_n3A, %add3A_556, %dma_start3A_560] : memref<4x4096x1024xf32, #tpu.memory_space<hbm>> -> memref<1x16x1024xf32, #tpu.memory_space<hbm>>
    %dma_start3A_562 = tpu.memref_squeeze %dma_start3A_561 : memref<1x16x1024xf32, #tpu.memory_space<hbm>> -> memref<16x1024xf32, #tpu.memory_space<hbm>>
    tpu.enqueue_dma source(%arg6 : memref<16x1024xf32, #tpu.memory_space<vmem>>) target(%dma_start3A_562 : memref<16x1024xf32, #tpu.memory_space<hbm>>) target_semaphore(%arg20 : memref<!tpu.dma_semaphore, #tpu.memory_space<semaphore_mem>>)
    %dma_wait3A_563 = arith.constant 0 : i32
    %dma_wait3A_564 = tpu.memref_slice %arg4[%select_n3A, %add3A_488, %dma_wait3A_563] : memref<4x4096x1024xf32, #tpu.memory_space<hbm>> -> memref<1x16x1024xf32, #tpu.memory_space<hbm>>
    %dma_wait3A_565 = tpu.memref_squeeze %dma_wait3A_564 : memref<1x16x1024xf32, #tpu.memory_space<hbm>> -> memref<16x1024xf32, #tpu.memory_space<hbm>>
    %dma_wait3A_566 = arith.constant 0 : i32
    %dma_wait3A_567 = tpu.memref_slice %arg4[%select_n3A, %add3A_488, %dma_wait3A_566] : memref<4x4096x1024xf32, #tpu.memory_space<hbm>> -> memref<1x16x1024xf32, #tpu.memory_space<hbm>>
    %dma_wait3A_568 = tpu.memref_squeeze %dma_wait3A_567 : memref<1x16x1024xf32, #tpu.memory_space<hbm>> -> memref<16x1024xf32, #tpu.memory_space<hbm>>
    tpu.wait_dma2 semaphore(%arg25 : memref<!tpu.dma_semaphore, #tpu.memory_space<semaphore_mem>>) src(%arg11 : memref<16x1024xf32, #tpu.memory_space<vmem>>) dst(%dma_wait3A_568 : memref<16x1024xf32, #tpu.memory_space<hbm>>)
    %dma_start3A_569 = arith.constant 0 : i32
    %dma_start3A_570 = arith.constant 304 : i32
    %dma_start3A_571 = tpu.memref_slice %arg5[%dma_start3A_570] : memref<512xi32, #tpu.memory_space<vmem>> -> memref<16xi32, #tpu.memory_space<vmem>>
    %dma_start3A_572 = arith.constant 0 : i32
    %dma_start3A_573 = arith.constant 0 : i32
    %dma_start3A_574 = tpu.memref_slice %arg3[%dma_start3A_569, %dma_start3A_572, %dma_start3A_573] : memref<1x4098x1024xf32, #tpu.memory_space<hbm>> -> memref<1x4098x1024xf32, #tpu.memory_space<hbm>>
    %dma_start3A_575 = tpu.memref_squeeze %dma_start3A_574 : memref<1x4098x1024xf32, #tpu.memory_space<hbm>> -> memref<4098x1024xf32, #tpu.memory_space<hbm>>
    %dma_start3A_576 = arith.constant 0 : i32
    %dma_start3A_577 = arith.constant 0 : i32
    %dma_start3A_578 = tpu.memref_slice %dma_start3A_575[%dma_start3A_576, %dma_start3A_577] : memref<4098x1024xf32, #tpu.memory_space<hbm>> -> memref<4098x1024xf32, #tpu.memory_space<hbm>>
    tpu.enqueue_indirect_dma source(%dma_start3A_578 : memref<4098x1024xf32, #tpu.memory_space<hbm>>) target(%arg11 : memref<16x1024xf32, #tpu.memory_space<vmem>>) offsets(%dma_start3A_571 : memref<16xi32, #tpu.memory_space<vmem>>) semaphore(%arg18 : memref<!tpu.dma_semaphore, #tpu.memory_space<semaphore_mem>>)
    %dma_wait3A_579 = arith.constant 0 : i32
    %dma_wait3A_580 = arith.constant 240 : i32
    %dma_wait3A_581 = tpu.memref_slice %arg5[%dma_wait3A_580] : memref<512xi32, #tpu.memory_space<vmem>> -> memref<16xi32, #tpu.memory_space<vmem>>
    %dma_wait3A_582 = arith.constant 0 : i32
    %dma_wait3A_583 = arith.constant 0 : i32
    %dma_wait3A_584 = tpu.memref_slice %arg3[%dma_wait3A_579, %dma_wait3A_582, %dma_wait3A_583] : memref<1x4098x1024xf32, #tpu.memory_space<hbm>> -> memref<1x4098x1024xf32, #tpu.memory_space<hbm>>
    %dma_wait3A_585 = tpu.memref_squeeze %dma_wait3A_584 : memref<1x4098x1024xf32, #tpu.memory_space<hbm>> -> memref<4098x1024xf32, #tpu.memory_space<hbm>>
    %dma_wait3A_586 = arith.constant 0 : i32
    %dma_wait3A_587 = arith.constant 0 : i32
    %dma_wait3A_588 = tpu.memref_slice %dma_wait3A_585[%dma_wait3A_586, %dma_wait3A_587] : memref<4098x1024xf32, #tpu.memory_space<hbm>> -> memref<4098x1024xf32, #tpu.memory_space<hbm>>
    tpu.wait_indirect_dma semaphore(%arg14 : memref<!tpu.dma_semaphore, #tpu.memory_space<semaphore_mem>>) src(%dma_wait3A_588 : memref<4098x1024xf32, #tpu.memory_space<hbm>>) dst(%arg7 : memref<16x1024xf32, #tpu.memory_space<vmem>>)
    %add3A_589 = arith.constant 240 : i32
    %add3A_590 = arith.addi %mul3A_32, %add3A_589 : i32
    %dma_start3A_591 = arith.constant 0 : i32
    %dma_start3A_592 = tpu.memref_slice %arg4[%select_n3A, %add3A_590, %dma_start3A_591] : memref<4x4096x1024xf32, #tpu.memory_space<hbm>> -> memref<1x16x1024xf32, #tpu.memory_space<hbm>>
    %dma_start3A_593 = tpu.memref_squeeze %dma_start3A_592 : memref<1x16x1024xf32, #tpu.memory_space<hbm>> -> memref<16x1024xf32, #tpu.memory_space<hbm>>
    %dma_start3A_594 = arith.constant 0 : i32
    %dma_start3A_595 = tpu.memref_slice %arg4[%select_n3A, %add3A_590, %dma_start3A_594] : memref<4x4096x1024xf32, #tpu.memory_space<hbm>> -> memref<1x16x1024xf32, #tpu.memory_space<hbm>>
    %dma_start3A_596 = tpu.memref_squeeze %dma_start3A_595 : memref<1x16x1024xf32, #tpu.memory_space<hbm>> -> memref<16x1024xf32, #tpu.memory_space<hbm>>
    tpu.enqueue_dma source(%arg7 : memref<16x1024xf32, #tpu.memory_space<vmem>>) target(%dma_start3A_596 : memref<16x1024xf32, #tpu.memory_space<hbm>>) target_semaphore(%arg21 : memref<!tpu.dma_semaphore, #tpu.memory_space<semaphore_mem>>)
    %dma_wait3A_597 = arith.constant 0 : i32
    %dma_wait3A_598 = tpu.memref_slice %arg4[%select_n3A, %add3A_522, %dma_wait3A_597] : memref<4x4096x1024xf32, #tpu.memory_space<hbm>> -> memref<1x16x1024xf32, #tpu.memory_space<hbm>>
    %dma_wait3A_599 = tpu.memref_squeeze %dma_wait3A_598 : memref<1x16x1024xf32, #tpu.memory_space<hbm>> -> memref<16x1024xf32, #tpu.memory_space<hbm>>
    %dma_wait3A_600 = arith.constant 0 : i32
    %dma_wait3A_601 = tpu.memref_slice %arg4[%select_n3A, %add3A_522, %dma_wait3A_600] : memref<4x4096x1024xf32, #tpu.memory_space<hbm>> -> memref<1x16x1024xf32, #tpu.memory_space<hbm>>
    %dma_wait3A_602 = tpu.memref_squeeze %dma_wait3A_601 : memref<1x16x1024xf32, #tpu.memory_space<hbm>> -> memref<16x1024xf32, #tpu.memory_space<hbm>>
    tpu.wait_dma2 semaphore(%arg26 : memref<!tpu.dma_semaphore, #tpu.memory_space<semaphore_mem>>) src(%arg12 : memref<16x1024xf32, #tpu.memory_space<vmem>>) dst(%dma_wait3A_602 : memref<16x1024xf32, #tpu.memory_space<hbm>>)
    %dma_start3A_603 = arith.constant 0 : i32
    %dma_start3A_604 = arith.constant 320 : i32
    %dma_start3A_605 = tpu.memref_slice %arg5[%dma_start3A_604] : memref<512xi32, #tpu.memory_space<vmem>> -> memref<16xi32, #tpu.memory_space<vmem>>
    %dma_start3A_606 = arith.constant 0 : i32
    %dma_start3A_607 = arith.constant 0 : i32
    %dma_start3A_608 = tpu.memref_slice %arg3[%dma_start3A_603, %dma_start3A_606, %dma_start3A_607] : memref<1x4098x1024xf32, #tpu.memory_space<hbm>> -> memref<1x4098x1024xf32, #tpu.memory_space<hbm>>
    %dma_start3A_609 = tpu.memref_squeeze %dma_start3A_608 : memref<1x4098x1024xf32, #tpu.memory_space<hbm>> -> memref<4098x1024xf32, #tpu.memory_space<hbm>>
    %dma_start3A_610 = arith.constant 0 : i32
    %dma_start3A_611 = arith.constant 0 : i32
    %dma_start3A_612 = tpu.memref_slice %dma_start3A_609[%dma_start3A_610, %dma_start3A_611] : memref<4098x1024xf32, #tpu.memory_space<hbm>> -> memref<4098x1024xf32, #tpu.memory_space<hbm>>
    tpu.enqueue_indirect_dma source(%dma_start3A_612 : memref<4098x1024xf32, #tpu.memory_space<hbm>>) target(%arg12 : memref<16x1024xf32, #tpu.memory_space<vmem>>) offsets(%dma_start3A_605 : memref<16xi32, #tpu.memory_space<vmem>>) semaphore(%arg19 : memref<!tpu.dma_semaphore, #tpu.memory_space<semaphore_mem>>)
    %dma_wait3A_613 = arith.constant 0 : i32
    %dma_wait3A_614 = arith.constant 256 : i32
    %dma_wait3A_615 = tpu.memref_slice %arg5[%dma_wait3A_614] : memref<512xi32, #tpu.memory_space<vmem>> -> memref<16xi32, #tpu.memory_space<vmem>>
    %dma_wait3A_616 = arith.constant 0 : i32
    %dma_wait3A_617 = arith.constant 0 : i32
    %dma_wait3A_618 = tpu.memref_slice %arg3[%dma_wait3A_613, %dma_wait3A_616, %dma_wait3A_617] : memref<1x4098x1024xf32, #tpu.memory_space<hbm>> -> memref<1x4098x1024xf32, #tpu.memory_space<hbm>>
    %dma_wait3A_619 = tpu.memref_squeeze %dma_wait3A_618 : memref<1x4098x1024xf32, #tpu.memory_space<hbm>> -> memref<4098x1024xf32, #tpu.memory_space<hbm>>
    %dma_wait3A_620 = arith.constant 0 : i32
    %dma_wait3A_621 = arith.constant 0 : i32
    %dma_wait3A_622 = tpu.memref_slice %dma_wait3A_619[%dma_wait3A_620, %dma_wait3A_621] : memref<4098x1024xf32, #tpu.memory_space<hbm>> -> memref<4098x1024xf32, #tpu.memory_space<hbm>>
    tpu.wait_indirect_dma semaphore(%arg15 : memref<!tpu.dma_semaphore, #tpu.memory_space<semaphore_mem>>) src(%dma_wait3A_622 : memref<4098x1024xf32, #tpu.memory_space<hbm>>) dst(%arg8 : memref<16x1024xf32, #tpu.memory_space<vmem>>)
    %add3A_623 = arith.constant 256 : i32
    %add3A_624 = arith.addi %mul3A_32, %add3A_623 : i32
    %dma_start3A_625 = arith.constant 0 : i32
    %dma_start3A_626 = tpu.memref_slice %arg4[%select_n3A, %add3A_624, %dma_start3A_625] : memref<4x4096x1024xf32, #tpu.memory_space<hbm>> -> memref<1x16x1024xf32, #tpu.memory_space<hbm>>
    %dma_start3A_627 = tpu.memref_squeeze %dma_start3A_626 : memref<1x16x1024xf32, #tpu.memory_space<hbm>> -> memref<16x1024xf32, #tpu.memory_space<hbm>>
    %dma_start3A_628 = arith.constant 0 : i32
    %dma_start3A_629 = tpu.memref_slice %arg4[%select_n3A, %add3A_624, %dma_start3A_628] : memref<4x4096x1024xf32, #tpu.memory_space<hbm>> -> memref<1x16x1024xf32, #tpu.memory_space<hbm>>
    %dma_start3A_630 = tpu.memref_squeeze %dma_start3A_629 : memref<1x16x1024xf32, #tpu.memory_space<hbm>> -> memref<16x1024xf32, #tpu.memory_space<hbm>>
    tpu.enqueue_dma source(%arg8 : memref<16x1024xf32, #tpu.memory_space<vmem>>) target(%dma_start3A_630 : memref<16x1024xf32, #tpu.memory_space<hbm>>) target_semaphore(%arg22 : memref<!tpu.dma_semaphore, #tpu.memory_space<semaphore_mem>>)
    %dma_wait3A_631 = arith.constant 0 : i32
    %dma_wait3A_632 = tpu.memref_slice %arg4[%select_n3A, %add3A_556, %dma_wait3A_631] : memref<4x4096x1024xf32, #tpu.memory_space<hbm>> -> memref<1x16x1024xf32, #tpu.memory_space<hbm>>
    %dma_wait3A_633 = tpu.memref_squeeze %dma_wait3A_632 : memref<1x16x1024xf32, #tpu.memory_space<hbm>> -> memref<16x1024xf32, #tpu.memory_space<hbm>>
    %dma_wait3A_634 = arith.constant 0 : i32
    %dma_wait3A_635 = tpu.memref_slice %arg4[%select_n3A, %add3A_556, %dma_wait3A_634] : memref<4x4096x1024xf32, #tpu.memory_space<hbm>> -> memref<1x16x1024xf32, #tpu.memory_space<hbm>>
    %dma_wait3A_636 = tpu.memref_squeeze %dma_wait3A_635 : memref<1x16x1024xf32, #tpu.memory_space<hbm>> -> memref<16x1024xf32, #tpu.memory_space<hbm>>
    tpu.wait_dma2 semaphore(%arg20 : memref<!tpu.dma_semaphore, #tpu.memory_space<semaphore_mem>>) src(%arg6 : memref<16x1024xf32, #tpu.memory_space<vmem>>) dst(%dma_wait3A_636 : memref<16x1024xf32, #tpu.memory_space<hbm>>)
    %dma_start3A_637 = arith.constant 0 : i32
    %dma_start3A_638 = arith.constant 336 : i32
    %dma_start3A_639 = tpu.memref_slice %arg5[%dma_start3A_638] : memref<512xi32, #tpu.memory_space<vmem>> -> memref<16xi32, #tpu.memory_space<vmem>>
    %dma_start3A_640 = arith.constant 0 : i32
    %dma_start3A_641 = arith.constant 0 : i32
    %dma_start3A_642 = tpu.memref_slice %arg3[%dma_start3A_637, %dma_start3A_640, %dma_start3A_641] : memref<1x4098x1024xf32, #tpu.memory_space<hbm>> -> memref<1x4098x1024xf32, #tpu.memory_space<hbm>>
    %dma_start3A_643 = tpu.memref_squeeze %dma_start3A_642 : memref<1x4098x1024xf32, #tpu.memory_space<hbm>> -> memref<4098x1024xf32, #tpu.memory_space<hbm>>
    %dma_start3A_644 = arith.constant 0 : i32
    %dma_start3A_645 = arith.constant 0 : i32
    %dma_start3A_646 = tpu.memref_slice %dma_start3A_643[%dma_start3A_644, %dma_start3A_645] : memref<4098x1024xf32, #tpu.memory_space<hbm>> -> memref<4098x1024xf32, #tpu.memory_space<hbm>>
    tpu.enqueue_indirect_dma source(%dma_start3A_646 : memref<4098x1024xf32, #tpu.memory_space<hbm>>) target(%arg6 : memref<16x1024xf32, #tpu.memory_space<vmem>>) offsets(%dma_start3A_639 : memref<16xi32, #tpu.memory_space<vmem>>) semaphore(%arg13 : memref<!tpu.dma_semaphore, #tpu.memory_space<semaphore_mem>>)
    %dma_wait3A_647 = arith.constant 0 : i32
    %dma_wait3A_648 = arith.constant 272 : i32
    %dma_wait3A_649 = tpu.memref_slice %arg5[%dma_wait3A_648] : memref<512xi32, #tpu.memory_space<vmem>> -> memref<16xi32, #tpu.memory_space<vmem>>
    %dma_wait3A_650 = arith.constant 0 : i32
    %dma_wait3A_651 = arith.constant 0 : i32
    %dma_wait3A_652 = tpu.memref_slice %arg3[%dma_wait3A_647, %dma_wait3A_650, %dma_wait3A_651] : memref<1x4098x1024xf32, #tpu.memory_space<hbm>> -> memref<1x4098x1024xf32, #tpu.memory_space<hbm>>
    %dma_wait3A_653 = tpu.memref_squeeze %dma_wait3A_652 : memref<1x4098x1024xf32, #tpu.memory_space<hbm>> -> memref<4098x1024xf32, #tpu.memory_space<hbm>>
    %dma_wait3A_654 = arith.constant 0 : i32
    %dma_wait3A_655 = arith.constant 0 : i32
    %dma_wait3A_656 = tpu.memref_slice %dma_wait3A_653[%dma_wait3A_654, %dma_wait3A_655] : memref<4098x1024xf32, #tpu.memory_space<hbm>> -> memref<4098x1024xf32, #tpu.memory_space<hbm>>
    tpu.wait_indirect_dma semaphore(%arg16 : memref<!tpu.dma_semaphore, #tpu.memory_space<semaphore_mem>>) src(%dma_wait3A_656 : memref<4098x1024xf32, #tpu.memory_space<hbm>>) dst(%arg9 : memref<16x1024xf32, #tpu.memory_space<vmem>>)
    %add3A_657 = arith.constant 272 : i32
    %add3A_658 = arith.addi %mul3A_32, %add3A_657 : i32
    %dma_start3A_659 = arith.constant 0 : i32
    %dma_start3A_660 = tpu.memref_slice %arg4[%select_n3A, %add3A_658, %dma_start3A_659] : memref<4x4096x1024xf32, #tpu.memory_space<hbm>> -> memref<1x16x1024xf32, #tpu.memory_space<hbm>>
    %dma_start3A_661 = tpu.memref_squeeze %dma_start3A_660 : memref<1x16x1024xf32, #tpu.memory_space<hbm>> -> memref<16x1024xf32, #tpu.memory_space<hbm>>
    %dma_start3A_662 = arith.constant 0 : i32
    %dma_start3A_663 = tpu.memref_slice %arg4[%select_n3A, %add3A_658, %dma_start3A_662] : memref<4x4096x1024xf32, #tpu.memory_space<hbm>> -> memref<1x16x1024xf32, #tpu.memory_space<hbm>>
    %dma_start3A_664 = tpu.memref_squeeze %dma_start3A_663 : memref<1x16x1024xf32, #tpu.memory_space<hbm>> -> memref<16x1024xf32, #tpu.memory_space<hbm>>
    tpu.enqueue_dma source(%arg9 : memref<16x1024xf32, #tpu.memory_space<vmem>>) target(%dma_start3A_664 : memref<16x1024xf32, #tpu.memory_space<hbm>>) target_semaphore(%arg23 : memref<!tpu.dma_semaphore, #tpu.memory_space<semaphore_mem>>)
    %dma_wait3A_665 = arith.constant 0 : i32
    %dma_wait3A_666 = tpu.memref_slice %arg4[%select_n3A, %add3A_590, %dma_wait3A_665] : memref<4x4096x1024xf32, #tpu.memory_space<hbm>> -> memref<1x16x1024xf32, #tpu.memory_space<hbm>>
    %dma_wait3A_667 = tpu.memref_squeeze %dma_wait3A_666 : memref<1x16x1024xf32, #tpu.memory_space<hbm>> -> memref<16x1024xf32, #tpu.memory_space<hbm>>
    %dma_wait3A_668 = arith.constant 0 : i32
    %dma_wait3A_669 = tpu.memref_slice %arg4[%select_n3A, %add3A_590, %dma_wait3A_668] : memref<4x4096x1024xf32, #tpu.memory_space<hbm>> -> memref<1x16x1024xf32, #tpu.memory_space<hbm>>
    %dma_wait3A_670 = tpu.memref_squeeze %dma_wait3A_669 : memref<1x16x1024xf32, #tpu.memory_space<hbm>> -> memref<16x1024xf32, #tpu.memory_space<hbm>>
    tpu.wait_dma2 semaphore(%arg21 : memref<!tpu.dma_semaphore, #tpu.memory_space<semaphore_mem>>) src(%arg7 : memref<16x1024xf32, #tpu.memory_space<vmem>>) dst(%dma_wait3A_670 : memref<16x1024xf32, #tpu.memory_space<hbm>>)
    %dma_start3A_671 = arith.constant 0 : i32
    %dma_start3A_672 = arith.constant 352 : i32
    %dma_start3A_673 = tpu.memref_slice %arg5[%dma_start3A_672] : memref<512xi32, #tpu.memory_space<vmem>> -> memref<16xi32, #tpu.memory_space<vmem>>
    %dma_start3A_674 = arith.constant 0 : i32
    %dma_start3A_675 = arith.constant 0 : i32
    %dma_start3A_676 = tpu.memref_slice %arg3[%dma_start3A_671, %dma_start3A_674, %dma_start3A_675] : memref<1x4098x1024xf32, #tpu.memory_space<hbm>> -> memref<1x4098x1024xf32, #tpu.memory_space<hbm>>
    %dma_start3A_677 = tpu.memref_squeeze %dma_start3A_676 : memref<1x4098x1024xf32, #tpu.memory_space<hbm>> -> memref<4098x1024xf32, #tpu.memory_space<hbm>>
    %dma_start3A_678 = arith.constant 0 : i32
    %dma_start3A_679 = arith.constant 0 : i32
    %dma_start3A_680 = tpu.memref_slice %dma_start3A_677[%dma_start3A_678, %dma_start3A_679] : memref<4098x1024xf32, #tpu.memory_space<hbm>> -> memref<4098x1024xf32, #tpu.memory_space<hbm>>
    tpu.enqueue_indirect_dma source(%dma_start3A_680 : memref<4098x1024xf32, #tpu.memory_space<hbm>>) target(%arg7 : memref<16x1024xf32, #tpu.memory_space<vmem>>) offsets(%dma_start3A_673 : memref<16xi32, #tpu.memory_space<vmem>>) semaphore(%arg14 : memref<!tpu.dma_semaphore, #tpu.memory_space<semaphore_mem>>)
    %dma_wait3A_681 = arith.constant 0 : i32
    %dma_wait3A_682 = arith.constant 288 : i32
    %dma_wait3A_683 = tpu.memref_slice %arg5[%dma_wait3A_682] : memref<512xi32, #tpu.memory_space<vmem>> -> memref<16xi32, #tpu.memory_space<vmem>>
    %dma_wait3A_684 = arith.constant 0 : i32
    %dma_wait3A_685 = arith.constant 0 : i32
    %dma_wait3A_686 = tpu.memref_slice %arg3[%dma_wait3A_681, %dma_wait3A_684, %dma_wait3A_685] : memref<1x4098x1024xf32, #tpu.memory_space<hbm>> -> memref<1x4098x1024xf32, #tpu.memory_space<hbm>>
    %dma_wait3A_687 = tpu.memref_squeeze %dma_wait3A_686 : memref<1x4098x1024xf32, #tpu.memory_space<hbm>> -> memref<4098x1024xf32, #tpu.memory_space<hbm>>
    %dma_wait3A_688 = arith.constant 0 : i32
    %dma_wait3A_689 = arith.constant 0 : i32
    %dma_wait3A_690 = tpu.memref_slice %dma_wait3A_687[%dma_wait3A_688, %dma_wait3A_689] : memref<4098x1024xf32, #tpu.memory_space<hbm>> -> memref<4098x1024xf32, #tpu.memory_space<hbm>>
    tpu.wait_indirect_dma semaphore(%arg17 : memref<!tpu.dma_semaphore, #tpu.memory_space<semaphore_mem>>) src(%dma_wait3A_690 : memref<4098x1024xf32, #tpu.memory_space<hbm>>) dst(%arg10 : memref<16x1024xf32, #tpu.memory_space<vmem>>)
    %add3A_691 = arith.constant 288 : i32
    %add3A_692 = arith.addi %mul3A_32, %add3A_691 : i32
    %dma_start3A_693 = arith.constant 0 : i32
    %dma_start3A_694 = tpu.memref_slice %arg4[%select_n3A, %add3A_692, %dma_start3A_693] : memref<4x4096x1024xf32, #tpu.memory_space<hbm>> -> memref<1x16x1024xf32, #tpu.memory_space<hbm>>
    %dma_start3A_695 = tpu.memref_squeeze %dma_start3A_694 : memref<1x16x1024xf32, #tpu.memory_space<hbm>> -> memref<16x1024xf32, #tpu.memory_space<hbm>>
    %dma_start3A_696 = arith.constant 0 : i32
    %dma_start3A_697 = tpu.memref_slice %arg4[%select_n3A, %add3A_692, %dma_start3A_696] : memref<4x4096x1024xf32, #tpu.memory_space<hbm>> -> memref<1x16x1024xf32, #tpu.memory_space<hbm>>
    %dma_start3A_698 = tpu.memref_squeeze %dma_start3A_697 : memref<1x16x1024xf32, #tpu.memory_space<hbm>> -> memref<16x1024xf32, #tpu.memory_space<hbm>>
    tpu.enqueue_dma source(%arg10 : memref<16x1024xf32, #tpu.memory_space<vmem>>) target(%dma_start3A_698 : memref<16x1024xf32, #tpu.memory_space<hbm>>) target_semaphore(%arg24 : memref<!tpu.dma_semaphore, #tpu.memory_space<semaphore_mem>>)
    %dma_wait3A_699 = arith.constant 0 : i32
    %dma_wait3A_700 = tpu.memref_slice %arg4[%select_n3A, %add3A_624, %dma_wait3A_699] : memref<4x4096x1024xf32, #tpu.memory_space<hbm>> -> memref<1x16x1024xf32, #tpu.memory_space<hbm>>
    %dma_wait3A_701 = tpu.memref_squeeze %dma_wait3A_700 : memref<1x16x1024xf32, #tpu.memory_space<hbm>> -> memref<16x1024xf32, #tpu.memory_space<hbm>>
    %dma_wait3A_702 = arith.constant 0 : i32
    %dma_wait3A_703 = tpu.memref_slice %arg4[%select_n3A, %add3A_624, %dma_wait3A_702] : memref<4x4096x1024xf32, #tpu.memory_space<hbm>> -> memref<1x16x1024xf32, #tpu.memory_space<hbm>>
    %dma_wait3A_704 = tpu.memref_squeeze %dma_wait3A_703 : memref<1x16x1024xf32, #tpu.memory_space<hbm>> -> memref<16x1024xf32, #tpu.memory_space<hbm>>
    tpu.wait_dma2 semaphore(%arg22 : memref<!tpu.dma_semaphore, #tpu.memory_space<semaphore_mem>>) src(%arg8 : memref<16x1024xf32, #tpu.memory_space<vmem>>) dst(%dma_wait3A_704 : memref<16x1024xf32, #tpu.memory_space<hbm>>)
    %dma_start3A_705 = arith.constant 0 : i32
    %dma_start3A_706 = arith.constant 368 : i32
    %dma_start3A_707 = tpu.memref_slice %arg5[%dma_start3A_706] : memref<512xi32, #tpu.memory_space<vmem>> -> memref<16xi32, #tpu.memory_space<vmem>>
    %dma_start3A_708 = arith.constant 0 : i32
    %dma_start3A_709 = arith.constant 0 : i32
    %dma_start3A_710 = tpu.memref_slice %arg3[%dma_start3A_705, %dma_start3A_708, %dma_start3A_709] : memref<1x4098x1024xf32, #tpu.memory_space<hbm>> -> memref<1x4098x1024xf32, #tpu.memory_space<hbm>>
    %dma_start3A_711 = tpu.memref_squeeze %dma_start3A_710 : memref<1x4098x1024xf32, #tpu.memory_space<hbm>> -> memref<4098x1024xf32, #tpu.memory_space<hbm>>
    %dma_start3A_712 = arith.constant 0 : i32
    %dma_start3A_713 = arith.constant 0 : i32
    %dma_start3A_714 = tpu.memref_slice %dma_start3A_711[%dma_start3A_712, %dma_start3A_713] : memref<4098x1024xf32, #tpu.memory_space<hbm>> -> memref<4098x1024xf32, #tpu.memory_space<hbm>>
    tpu.enqueue_indirect_dma source(%dma_start3A_714 : memref<4098x1024xf32, #tpu.memory_space<hbm>>) target(%arg8 : memref<16x1024xf32, #tpu.memory_space<vmem>>) offsets(%dma_start3A_707 : memref<16xi32, #tpu.memory_space<vmem>>) semaphore(%arg15 : memref<!tpu.dma_semaphore, #tpu.memory_space<semaphore_mem>>)
    %dma_wait3A_715 = arith.constant 0 : i32
    %dma_wait3A_716 = arith.constant 304 : i32
    %dma_wait3A_717 = tpu.memref_slice %arg5[%dma_wait3A_716] : memref<512xi32, #tpu.memory_space<vmem>> -> memref<16xi32, #tpu.memory_space<vmem>>
    %dma_wait3A_718 = arith.constant 0 : i32
    %dma_wait3A_719 = arith.constant 0 : i32
    %dma_wait3A_720 = tpu.memref_slice %arg3[%dma_wait3A_715, %dma_wait3A_718, %dma_wait3A_719] : memref<1x4098x1024xf32, #tpu.memory_space<hbm>> -> memref<1x4098x1024xf32, #tpu.memory_space<hbm>>
    %dma_wait3A_721 = tpu.memref_squeeze %dma_wait3A_720 : memref<1x4098x1024xf32, #tpu.memory_space<hbm>> -> memref<4098x1024xf32, #tpu.memory_space<hbm>>
    %dma_wait3A_722 = arith.constant 0 : i32
    %dma_wait3A_723 = arith.constant 0 : i32
    %dma_wait3A_724 = tpu.memref_slice %dma_wait3A_721[%dma_wait3A_722, %dma_wait3A_723] : memref<4098x1024xf32, #tpu.memory_space<hbm>> -> memref<4098x1024xf32, #tpu.memory_space<hbm>>
    tpu.wait_indirect_dma semaphore(%arg18 : memref<!tpu.dma_semaphore, #tpu.memory_space<semaphore_mem>>) src(%dma_wait3A_724 : memref<4098x1024xf32, #tpu.memory_space<hbm>>) dst(%arg11 : memref<16x1024xf32, #tpu.memory_space<vmem>>)
    %add3A_725 = arith.constant 304 : i32
    %add3A_726 = arith.addi %mul3A_32, %add3A_725 : i32
    %dma_start3A_727 = arith.constant 0 : i32
    %dma_start3A_728 = tpu.memref_slice %arg4[%select_n3A, %add3A_726, %dma_start3A_727] : memref<4x4096x1024xf32, #tpu.memory_space<hbm>> -> memref<1x16x1024xf32, #tpu.memory_space<hbm>>
    %dma_start3A_729 = tpu.memref_squeeze %dma_start3A_728 : memref<1x16x1024xf32, #tpu.memory_space<hbm>> -> memref<16x1024xf32, #tpu.memory_space<hbm>>
    %dma_start3A_730 = arith.constant 0 : i32
    %dma_start3A_731 = tpu.memref_slice %arg4[%select_n3A, %add3A_726, %dma_start3A_730] : memref<4x4096x1024xf32, #tpu.memory_space<hbm>> -> memref<1x16x1024xf32, #tpu.memory_space<hbm>>
    %dma_start3A_732 = tpu.memref_squeeze %dma_start3A_731 : memref<1x16x1024xf32, #tpu.memory_space<hbm>> -> memref<16x1024xf32, #tpu.memory_space<hbm>>
    tpu.enqueue_dma source(%arg11 : memref<16x1024xf32, #tpu.memory_space<vmem>>) target(%dma_start3A_732 : memref<16x1024xf32, #tpu.memory_space<hbm>>) target_semaphore(%arg25 : memref<!tpu.dma_semaphore, #tpu.memory_space<semaphore_mem>>)
    %dma_wait3A_733 = arith.constant 0 : i32
    %dma_wait3A_734 = tpu.memref_slice %arg4[%select_n3A, %add3A_658, %dma_wait3A_733] : memref<4x4096x1024xf32, #tpu.memory_space<hbm>> -> memref<1x16x1024xf32, #tpu.memory_space<hbm>>
    %dma_wait3A_735 = tpu.memref_squeeze %dma_wait3A_734 : memref<1x16x1024xf32, #tpu.memory_space<hbm>> -> memref<16x1024xf32, #tpu.memory_space<hbm>>
    %dma_wait3A_736 = arith.constant 0 : i32
    %dma_wait3A_737 = tpu.memref_slice %arg4[%select_n3A, %add3A_658, %dma_wait3A_736] : memref<4x4096x1024xf32, #tpu.memory_space<hbm>> -> memref<1x16x1024xf32, #tpu.memory_space<hbm>>
    %dma_wait3A_738 = tpu.memref_squeeze %dma_wait3A_737 : memref<1x16x1024xf32, #tpu.memory_space<hbm>> -> memref<16x1024xf32, #tpu.memory_space<hbm>>
    tpu.wait_dma2 semaphore(%arg23 : memref<!tpu.dma_semaphore, #tpu.memory_space<semaphore_mem>>) src(%arg9 : memref<16x1024xf32, #tpu.memory_space<vmem>>) dst(%dma_wait3A_738 : memref<16x1024xf32, #tpu.memory_space<hbm>>)
    %dma_start3A_739 = arith.constant 0 : i32
    %dma_start3A_740 = arith.constant 384 : i32
    %dma_start3A_741 = tpu.memref_slice %arg5[%dma_start3A_740] : memref<512xi32, #tpu.memory_space<vmem>> -> memref<16xi32, #tpu.memory_space<vmem>>
    %dma_start3A_742 = arith.constant 0 : i32
    %dma_start3A_743 = arith.constant 0 : i32
    %dma_start3A_744 = tpu.memref_slice %arg3[%dma_start3A_739, %dma_start3A_742, %dma_start3A_743] : memref<1x4098x1024xf32, #tpu.memory_space<hbm>> -> memref<1x4098x1024xf32, #tpu.memory_space<hbm>>
    %dma_start3A_745 = tpu.memref_squeeze %dma_start3A_744 : memref<1x4098x1024xf32, #tpu.memory_space<hbm>> -> memref<4098x1024xf32, #tpu.memory_space<hbm>>
    %dma_start3A_746 = arith.constant 0 : i32
    %dma_start3A_747 = arith.constant 0 : i32
    %dma_start3A_748 = tpu.memref_slice %dma_start3A_745[%dma_start3A_746, %dma_start3A_747] : memref<4098x1024xf32, #tpu.memory_space<hbm>> -> memref<4098x1024xf32, #tpu.memory_space<hbm>>
    tpu.enqueue_indirect_dma source(%dma_start3A_748 : memref<4098x1024xf32, #tpu.memory_space<hbm>>) target(%arg9 : memref<16x1024xf32, #tpu.memory_space<vmem>>) offsets(%dma_start3A_741 : memref<16xi32, #tpu.memory_space<vmem>>) semaphore(%arg16 : memref<!tpu.dma_semaphore, #tpu.memory_space<semaphore_mem>>)
    %dma_wait3A_749 = arith.constant 0 : i32
    %dma_wait3A_750 = arith.constant 320 : i32
    %dma_wait3A_751 = tpu.memref_slice %arg5[%dma_wait3A_750] : memref<512xi32, #tpu.memory_space<vmem>> -> memref<16xi32, #tpu.memory_space<vmem>>
    %dma_wait3A_752 = arith.constant 0 : i32
    %dma_wait3A_753 = arith.constant 0 : i32
    %dma_wait3A_754 = tpu.memref_slice %arg3[%dma_wait3A_749, %dma_wait3A_752, %dma_wait3A_753] : memref<1x4098x1024xf32, #tpu.memory_space<hbm>> -> memref<1x4098x1024xf32, #tpu.memory_space<hbm>>
    %dma_wait3A_755 = tpu.memref_squeeze %dma_wait3A_754 : memref<1x4098x1024xf32, #tpu.memory_space<hbm>> -> memref<4098x1024xf32, #tpu.memory_space<hbm>>
    %dma_wait3A_756 = arith.constant 0 : i32
    %dma_wait3A_757 = arith.constant 0 : i32
    %dma_wait3A_758 = tpu.memref_slice %dma_wait3A_755[%dma_wait3A_756, %dma_wait3A_757] : memref<4098x1024xf32, #tpu.memory_space<hbm>> -> memref<4098x1024xf32, #tpu.memory_space<hbm>>
    tpu.wait_indirect_dma semaphore(%arg19 : memref<!tpu.dma_semaphore, #tpu.memory_space<semaphore_mem>>) src(%dma_wait3A_758 : memref<4098x1024xf32, #tpu.memory_space<hbm>>) dst(%arg12 : memref<16x1024xf32, #tpu.memory_space<vmem>>)
    %add3A_759 = arith.constant 320 : i32
    %add3A_760 = arith.addi %mul3A_32, %add3A_759 : i32
    %dma_start3A_761 = arith.constant 0 : i32
    %dma_start3A_762 = tpu.memref_slice %arg4[%select_n3A, %add3A_760, %dma_start3A_761] : memref<4x4096x1024xf32, #tpu.memory_space<hbm>> -> memref<1x16x1024xf32, #tpu.memory_space<hbm>>
    %dma_start3A_763 = tpu.memref_squeeze %dma_start3A_762 : memref<1x16x1024xf32, #tpu.memory_space<hbm>> -> memref<16x1024xf32, #tpu.memory_space<hbm>>
    %dma_start3A_764 = arith.constant 0 : i32
    %dma_start3A_765 = tpu.memref_slice %arg4[%select_n3A, %add3A_760, %dma_start3A_764] : memref<4x4096x1024xf32, #tpu.memory_space<hbm>> -> memref<1x16x1024xf32, #tpu.memory_space<hbm>>
    %dma_start3A_766 = tpu.memref_squeeze %dma_start3A_765 : memref<1x16x1024xf32, #tpu.memory_space<hbm>> -> memref<16x1024xf32, #tpu.memory_space<hbm>>
    tpu.enqueue_dma source(%arg12 : memref<16x1024xf32, #tpu.memory_space<vmem>>) target(%dma_start3A_766 : memref<16x1024xf32, #tpu.memory_space<hbm>>) target_semaphore(%arg26 : memref<!tpu.dma_semaphore, #tpu.memory_space<semaphore_mem>>)
    %dma_wait3A_767 = arith.constant 0 : i32
    %dma_wait3A_768 = tpu.memref_slice %arg4[%select_n3A, %add3A_692, %dma_wait3A_767] : memref<4x4096x1024xf32, #tpu.memory_space<hbm>> -> memref<1x16x1024xf32, #tpu.memory_space<hbm>>
    %dma_wait3A_769 = tpu.memref_squeeze %dma_wait3A_768 : memref<1x16x1024xf32, #tpu.memory_space<hbm>> -> memref<16x1024xf32, #tpu.memory_space<hbm>>
    %dma_wait3A_770 = arith.constant 0 : i32
    %dma_wait3A_771 = tpu.memref_slice %arg4[%select_n3A, %add3A_692, %dma_wait3A_770] : memref<4x4096x1024xf32, #tpu.memory_space<hbm>> -> memref<1x16x1024xf32, #tpu.memory_space<hbm>>
    %dma_wait3A_772 = tpu.memref_squeeze %dma_wait3A_771 : memref<1x16x1024xf32, #tpu.memory_space<hbm>> -> memref<16x1024xf32, #tpu.memory_space<hbm>>
    tpu.wait_dma2 semaphore(%arg24 : memref<!tpu.dma_semaphore, #tpu.memory_space<semaphore_mem>>) src(%arg10 : memref<16x1024xf32, #tpu.memory_space<vmem>>) dst(%dma_wait3A_772 : memref<16x1024xf32, #tpu.memory_space<hbm>>)
    %dma_start3A_773 = arith.constant 0 : i32
    %dma_start3A_774 = arith.constant 400 : i32
    %dma_start3A_775 = tpu.memref_slice %arg5[%dma_start3A_774] : memref<512xi32, #tpu.memory_space<vmem>> -> memref<16xi32, #tpu.memory_space<vmem>>
    %dma_start3A_776 = arith.constant 0 : i32
    %dma_start3A_777 = arith.constant 0 : i32
    %dma_start3A_778 = tpu.memref_slice %arg3[%dma_start3A_773, %dma_start3A_776, %dma_start3A_777] : memref<1x4098x1024xf32, #tpu.memory_space<hbm>> -> memref<1x4098x1024xf32, #tpu.memory_space<hbm>>
    %dma_start3A_779 = tpu.memref_squeeze %dma_start3A_778 : memref<1x4098x1024xf32, #tpu.memory_space<hbm>> -> memref<4098x1024xf32, #tpu.memory_space<hbm>>
    %dma_start3A_780 = arith.constant 0 : i32
    %dma_start3A_781 = arith.constant 0 : i32
    %dma_start3A_782 = tpu.memref_slice %dma_start3A_779[%dma_start3A_780, %dma_start3A_781] : memref<4098x1024xf32, #tpu.memory_space<hbm>> -> memref<4098x1024xf32, #tpu.memory_space<hbm>>
    tpu.enqueue_indirect_dma source(%dma_start3A_782 : memref<4098x1024xf32, #tpu.memory_space<hbm>>) target(%arg10 : memref<16x1024xf32, #tpu.memory_space<vmem>>) offsets(%dma_start3A_775 : memref<16xi32, #tpu.memory_space<vmem>>) semaphore(%arg17 : memref<!tpu.dma_semaphore, #tpu.memory_space<semaphore_mem>>)
    %dma_wait3A_783 = arith.constant 0 : i32
    %dma_wait3A_784 = arith.constant 336 : i32
    %dma_wait3A_785 = tpu.memref_slice %arg5[%dma_wait3A_784] : memref<512xi32, #tpu.memory_space<vmem>> -> memref<16xi32, #tpu.memory_space<vmem>>
    %dma_wait3A_786 = arith.constant 0 : i32
    %dma_wait3A_787 = arith.constant 0 : i32
    %dma_wait3A_788 = tpu.memref_slice %arg3[%dma_wait3A_783, %dma_wait3A_786, %dma_wait3A_787] : memref<1x4098x1024xf32, #tpu.memory_space<hbm>> -> memref<1x4098x1024xf32, #tpu.memory_space<hbm>>
    %dma_wait3A_789 = tpu.memref_squeeze %dma_wait3A_788 : memref<1x4098x1024xf32, #tpu.memory_space<hbm>> -> memref<4098x1024xf32, #tpu.memory_space<hbm>>
    %dma_wait3A_790 = arith.constant 0 : i32
    %dma_wait3A_791 = arith.constant 0 : i32
    %dma_wait3A_792 = tpu.memref_slice %dma_wait3A_789[%dma_wait3A_790, %dma_wait3A_791] : memref<4098x1024xf32, #tpu.memory_space<hbm>> -> memref<4098x1024xf32, #tpu.memory_space<hbm>>
    tpu.wait_indirect_dma semaphore(%arg13 : memref<!tpu.dma_semaphore, #tpu.memory_space<semaphore_mem>>) src(%dma_wait3A_792 : memref<4098x1024xf32, #tpu.memory_space<hbm>>) dst(%arg6 : memref<16x1024xf32, #tpu.memory_space<vmem>>)
    %add3A_793 = arith.constant 336 : i32
    %add3A_794 = arith.addi %mul3A_32, %add3A_793 : i32
    %dma_start3A_795 = arith.constant 0 : i32
    %dma_start3A_796 = tpu.memref_slice %arg4[%select_n3A, %add3A_794, %dma_start3A_795] : memref<4x4096x1024xf32, #tpu.memory_space<hbm>> -> memref<1x16x1024xf32, #tpu.memory_space<hbm>>
    %dma_start3A_797 = tpu.memref_squeeze %dma_start3A_796 : memref<1x16x1024xf32, #tpu.memory_space<hbm>> -> memref<16x1024xf32, #tpu.memory_space<hbm>>
    %dma_start3A_798 = arith.constant 0 : i32
    %dma_start3A_799 = tpu.memref_slice %arg4[%select_n3A, %add3A_794, %dma_start3A_798] : memref<4x4096x1024xf32, #tpu.memory_space<hbm>> -> memref<1x16x1024xf32, #tpu.memory_space<hbm>>
    %dma_start3A_800 = tpu.memref_squeeze %dma_start3A_799 : memref<1x16x1024xf32, #tpu.memory_space<hbm>> -> memref<16x1024xf32, #tpu.memory_space<hbm>>
    tpu.enqueue_dma source(%arg6 : memref<16x1024xf32, #tpu.memory_space<vmem>>) target(%dma_start3A_800 : memref<16x1024xf32, #tpu.memory_space<hbm>>) target_semaphore(%arg20 : memref<!tpu.dma_semaphore, #tpu.memory_space<semaphore_mem>>)
    %dma_wait3A_801 = arith.constant 0 : i32
    %dma_wait3A_802 = tpu.memref_slice %arg4[%select_n3A, %add3A_726, %dma_wait3A_801] : memref<4x4096x1024xf32, #tpu.memory_space<hbm>> -> memref<1x16x1024xf32, #tpu.memory_space<hbm>>
    %dma_wait3A_803 = tpu.memref_squeeze %dma_wait3A_802 : memref<1x16x1024xf32, #tpu.memory_space<hbm>> -> memref<16x1024xf32, #tpu.memory_space<hbm>>
    %dma_wait3A_804 = arith.constant 0 : i32
    %dma_wait3A_805 = tpu.memref_slice %arg4[%select_n3A, %add3A_726, %dma_wait3A_804] : memref<4x4096x1024xf32, #tpu.memory_space<hbm>> -> memref<1x16x1024xf32, #tpu.memory_space<hbm>>
    %dma_wait3A_806 = tpu.memref_squeeze %dma_wait3A_805 : memref<1x16x1024xf32, #tpu.memory_space<hbm>> -> memref<16x1024xf32, #tpu.memory_space<hbm>>
    tpu.wait_dma2 semaphore(%arg25 : memref<!tpu.dma_semaphore, #tpu.memory_space<semaphore_mem>>) src(%arg11 : memref<16x1024xf32, #tpu.memory_space<vmem>>) dst(%dma_wait3A_806 : memref<16x1024xf32, #tpu.memory_space<hbm>>)
    %dma_start3A_807 = arith.constant 0 : i32
    %dma_start3A_808 = arith.constant 416 : i32
    %dma_start3A_809 = tpu.memref_slice %arg5[%dma_start3A_808] : memref<512xi32, #tpu.memory_space<vmem>> -> memref<16xi32, #tpu.memory_space<vmem>>
    %dma_start3A_810 = arith.constant 0 : i32
    %dma_start3A_811 = arith.constant 0 : i32
    %dma_start3A_812 = tpu.memref_slice %arg3[%dma_start3A_807, %dma_start3A_810, %dma_start3A_811] : memref<1x4098x1024xf32, #tpu.memory_space<hbm>> -> memref<1x4098x1024xf32, #tpu.memory_space<hbm>>
    %dma_start3A_813 = tpu.memref_squeeze %dma_start3A_812 : memref<1x4098x1024xf32, #tpu.memory_space<hbm>> -> memref<4098x1024xf32, #tpu.memory_space<hbm>>
    %dma_start3A_814 = arith.constant 0 : i32
    %dma_start3A_815 = arith.constant 0 : i32
    %dma_start3A_816 = tpu.memref_slice %dma_start3A_813[%dma_start3A_814, %dma_start3A_815] : memref<4098x1024xf32, #tpu.memory_space<hbm>> -> memref<4098x1024xf32, #tpu.memory_space<hbm>>
    tpu.enqueue_indirect_dma source(%dma_start3A_816 : memref<4098x1024xf32, #tpu.memory_space<hbm>>) target(%arg11 : memref<16x1024xf32, #tpu.memory_space<vmem>>) offsets(%dma_start3A_809 : memref<16xi32, #tpu.memory_space<vmem>>) semaphore(%arg18 : memref<!tpu.dma_semaphore, #tpu.memory_space<semaphore_mem>>)
    %dma_wait3A_817 = arith.constant 0 : i32
    %dma_wait3A_818 = arith.constant 352 : i32
    %dma_wait3A_819 = tpu.memref_slice %arg5[%dma_wait3A_818] : memref<512xi32, #tpu.memory_space<vmem>> -> memref<16xi32, #tpu.memory_space<vmem>>
    %dma_wait3A_820 = arith.constant 0 : i32
    %dma_wait3A_821 = arith.constant 0 : i32
    %dma_wait3A_822 = tpu.memref_slice %arg3[%dma_wait3A_817, %dma_wait3A_820, %dma_wait3A_821] : memref<1x4098x1024xf32, #tpu.memory_space<hbm>> -> memref<1x4098x1024xf32, #tpu.memory_space<hbm>>
    %dma_wait3A_823 = tpu.memref_squeeze %dma_wait3A_822 : memref<1x4098x1024xf32, #tpu.memory_space<hbm>> -> memref<4098x1024xf32, #tpu.memory_space<hbm>>
    %dma_wait3A_824 = arith.constant 0 : i32
    %dma_wait3A_825 = arith.constant 0 : i32
    %dma_wait3A_826 = tpu.memref_slice %dma_wait3A_823[%dma_wait3A_824, %dma_wait3A_825] : memref<4098x1024xf32, #tpu.memory_space<hbm>> -> memref<4098x1024xf32, #tpu.memory_space<hbm>>
    tpu.wait_indirect_dma semaphore(%arg14 : memref<!tpu.dma_semaphore, #tpu.memory_space<semaphore_mem>>) src(%dma_wait3A_826 : memref<4098x1024xf32, #tpu.memory_space<hbm>>) dst(%arg7 : memref<16x1024xf32, #tpu.memory_space<vmem>>)
    %add3A_827 = arith.constant 352 : i32
    %add3A_828 = arith.addi %mul3A_32, %add3A_827 : i32
    %dma_start3A_829 = arith.constant 0 : i32
    %dma_start3A_830 = tpu.memref_slice %arg4[%select_n3A, %add3A_828, %dma_start3A_829] : memref<4x4096x1024xf32, #tpu.memory_space<hbm>> -> memref<1x16x1024xf32, #tpu.memory_space<hbm>>
    %dma_start3A_831 = tpu.memref_squeeze %dma_start3A_830 : memref<1x16x1024xf32, #tpu.memory_space<hbm>> -> memref<16x1024xf32, #tpu.memory_space<hbm>>
    %dma_start3A_832 = arith.constant 0 : i32
    %dma_start3A_833 = tpu.memref_slice %arg4[%select_n3A, %add3A_828, %dma_start3A_832] : memref<4x4096x1024xf32, #tpu.memory_space<hbm>> -> memref<1x16x1024xf32, #tpu.memory_space<hbm>>
    %dma_start3A_834 = tpu.memref_squeeze %dma_start3A_833 : memref<1x16x1024xf32, #tpu.memory_space<hbm>> -> memref<16x1024xf32, #tpu.memory_space<hbm>>
    tpu.enqueue_dma source(%arg7 : memref<16x1024xf32, #tpu.memory_space<vmem>>) target(%dma_start3A_834 : memref<16x1024xf32, #tpu.memory_space<hbm>>) target_semaphore(%arg21 : memref<!tpu.dma_semaphore, #tpu.memory_space<semaphore_mem>>)
    %dma_wait3A_835 = arith.constant 0 : i32
    %dma_wait3A_836 = tpu.memref_slice %arg4[%select_n3A, %add3A_760, %dma_wait3A_835] : memref<4x4096x1024xf32, #tpu.memory_space<hbm>> -> memref<1x16x1024xf32, #tpu.memory_space<hbm>>
    %dma_wait3A_837 = tpu.memref_squeeze %dma_wait3A_836 : memref<1x16x1024xf32, #tpu.memory_space<hbm>> -> memref<16x1024xf32, #tpu.memory_space<hbm>>
    %dma_wait3A_838 = arith.constant 0 : i32
    %dma_wait3A_839 = tpu.memref_slice %arg4[%select_n3A, %add3A_760, %dma_wait3A_838] : memref<4x4096x1024xf32, #tpu.memory_space<hbm>> -> memref<1x16x1024xf32, #tpu.memory_space<hbm>>
    %dma_wait3A_840 = tpu.memref_squeeze %dma_wait3A_839 : memref<1x16x1024xf32, #tpu.memory_space<hbm>> -> memref<16x1024xf32, #tpu.memory_space<hbm>>
    tpu.wait_dma2 semaphore(%arg26 : memref<!tpu.dma_semaphore, #tpu.memory_space<semaphore_mem>>) src(%arg12 : memref<16x1024xf32, #tpu.memory_space<vmem>>) dst(%dma_wait3A_840 : memref<16x1024xf32, #tpu.memory_space<hbm>>)
    %dma_start3A_841 = arith.constant 0 : i32
    %dma_start3A_842 = arith.constant 432 : i32
    %dma_start3A_843 = tpu.memref_slice %arg5[%dma_start3A_842] : memref<512xi32, #tpu.memory_space<vmem>> -> memref<16xi32, #tpu.memory_space<vmem>>
    %dma_start3A_844 = arith.constant 0 : i32
    %dma_start3A_845 = arith.constant 0 : i32
    %dma_start3A_846 = tpu.memref_slice %arg3[%dma_start3A_841, %dma_start3A_844, %dma_start3A_845] : memref<1x4098x1024xf32, #tpu.memory_space<hbm>> -> memref<1x4098x1024xf32, #tpu.memory_space<hbm>>
    %dma_start3A_847 = tpu.memref_squeeze %dma_start3A_846 : memref<1x4098x1024xf32, #tpu.memory_space<hbm>> -> memref<4098x1024xf32, #tpu.memory_space<hbm>>
    %dma_start3A_848 = arith.constant 0 : i32
    %dma_start3A_849 = arith.constant 0 : i32
    %dma_start3A_850 = tpu.memref_slice %dma_start3A_847[%dma_start3A_848, %dma_start3A_849] : memref<4098x1024xf32, #tpu.memory_space<hbm>> -> memref<4098x1024xf32, #tpu.memory_space<hbm>>
    tpu.enqueue_indirect_dma source(%dma_start3A_850 : memref<4098x1024xf32, #tpu.memory_space<hbm>>) target(%arg12 : memref<16x1024xf32, #tpu.memory_space<vmem>>) offsets(%dma_start3A_843 : memref<16xi32, #tpu.memory_space<vmem>>) semaphore(%arg19 : memref<!tpu.dma_semaphore, #tpu.memory_space<semaphore_mem>>)
    %dma_wait3A_851 = arith.constant 0 : i32
    %dma_wait3A_852 = arith.constant 368 : i32
    %dma_wait3A_853 = tpu.memref_slice %arg5[%dma_wait3A_852] : memref<512xi32, #tpu.memory_space<vmem>> -> memref<16xi32, #tpu.memory_space<vmem>>
    %dma_wait3A_854 = arith.constant 0 : i32
    %dma_wait3A_855 = arith.constant 0 : i32
    %dma_wait3A_856 = tpu.memref_slice %arg3[%dma_wait3A_851, %dma_wait3A_854, %dma_wait3A_855] : memref<1x4098x1024xf32, #tpu.memory_space<hbm>> -> memref<1x4098x1024xf32, #tpu.memory_space<hbm>>
    %dma_wait3A_857 = tpu.memref_squeeze %dma_wait3A_856 : memref<1x4098x1024xf32, #tpu.memory_space<hbm>> -> memref<4098x1024xf32, #tpu.memory_space<hbm>>
    %dma_wait3A_858 = arith.constant 0 : i32
    %dma_wait3A_859 = arith.constant 0 : i32
    %dma_wait3A_860 = tpu.memref_slice %dma_wait3A_857[%dma_wait3A_858, %dma_wait3A_859] : memref<4098x1024xf32, #tpu.memory_space<hbm>> -> memref<4098x1024xf32, #tpu.memory_space<hbm>>
    tpu.wait_indirect_dma semaphore(%arg15 : memref<!tpu.dma_semaphore, #tpu.memory_space<semaphore_mem>>) src(%dma_wait3A_860 : memref<4098x1024xf32, #tpu.memory_space<hbm>>) dst(%arg8 : memref<16x1024xf32, #tpu.memory_space<vmem>>)
    %add3A_861 = arith.constant 368 : i32
    %add3A_862 = arith.addi %mul3A_32, %add3A_861 : i32
    %dma_start3A_863 = arith.constant 0 : i32
    %dma_start3A_864 = tpu.memref_slice %arg4[%select_n3A, %add3A_862, %dma_start3A_863] : memref<4x4096x1024xf32, #tpu.memory_space<hbm>> -> memref<1x16x1024xf32, #tpu.memory_space<hbm>>
    %dma_start3A_865 = tpu.memref_squeeze %dma_start3A_864 : memref<1x16x1024xf32, #tpu.memory_space<hbm>> -> memref<16x1024xf32, #tpu.memory_space<hbm>>
    %dma_start3A_866 = arith.constant 0 : i32
    %dma_start3A_867 = tpu.memref_slice %arg4[%select_n3A, %add3A_862, %dma_start3A_866] : memref<4x4096x1024xf32, #tpu.memory_space<hbm>> -> memref<1x16x1024xf32, #tpu.memory_space<hbm>>
    %dma_start3A_868 = tpu.memref_squeeze %dma_start3A_867 : memref<1x16x1024xf32, #tpu.memory_space<hbm>> -> memref<16x1024xf32, #tpu.memory_space<hbm>>
    tpu.enqueue_dma source(%arg8 : memref<16x1024xf32, #tpu.memory_space<vmem>>) target(%dma_start3A_868 : memref<16x1024xf32, #tpu.memory_space<hbm>>) target_semaphore(%arg22 : memref<!tpu.dma_semaphore, #tpu.memory_space<semaphore_mem>>)
    %dma_wait3A_869 = arith.constant 0 : i32
    %dma_wait3A_870 = tpu.memref_slice %arg4[%select_n3A, %add3A_794, %dma_wait3A_869] : memref<4x4096x1024xf32, #tpu.memory_space<hbm>> -> memref<1x16x1024xf32, #tpu.memory_space<hbm>>
    %dma_wait3A_871 = tpu.memref_squeeze %dma_wait3A_870 : memref<1x16x1024xf32, #tpu.memory_space<hbm>> -> memref<16x1024xf32, #tpu.memory_space<hbm>>
    %dma_wait3A_872 = arith.constant 0 : i32
    %dma_wait3A_873 = tpu.memref_slice %arg4[%select_n3A, %add3A_794, %dma_wait3A_872] : memref<4x4096x1024xf32, #tpu.memory_space<hbm>> -> memref<1x16x1024xf32, #tpu.memory_space<hbm>>
    %dma_wait3A_874 = tpu.memref_squeeze %dma_wait3A_873 : memref<1x16x1024xf32, #tpu.memory_space<hbm>> -> memref<16x1024xf32, #tpu.memory_space<hbm>>
    tpu.wait_dma2 semaphore(%arg20 : memref<!tpu.dma_semaphore, #tpu.memory_space<semaphore_mem>>) src(%arg6 : memref<16x1024xf32, #tpu.memory_space<vmem>>) dst(%dma_wait3A_874 : memref<16x1024xf32, #tpu.memory_space<hbm>>)
    %dma_start3A_875 = arith.constant 0 : i32
    %dma_start3A_876 = arith.constant 448 : i32
    %dma_start3A_877 = tpu.memref_slice %arg5[%dma_start3A_876] : memref<512xi32, #tpu.memory_space<vmem>> -> memref<16xi32, #tpu.memory_space<vmem>>
    %dma_start3A_878 = arith.constant 0 : i32
    %dma_start3A_879 = arith.constant 0 : i32
    %dma_start3A_880 = tpu.memref_slice %arg3[%dma_start3A_875, %dma_start3A_878, %dma_start3A_879] : memref<1x4098x1024xf32, #tpu.memory_space<hbm>> -> memref<1x4098x1024xf32, #tpu.memory_space<hbm>>
    %dma_start3A_881 = tpu.memref_squeeze %dma_start3A_880 : memref<1x4098x1024xf32, #tpu.memory_space<hbm>> -> memref<4098x1024xf32, #tpu.memory_space<hbm>>
    %dma_start3A_882 = arith.constant 0 : i32
    %dma_start3A_883 = arith.constant 0 : i32
    %dma_start3A_884 = tpu.memref_slice %dma_start3A_881[%dma_start3A_882, %dma_start3A_883] : memref<4098x1024xf32, #tpu.memory_space<hbm>> -> memref<4098x1024xf32, #tpu.memory_space<hbm>>
    tpu.enqueue_indirect_dma source(%dma_start3A_884 : memref<4098x1024xf32, #tpu.memory_space<hbm>>) target(%arg6 : memref<16x1024xf32, #tpu.memory_space<vmem>>) offsets(%dma_start3A_877 : memref<16xi32, #tpu.memory_space<vmem>>) semaphore(%arg13 : memref<!tpu.dma_semaphore, #tpu.memory_space<semaphore_mem>>)
    %dma_wait3A_885 = arith.constant 0 : i32
    %dma_wait3A_886 = arith.constant 384 : i32
    %dma_wait3A_887 = tpu.memref_slice %arg5[%dma_wait3A_886] : memref<512xi32, #tpu.memory_space<vmem>> -> memref<16xi32, #tpu.memory_space<vmem>>
    %dma_wait3A_888 = arith.constant 0 : i32
    %dma_wait3A_889 = arith.constant 0 : i32
    %dma_wait3A_890 = tpu.memref_slice %arg3[%dma_wait3A_885, %dma_wait3A_888, %dma_wait3A_889] : memref<1x4098x1024xf32, #tpu.memory_space<hbm>> -> memref<1x4098x1024xf32, #tpu.memory_space<hbm>>
    %dma_wait3A_891 = tpu.memref_squeeze %dma_wait3A_890 : memref<1x4098x1024xf32, #tpu.memory_space<hbm>> -> memref<4098x1024xf32, #tpu.memory_space<hbm>>
    %dma_wait3A_892 = arith.constant 0 : i32
    %dma_wait3A_893 = arith.constant 0 : i32
    %dma_wait3A_894 = tpu.memref_slice %dma_wait3A_891[%dma_wait3A_892, %dma_wait3A_893] : memref<4098x1024xf32, #tpu.memory_space<hbm>> -> memref<4098x1024xf32, #tpu.memory_space<hbm>>
    tpu.wait_indirect_dma semaphore(%arg16 : memref<!tpu.dma_semaphore, #tpu.memory_space<semaphore_mem>>) src(%dma_wait3A_894 : memref<4098x1024xf32, #tpu.memory_space<hbm>>) dst(%arg9 : memref<16x1024xf32, #tpu.memory_space<vmem>>)
    %add3A_895 = arith.constant 384 : i32
    %add3A_896 = arith.addi %mul3A_32, %add3A_895 : i32
    %dma_start3A_897 = arith.constant 0 : i32
    %dma_start3A_898 = tpu.memref_slice %arg4[%select_n3A, %add3A_896, %dma_start3A_897] : memref<4x4096x1024xf32, #tpu.memory_space<hbm>> -> memref<1x16x1024xf32, #tpu.memory_space<hbm>>
    %dma_start3A_899 = tpu.memref_squeeze %dma_start3A_898 : memref<1x16x1024xf32, #tpu.memory_space<hbm>> -> memref<16x1024xf32, #tpu.memory_space<hbm>>
    %dma_start3A_900 = arith.constant 0 : i32
    %dma_start3A_901 = tpu.memref_slice %arg4[%select_n3A, %add3A_896, %dma_start3A_900] : memref<4x4096x1024xf32, #tpu.memory_space<hbm>> -> memref<1x16x1024xf32, #tpu.memory_space<hbm>>
    %dma_start3A_902 = tpu.memref_squeeze %dma_start3A_901 : memref<1x16x1024xf32, #tpu.memory_space<hbm>> -> memref<16x1024xf32, #tpu.memory_space<hbm>>
    tpu.enqueue_dma source(%arg9 : memref<16x1024xf32, #tpu.memory_space<vmem>>) target(%dma_start3A_902 : memref<16x1024xf32, #tpu.memory_space<hbm>>) target_semaphore(%arg23 : memref<!tpu.dma_semaphore, #tpu.memory_space<semaphore_mem>>)
    %dma_wait3A_903 = arith.constant 0 : i32
    %dma_wait3A_904 = tpu.memref_slice %arg4[%select_n3A, %add3A_828, %dma_wait3A_903] : memref<4x4096x1024xf32, #tpu.memory_space<hbm>> -> memref<1x16x1024xf32, #tpu.memory_space<hbm>>
    %dma_wait3A_905 = tpu.memref_squeeze %dma_wait3A_904 : memref<1x16x1024xf32, #tpu.memory_space<hbm>> -> memref<16x1024xf32, #tpu.memory_space<hbm>>
    %dma_wait3A_906 = arith.constant 0 : i32
    %dma_wait3A_907 = tpu.memref_slice %arg4[%select_n3A, %add3A_828, %dma_wait3A_906] : memref<4x4096x1024xf32, #tpu.memory_space<hbm>> -> memref<1x16x1024xf32, #tpu.memory_space<hbm>>
    %dma_wait3A_908 = tpu.memref_squeeze %dma_wait3A_907 : memref<1x16x1024xf32, #tpu.memory_space<hbm>> -> memref<16x1024xf32, #tpu.memory_space<hbm>>
    tpu.wait_dma2 semaphore(%arg21 : memref<!tpu.dma_semaphore, #tpu.memory_space<semaphore_mem>>) src(%arg7 : memref<16x1024xf32, #tpu.memory_space<vmem>>) dst(%dma_wait3A_908 : memref<16x1024xf32, #tpu.memory_space<hbm>>)
    %dma_start3A_909 = arith.constant 0 : i32
    %dma_start3A_910 = arith.constant 464 : i32
    %dma_start3A_911 = tpu.memref_slice %arg5[%dma_start3A_910] : memref<512xi32, #tpu.memory_space<vmem>> -> memref<16xi32, #tpu.memory_space<vmem>>
    %dma_start3A_912 = arith.constant 0 : i32
    %dma_start3A_913 = arith.constant 0 : i32
    %dma_start3A_914 = tpu.memref_slice %arg3[%dma_start3A_909, %dma_start3A_912, %dma_start3A_913] : memref<1x4098x1024xf32, #tpu.memory_space<hbm>> -> memref<1x4098x1024xf32, #tpu.memory_space<hbm>>
    %dma_start3A_915 = tpu.memref_squeeze %dma_start3A_914 : memref<1x4098x1024xf32, #tpu.memory_space<hbm>> -> memref<4098x1024xf32, #tpu.memory_space<hbm>>
    %dma_start3A_916 = arith.constant 0 : i32
    %dma_start3A_917 = arith.constant 0 : i32
    %dma_start3A_918 = tpu.memref_slice %dma_start3A_915[%dma_start3A_916, %dma_start3A_917] : memref<4098x1024xf32, #tpu.memory_space<hbm>> -> memref<4098x1024xf32, #tpu.memory_space<hbm>>
    tpu.enqueue_indirect_dma source(%dma_start3A_918 : memref<4098x1024xf32, #tpu.memory_space<hbm>>) target(%arg7 : memref<16x1024xf32, #tpu.memory_space<vmem>>) offsets(%dma_start3A_911 : memref<16xi32, #tpu.memory_space<vmem>>) semaphore(%arg14 : memref<!tpu.dma_semaphore, #tpu.memory_space<semaphore_mem>>)
    %dma_wait3A_919 = arith.constant 0 : i32
    %dma_wait3A_920 = arith.constant 400 : i32
    %dma_wait3A_921 = tpu.memref_slice %arg5[%dma_wait3A_920] : memref<512xi32, #tpu.memory_space<vmem>> -> memref<16xi32, #tpu.memory_space<vmem>>
    %dma_wait3A_922 = arith.constant 0 : i32
    %dma_wait3A_923 = arith.constant 0 : i32
    %dma_wait3A_924 = tpu.memref_slice %arg3[%dma_wait3A_919, %dma_wait3A_922, %dma_wait3A_923] : memref<1x4098x1024xf32, #tpu.memory_space<hbm>> -> memref<1x4098x1024xf32, #tpu.memory_space<hbm>>
    %dma_wait3A_925 = tpu.memref_squeeze %dma_wait3A_924 : memref<1x4098x1024xf32, #tpu.memory_space<hbm>> -> memref<4098x1024xf32, #tpu.memory_space<hbm>>
    %dma_wait3A_926 = arith.constant 0 : i32
    %dma_wait3A_927 = arith.constant 0 : i32
    %dma_wait3A_928 = tpu.memref_slice %dma_wait3A_925[%dma_wait3A_926, %dma_wait3A_927] : memref<4098x1024xf32, #tpu.memory_space<hbm>> -> memref<4098x1024xf32, #tpu.memory_space<hbm>>
    tpu.wait_indirect_dma semaphore(%arg17 : memref<!tpu.dma_semaphore, #tpu.memory_space<semaphore_mem>>) src(%dma_wait3A_928 : memref<4098x1024xf32, #tpu.memory_space<hbm>>) dst(%arg10 : memref<16x1024xf32, #tpu.memory_space<vmem>>)
    %add3A_929 = arith.constant 400 : i32
    %add3A_930 = arith.addi %mul3A_32, %add3A_929 : i32
    %dma_start3A_931 = arith.constant 0 : i32
    %dma_start3A_932 = tpu.memref_slice %arg4[%select_n3A, %add3A_930, %dma_start3A_931] : memref<4x4096x1024xf32, #tpu.memory_space<hbm>> -> memref<1x16x1024xf32, #tpu.memory_space<hbm>>
    %dma_start3A_933 = tpu.memref_squeeze %dma_start3A_932 : memref<1x16x1024xf32, #tpu.memory_space<hbm>> -> memref<16x1024xf32, #tpu.memory_space<hbm>>
    %dma_start3A_934 = arith.constant 0 : i32
    %dma_start3A_935 = tpu.memref_slice %arg4[%select_n3A, %add3A_930, %dma_start3A_934] : memref<4x4096x1024xf32, #tpu.memory_space<hbm>> -> memref<1x16x1024xf32, #tpu.memory_space<hbm>>
    %dma_start3A_936 = tpu.memref_squeeze %dma_start3A_935 : memref<1x16x1024xf32, #tpu.memory_space<hbm>> -> memref<16x1024xf32, #tpu.memory_space<hbm>>
    tpu.enqueue_dma source(%arg10 : memref<16x1024xf32, #tpu.memory_space<vmem>>) target(%dma_start3A_936 : memref<16x1024xf32, #tpu.memory_space<hbm>>) target_semaphore(%arg24 : memref<!tpu.dma_semaphore, #tpu.memory_space<semaphore_mem>>)
    %dma_wait3A_937 = arith.constant 0 : i32
    %dma_wait3A_938 = tpu.memref_slice %arg4[%select_n3A, %add3A_862, %dma_wait3A_937] : memref<4x4096x1024xf32, #tpu.memory_space<hbm>> -> memref<1x16x1024xf32, #tpu.memory_space<hbm>>
    %dma_wait3A_939 = tpu.memref_squeeze %dma_wait3A_938 : memref<1x16x1024xf32, #tpu.memory_space<hbm>> -> memref<16x1024xf32, #tpu.memory_space<hbm>>
    %dma_wait3A_940 = arith.constant 0 : i32
    %dma_wait3A_941 = tpu.memref_slice %arg4[%select_n3A, %add3A_862, %dma_wait3A_940] : memref<4x4096x1024xf32, #tpu.memory_space<hbm>> -> memref<1x16x1024xf32, #tpu.memory_space<hbm>>
    %dma_wait3A_942 = tpu.memref_squeeze %dma_wait3A_941 : memref<1x16x1024xf32, #tpu.memory_space<hbm>> -> memref<16x1024xf32, #tpu.memory_space<hbm>>
    tpu.wait_dma2 semaphore(%arg22 : memref<!tpu.dma_semaphore, #tpu.memory_space<semaphore_mem>>) src(%arg8 : memref<16x1024xf32, #tpu.memory_space<vmem>>) dst(%dma_wait3A_942 : memref<16x1024xf32, #tpu.memory_space<hbm>>)
    %dma_start3A_943 = arith.constant 0 : i32
    %dma_start3A_944 = arith.constant 480 : i32
    %dma_start3A_945 = tpu.memref_slice %arg5[%dma_start3A_944] : memref<512xi32, #tpu.memory_space<vmem>> -> memref<16xi32, #tpu.memory_space<vmem>>
    %dma_start3A_946 = arith.constant 0 : i32
    %dma_start3A_947 = arith.constant 0 : i32
    %dma_start3A_948 = tpu.memref_slice %arg3[%dma_start3A_943, %dma_start3A_946, %dma_start3A_947] : memref<1x4098x1024xf32, #tpu.memory_space<hbm>> -> memref<1x4098x1024xf32, #tpu.memory_space<hbm>>
    %dma_start3A_949 = tpu.memref_squeeze %dma_start3A_948 : memref<1x4098x1024xf32, #tpu.memory_space<hbm>> -> memref<4098x1024xf32, #tpu.memory_space<hbm>>
    %dma_start3A_950 = arith.constant 0 : i32
    %dma_start3A_951 = arith.constant 0 : i32
    %dma_start3A_952 = tpu.memref_slice %dma_start3A_949[%dma_start3A_950, %dma_start3A_951] : memref<4098x1024xf32, #tpu.memory_space<hbm>> -> memref<4098x1024xf32, #tpu.memory_space<hbm>>
    tpu.enqueue_indirect_dma source(%dma_start3A_952 : memref<4098x1024xf32, #tpu.memory_space<hbm>>) target(%arg8 : memref<16x1024xf32, #tpu.memory_space<vmem>>) offsets(%dma_start3A_945 : memref<16xi32, #tpu.memory_space<vmem>>) semaphore(%arg15 : memref<!tpu.dma_semaphore, #tpu.memory_space<semaphore_mem>>)
    %dma_wait3A_953 = arith.constant 0 : i32
    %dma_wait3A_954 = arith.constant 416 : i32
    %dma_wait3A_955 = tpu.memref_slice %arg5[%dma_wait3A_954] : memref<512xi32, #tpu.memory_space<vmem>> -> memref<16xi32, #tpu.memory_space<vmem>>
    %dma_wait3A_956 = arith.constant 0 : i32
    %dma_wait3A_957 = arith.constant 0 : i32
    %dma_wait3A_958 = tpu.memref_slice %arg3[%dma_wait3A_953, %dma_wait3A_956, %dma_wait3A_957] : memref<1x4098x1024xf32, #tpu.memory_space<hbm>> -> memref<1x4098x1024xf32, #tpu.memory_space<hbm>>
    %dma_wait3A_959 = tpu.memref_squeeze %dma_wait3A_958 : memref<1x4098x1024xf32, #tpu.memory_space<hbm>> -> memref<4098x1024xf32, #tpu.memory_space<hbm>>
    %dma_wait3A_960 = arith.constant 0 : i32
    %dma_wait3A_961 = arith.constant 0 : i32
    %dma_wait3A_962 = tpu.memref_slice %dma_wait3A_959[%dma_wait3A_960, %dma_wait3A_961] : memref<4098x1024xf32, #tpu.memory_space<hbm>> -> memref<4098x1024xf32, #tpu.memory_space<hbm>>
    tpu.wait_indirect_dma semaphore(%arg18 : memref<!tpu.dma_semaphore, #tpu.memory_space<semaphore_mem>>) src(%dma_wait3A_962 : memref<4098x1024xf32, #tpu.memory_space<hbm>>) dst(%arg11 : memref<16x1024xf32, #tpu.memory_space<vmem>>)
    %add3A_963 = arith.constant 416 : i32
    %add3A_964 = arith.addi %mul3A_32, %add3A_963 : i32
    %dma_start3A_965 = arith.constant 0 : i32
    %dma_start3A_966 = tpu.memref_slice %arg4[%select_n3A, %add3A_964, %dma_start3A_965] : memref<4x4096x1024xf32, #tpu.memory_space<hbm>> -> memref<1x16x1024xf32, #tpu.memory_space<hbm>>
    %dma_start3A_967 = tpu.memref_squeeze %dma_start3A_966 : memref<1x16x1024xf32, #tpu.memory_space<hbm>> -> memref<16x1024xf32, #tpu.memory_space<hbm>>
    %dma_start3A_968 = arith.constant 0 : i32
    %dma_start3A_969 = tpu.memref_slice %arg4[%select_n3A, %add3A_964, %dma_start3A_968] : memref<4x4096x1024xf32, #tpu.memory_space<hbm>> -> memref<1x16x1024xf32, #tpu.memory_space<hbm>>
    %dma_start3A_970 = tpu.memref_squeeze %dma_start3A_969 : memref<1x16x1024xf32, #tpu.memory_space<hbm>> -> memref<16x1024xf32, #tpu.memory_space<hbm>>
    tpu.enqueue_dma source(%arg11 : memref<16x1024xf32, #tpu.memory_space<vmem>>) target(%dma_start3A_970 : memref<16x1024xf32, #tpu.memory_space<hbm>>) target_semaphore(%arg25 : memref<!tpu.dma_semaphore, #tpu.memory_space<semaphore_mem>>)
    %dma_wait3A_971 = arith.constant 0 : i32
    %dma_wait3A_972 = tpu.memref_slice %arg4[%select_n3A, %add3A_896, %dma_wait3A_971] : memref<4x4096x1024xf32, #tpu.memory_space<hbm>> -> memref<1x16x1024xf32, #tpu.memory_space<hbm>>
    %dma_wait3A_973 = tpu.memref_squeeze %dma_wait3A_972 : memref<1x16x1024xf32, #tpu.memory_space<hbm>> -> memref<16x1024xf32, #tpu.memory_space<hbm>>
    %dma_wait3A_974 = arith.constant 0 : i32
    %dma_wait3A_975 = tpu.memref_slice %arg4[%select_n3A, %add3A_896, %dma_wait3A_974] : memref<4x4096x1024xf32, #tpu.memory_space<hbm>> -> memref<1x16x1024xf32, #tpu.memory_space<hbm>>
    %dma_wait3A_976 = tpu.memref_squeeze %dma_wait3A_975 : memref<1x16x1024xf32, #tpu.memory_space<hbm>> -> memref<16x1024xf32, #tpu.memory_space<hbm>>
    tpu.wait_dma2 semaphore(%arg23 : memref<!tpu.dma_semaphore, #tpu.memory_space<semaphore_mem>>) src(%arg9 : memref<16x1024xf32, #tpu.memory_space<vmem>>) dst(%dma_wait3A_976 : memref<16x1024xf32, #tpu.memory_space<hbm>>)
    %dma_start3A_977 = arith.constant 0 : i32
    %dma_start3A_978 = arith.constant 496 : i32
    %dma_start3A_979 = tpu.memref_slice %arg5[%dma_start3A_978] : memref<512xi32, #tpu.memory_space<vmem>> -> memref<16xi32, #tpu.memory_space<vmem>>
    %dma_start3A_980 = arith.constant 0 : i32
    %dma_start3A_981 = arith.constant 0 : i32
    %dma_start3A_982 = tpu.memref_slice %arg3[%dma_start3A_977, %dma_start3A_980, %dma_start3A_981] : memref<1x4098x1024xf32, #tpu.memory_space<hbm>> -> memref<1x4098x1024xf32, #tpu.memory_space<hbm>>
    %dma_start3A_983 = tpu.memref_squeeze %dma_start3A_982 : memref<1x4098x1024xf32, #tpu.memory_space<hbm>> -> memref<4098x1024xf32, #tpu.memory_space<hbm>>
    %dma_start3A_984 = arith.constant 0 : i32
    %dma_start3A_985 = arith.constant 0 : i32
    %dma_start3A_986 = tpu.memref_slice %dma_start3A_983[%dma_start3A_984, %dma_start3A_985] : memref<4098x1024xf32, #tpu.memory_space<hbm>> -> memref<4098x1024xf32, #tpu.memory_space<hbm>>
    tpu.enqueue_indirect_dma source(%dma_start3A_986 : memref<4098x1024xf32, #tpu.memory_space<hbm>>) target(%arg9 : memref<16x1024xf32, #tpu.memory_space<vmem>>) offsets(%dma_start3A_979 : memref<16xi32, #tpu.memory_space<vmem>>) semaphore(%arg16 : memref<!tpu.dma_semaphore, #tpu.memory_space<semaphore_mem>>)
    %dma_wait3A_987 = arith.constant 0 : i32
    %dma_wait3A_988 = arith.constant 432 : i32
    %dma_wait3A_989 = tpu.memref_slice %arg5[%dma_wait3A_988] : memref<512xi32, #tpu.memory_space<vmem>> -> memref<16xi32, #tpu.memory_space<vmem>>
    %dma_wait3A_990 = arith.constant 0 : i32
    %dma_wait3A_991 = arith.constant 0 : i32
    %dma_wait3A_992 = tpu.memref_slice %arg3[%dma_wait3A_987, %dma_wait3A_990, %dma_wait3A_991] : memref<1x4098x1024xf32, #tpu.memory_space<hbm>> -> memref<1x4098x1024xf32, #tpu.memory_space<hbm>>
    %dma_wait3A_993 = tpu.memref_squeeze %dma_wait3A_992 : memref<1x4098x1024xf32, #tpu.memory_space<hbm>> -> memref<4098x1024xf32, #tpu.memory_space<hbm>>
    %dma_wait3A_994 = arith.constant 0 : i32
    %dma_wait3A_995 = arith.constant 0 : i32
    %dma_wait3A_996 = tpu.memref_slice %dma_wait3A_993[%dma_wait3A_994, %dma_wait3A_995] : memref<4098x1024xf32, #tpu.memory_space<hbm>> -> memref<4098x1024xf32, #tpu.memory_space<hbm>>
    tpu.wait_indirect_dma semaphore(%arg19 : memref<!tpu.dma_semaphore, #tpu.memory_space<semaphore_mem>>) src(%dma_wait3A_996 : memref<4098x1024xf32, #tpu.memory_space<hbm>>) dst(%arg12 : memref<16x1024xf32, #tpu.memory_space<vmem>>)
    %add3A_997 = arith.constant 432 : i32
    %add3A_998 = arith.addi %mul3A_32, %add3A_997 : i32
    %dma_start3A_999 = arith.constant 0 : i32
    %dma_start3A_1000 = tpu.memref_slice %arg4[%select_n3A, %add3A_998, %dma_start3A_999] : memref<4x4096x1024xf32, #tpu.memory_space<hbm>> -> memref<1x16x1024xf32, #tpu.memory_space<hbm>>
    %dma_start3A_1001 = tpu.memref_squeeze %dma_start3A_1000 : memref<1x16x1024xf32, #tpu.memory_space<hbm>> -> memref<16x1024xf32, #tpu.memory_space<hbm>>
    %dma_start3A_1002 = arith.constant 0 : i32
    %dma_start3A_1003 = tpu.memref_slice %arg4[%select_n3A, %add3A_998, %dma_start3A_1002] : memref<4x4096x1024xf32, #tpu.memory_space<hbm>> -> memref<1x16x1024xf32, #tpu.memory_space<hbm>>
    %dma_start3A_1004 = tpu.memref_squeeze %dma_start3A_1003 : memref<1x16x1024xf32, #tpu.memory_space<hbm>> -> memref<16x1024xf32, #tpu.memory_space<hbm>>
    tpu.enqueue_dma source(%arg12 : memref<16x1024xf32, #tpu.memory_space<vmem>>) target(%dma_start3A_1004 : memref<16x1024xf32, #tpu.memory_space<hbm>>) target_semaphore(%arg26 : memref<!tpu.dma_semaphore, #tpu.memory_space<semaphore_mem>>)
    %dma_wait3A_1005 = arith.constant 0 : i32
    %dma_wait3A_1006 = arith.constant 448 : i32
    %dma_wait3A_1007 = tpu.memref_slice %arg5[%dma_wait3A_1006] : memref<512xi32, #tpu.memory_space<vmem>> -> memref<16xi32, #tpu.memory_space<vmem>>
    %dma_wait3A_1008 = arith.constant 0 : i32
    %dma_wait3A_1009 = arith.constant 0 : i32
    %dma_wait3A_1010 = tpu.memref_slice %arg3[%dma_wait3A_1005, %dma_wait3A_1008, %dma_wait3A_1009] : memref<1x4098x1024xf32, #tpu.memory_space<hbm>> -> memref<1x4098x1024xf32, #tpu.memory_space<hbm>>
    %dma_wait3A_1011 = tpu.memref_squeeze %dma_wait3A_1010 : memref<1x4098x1024xf32, #tpu.memory_space<hbm>> -> memref<4098x1024xf32, #tpu.memory_space<hbm>>
    %dma_wait3A_1012 = arith.constant 0 : i32
    %dma_wait3A_1013 = arith.constant 0 : i32
    %dma_wait3A_1014 = tpu.memref_slice %dma_wait3A_1011[%dma_wait3A_1012, %dma_wait3A_1013] : memref<4098x1024xf32, #tpu.memory_space<hbm>> -> memref<4098x1024xf32, #tpu.memory_space<hbm>>
    tpu.wait_indirect_dma semaphore(%arg13 : memref<!tpu.dma_semaphore, #tpu.memory_space<semaphore_mem>>) src(%dma_wait3A_1014 : memref<4098x1024xf32, #tpu.memory_space<hbm>>) dst(%arg6 : memref<16x1024xf32, #tpu.memory_space<vmem>>)
    %add3A_1015 = arith.constant 448 : i32
    %add3A_1016 = arith.addi %mul3A_32, %add3A_1015 : i32
    %dma_start3A_1017 = arith.constant 0 : i32
    %dma_start3A_1018 = tpu.memref_slice %arg4[%select_n3A, %add3A_1016, %dma_start3A_1017] : memref<4x4096x1024xf32, #tpu.memory_space<hbm>> -> memref<1x16x1024xf32, #tpu.memory_space<hbm>>
    %dma_start3A_1019 = tpu.memref_squeeze %dma_start3A_1018 : memref<1x16x1024xf32, #tpu.memory_space<hbm>> -> memref<16x1024xf32, #tpu.memory_space<hbm>>
    %dma_start3A_1020 = arith.constant 0 : i32
    %dma_start3A_1021 = tpu.memref_slice %arg4[%select_n3A, %add3A_1016, %dma_start3A_1020] : memref<4x4096x1024xf32, #tpu.memory_space<hbm>> -> memref<1x16x1024xf32, #tpu.memory_space<hbm>>
    %dma_start3A_1022 = tpu.memref_squeeze %dma_start3A_1021 : memref<1x16x1024xf32, #tpu.memory_space<hbm>> -> memref<16x1024xf32, #tpu.memory_space<hbm>>
    tpu.enqueue_dma source(%arg6 : memref<16x1024xf32, #tpu.memory_space<vmem>>) target(%dma_start3A_1022 : memref<16x1024xf32, #tpu.memory_space<hbm>>) target_semaphore(%arg20 : memref<!tpu.dma_semaphore, #tpu.memory_space<semaphore_mem>>)
    %dma_wait3A_1023 = arith.constant 0 : i32
    %dma_wait3A_1024 = arith.constant 464 : i32
    %dma_wait3A_1025 = tpu.memref_slice %arg5[%dma_wait3A_1024] : memref<512xi32, #tpu.memory_space<vmem>> -> memref<16xi32, #tpu.memory_space<vmem>>
    %dma_wait3A_1026 = arith.constant 0 : i32
    %dma_wait3A_1027 = arith.constant 0 : i32
    %dma_wait3A_1028 = tpu.memref_slice %arg3[%dma_wait3A_1023, %dma_wait3A_1026, %dma_wait3A_1027] : memref<1x4098x1024xf32, #tpu.memory_space<hbm>> -> memref<1x4098x1024xf32, #tpu.memory_space<hbm>>
    %dma_wait3A_1029 = tpu.memref_squeeze %dma_wait3A_1028 : memref<1x4098x1024xf32, #tpu.memory_space<hbm>> -> memref<4098x1024xf32, #tpu.memory_space<hbm>>
    %dma_wait3A_1030 = arith.constant 0 : i32
    %dma_wait3A_1031 = arith.constant 0 : i32
    %dma_wait3A_1032 = tpu.memref_slice %dma_wait3A_1029[%dma_wait3A_1030, %dma_wait3A_1031] : memref<4098x1024xf32, #tpu.memory_space<hbm>> -> memref<4098x1024xf32, #tpu.memory_space<hbm>>
    tpu.wait_indirect_dma semaphore(%arg14 : memref<!tpu.dma_semaphore, #tpu.memory_space<semaphore_mem>>) src(%dma_wait3A_1032 : memref<4098x1024xf32, #tpu.memory_space<hbm>>) dst(%arg7 : memref<16x1024xf32, #tpu.memory_space<vmem>>)
    %add3A_1033 = arith.constant 464 : i32
    %add3A_1034 = arith.addi %mul3A_32, %add3A_1033 : i32
    %dma_start3A_1035 = arith.constant 0 : i32
    %dma_start3A_1036 = tpu.memref_slice %arg4[%select_n3A, %add3A_1034, %dma_start3A_1035] : memref<4x4096x1024xf32, #tpu.memory_space<hbm>> -> memref<1x16x1024xf32, #tpu.memory_space<hbm>>
    %dma_start3A_1037 = tpu.memref_squeeze %dma_start3A_1036 : memref<1x16x1024xf32, #tpu.memory_space<hbm>> -> memref<16x1024xf32, #tpu.memory_space<hbm>>
    %dma_start3A_1038 = arith.constant 0 : i32
    %dma_start3A_1039 = tpu.memref_slice %arg4[%select_n3A, %add3A_1034, %dma_start3A_1038] : memref<4x4096x1024xf32, #tpu.memory_space<hbm>> -> memref<1x16x1024xf32, #tpu.memory_space<hbm>>
    %dma_start3A_1040 = tpu.memref_squeeze %dma_start3A_1039 : memref<1x16x1024xf32, #tpu.memory_space<hbm>> -> memref<16x1024xf32, #tpu.memory_space<hbm>>
    tpu.enqueue_dma source(%arg7 : memref<16x1024xf32, #tpu.memory_space<vmem>>) target(%dma_start3A_1040 : memref<16x1024xf32, #tpu.memory_space<hbm>>) target_semaphore(%arg21 : memref<!tpu.dma_semaphore, #tpu.memory_space<semaphore_mem>>)
    %dma_wait3A_1041 = arith.constant 0 : i32
    %dma_wait3A_1042 = arith.constant 480 : i32
    %dma_wait3A_1043 = tpu.memref_slice %arg5[%dma_wait3A_1042] : memref<512xi32, #tpu.memory_space<vmem>> -> memref<16xi32, #tpu.memory_space<vmem>>
    %dma_wait3A_1044 = arith.constant 0 : i32
    %dma_wait3A_1045 = arith.constant 0 : i32
    %dma_wait3A_1046 = tpu.memref_slice %arg3[%dma_wait3A_1041, %dma_wait3A_1044, %dma_wait3A_1045] : memref<1x4098x1024xf32, #tpu.memory_space<hbm>> -> memref<1x4098x1024xf32, #tpu.memory_space<hbm>>
    %dma_wait3A_1047 = tpu.memref_squeeze %dma_wait3A_1046 : memref<1x4098x1024xf32, #tpu.memory_space<hbm>> -> memref<4098x1024xf32, #tpu.memory_space<hbm>>
    %dma_wait3A_1048 = arith.constant 0 : i32
    %dma_wait3A_1049 = arith.constant 0 : i32
    %dma_wait3A_1050 = tpu.memref_slice %dma_wait3A_1047[%dma_wait3A_1048, %dma_wait3A_1049] : memref<4098x1024xf32, #tpu.memory_space<hbm>> -> memref<4098x1024xf32, #tpu.memory_space<hbm>>
    tpu.wait_indirect_dma semaphore(%arg15 : memref<!tpu.dma_semaphore, #tpu.memory_space<semaphore_mem>>) src(%dma_wait3A_1050 : memref<4098x1024xf32, #tpu.memory_space<hbm>>) dst(%arg8 : memref<16x1024xf32, #tpu.memory_space<vmem>>)
    %add3A_1051 = arith.constant 480 : i32
    %add3A_1052 = arith.addi %mul3A_32, %add3A_1051 : i32
    %dma_start3A_1053 = arith.constant 0 : i32
    %dma_start3A_1054 = tpu.memref_slice %arg4[%select_n3A, %add3A_1052, %dma_start3A_1053] : memref<4x4096x1024xf32, #tpu.memory_space<hbm>> -> memref<1x16x1024xf32, #tpu.memory_space<hbm>>
    %dma_start3A_1055 = tpu.memref_squeeze %dma_start3A_1054 : memref<1x16x1024xf32, #tpu.memory_space<hbm>> -> memref<16x1024xf32, #tpu.memory_space<hbm>>
    %dma_start3A_1056 = arith.constant 0 : i32
    %dma_start3A_1057 = tpu.memref_slice %arg4[%select_n3A, %add3A_1052, %dma_start3A_1056] : memref<4x4096x1024xf32, #tpu.memory_space<hbm>> -> memref<1x16x1024xf32, #tpu.memory_space<hbm>>
    %dma_start3A_1058 = tpu.memref_squeeze %dma_start3A_1057 : memref<1x16x1024xf32, #tpu.memory_space<hbm>> -> memref<16x1024xf32, #tpu.memory_space<hbm>>
    tpu.enqueue_dma source(%arg8 : memref<16x1024xf32, #tpu.memory_space<vmem>>) target(%dma_start3A_1058 : memref<16x1024xf32, #tpu.memory_space<hbm>>) target_semaphore(%arg22 : memref<!tpu.dma_semaphore, #tpu.memory_space<semaphore_mem>>)
    %dma_wait3A_1059 = arith.constant 0 : i32
    %dma_wait3A_1060 = arith.constant 496 : i32
    %dma_wait3A_1061 = tpu.memref_slice %arg5[%dma_wait3A_1060] : memref<512xi32, #tpu.memory_space<vmem>> -> memref<16xi32, #tpu.memory_space<vmem>>
    %dma_wait3A_1062 = arith.constant 0 : i32
    %dma_wait3A_1063 = arith.constant 0 : i32
    %dma_wait3A_1064 = tpu.memref_slice %arg3[%dma_wait3A_1059, %dma_wait3A_1062, %dma_wait3A_1063] : memref<1x4098x1024xf32, #tpu.memory_space<hbm>> -> memref<1x4098x1024xf32, #tpu.memory_space<hbm>>
    %dma_wait3A_1065 = tpu.memref_squeeze %dma_wait3A_1064 : memref<1x4098x1024xf32, #tpu.memory_space<hbm>> -> memref<4098x1024xf32, #tpu.memory_space<hbm>>
    %dma_wait3A_1066 = arith.constant 0 : i32
    %dma_wait3A_1067 = arith.constant 0 : i32
    %dma_wait3A_1068 = tpu.memref_slice %dma_wait3A_1065[%dma_wait3A_1066, %dma_wait3A_1067] : memref<4098x1024xf32, #tpu.memory_space<hbm>> -> memref<4098x1024xf32, #tpu.memory_space<hbm>>
    tpu.wait_indirect_dma semaphore(%arg16 : memref<!tpu.dma_semaphore, #tpu.memory_space<semaphore_mem>>) src(%dma_wait3A_1068 : memref<4098x1024xf32, #tpu.memory_space<hbm>>) dst(%arg9 : memref<16x1024xf32, #tpu.memory_space<vmem>>)
    %add3A_1069 = arith.constant 496 : i32
    %add3A_1070 = arith.addi %mul3A_32, %add3A_1069 : i32
    %dma_start3A_1071 = arith.constant 0 : i32
    %dma_start3A_1072 = tpu.memref_slice %arg4[%select_n3A, %add3A_1070, %dma_start3A_1071] : memref<4x4096x1024xf32, #tpu.memory_space<hbm>> -> memref<1x16x1024xf32, #tpu.memory_space<hbm>>
    %dma_start3A_1073 = tpu.memref_squeeze %dma_start3A_1072 : memref<1x16x1024xf32, #tpu.memory_space<hbm>> -> memref<16x1024xf32, #tpu.memory_space<hbm>>
    %dma_start3A_1074 = arith.constant 0 : i32
    %dma_start3A_1075 = tpu.memref_slice %arg4[%select_n3A, %add3A_1070, %dma_start3A_1074] : memref<4x4096x1024xf32, #tpu.memory_space<hbm>> -> memref<1x16x1024xf32, #tpu.memory_space<hbm>>
    %dma_start3A_1076 = tpu.memref_squeeze %dma_start3A_1075 : memref<1x16x1024xf32, #tpu.memory_space<hbm>> -> memref<16x1024xf32, #tpu.memory_space<hbm>>
    tpu.enqueue_dma source(%arg9 : memref<16x1024xf32, #tpu.memory_space<vmem>>) target(%dma_start3A_1076 : memref<16x1024xf32, #tpu.memory_space<hbm>>) target_semaphore(%arg23 : memref<!tpu.dma_semaphore, #tpu.memory_space<semaphore_mem>>)
    %dma_wait3A_1077 = arith.constant 0 : i32
    %dma_wait3A_1078 = tpu.memref_slice %arg4[%select_n3A, %add3A_930, %dma_wait3A_1077] : memref<4x4096x1024xf32, #tpu.memory_space<hbm>> -> memref<1x16x1024xf32, #tpu.memory_space<hbm>>
    %dma_wait3A_1079 = tpu.memref_squeeze %dma_wait3A_1078 : memref<1x16x1024xf32, #tpu.memory_space<hbm>> -> memref<16x1024xf32, #tpu.memory_space<hbm>>
    %dma_wait3A_1080 = arith.constant 0 : i32
    %dma_wait3A_1081 = tpu.memref_slice %arg4[%select_n3A, %add3A_930, %dma_wait3A_1080] : memref<4x4096x1024xf32, #tpu.memory_space<hbm>> -> memref<1x16x1024xf32, #tpu.memory_space<hbm>>
    %dma_wait3A_1082 = tpu.memref_squeeze %dma_wait3A_1081 : memref<1x16x1024xf32, #tpu.memory_space<hbm>> -> memref<16x1024xf32, #tpu.memory_space<hbm>>
    tpu.wait_dma2 semaphore(%arg24 : memref<!tpu.dma_semaphore, #tpu.memory_space<semaphore_mem>>) src(%arg10 : memref<16x1024xf32, #tpu.memory_space<vmem>>) dst(%dma_wait3A_1082 : memref<16x1024xf32, #tpu.memory_space<hbm>>)
    %dma_wait3A_1083 = arith.constant 0 : i32
    %dma_wait3A_1084 = tpu.memref_slice %arg4[%select_n3A, %add3A_964, %dma_wait3A_1083] : memref<4x4096x1024xf32, #tpu.memory_space<hbm>> -> memref<1x16x1024xf32, #tpu.memory_space<hbm>>
    %dma_wait3A_1085 = tpu.memref_squeeze %dma_wait3A_1084 : memref<1x16x1024xf32, #tpu.memory_space<hbm>> -> memref<16x1024xf32, #tpu.memory_space<hbm>>
    %dma_wait3A_1086 = arith.constant 0 : i32
    %dma_wait3A_1087 = tpu.memref_slice %arg4[%select_n3A, %add3A_964, %dma_wait3A_1086] : memref<4x4096x1024xf32, #tpu.memory_space<hbm>> -> memref<1x16x1024xf32, #tpu.memory_space<hbm>>
    %dma_wait3A_1088 = tpu.memref_squeeze %dma_wait3A_1087 : memref<1x16x1024xf32, #tpu.memory_space<hbm>> -> memref<16x1024xf32, #tpu.memory_space<hbm>>
    tpu.wait_dma2 semaphore(%arg25 : memref<!tpu.dma_semaphore, #tpu.memory_space<semaphore_mem>>) src(%arg11 : memref<16x1024xf32, #tpu.memory_space<vmem>>) dst(%dma_wait3A_1088 : memref<16x1024xf32, #tpu.memory_space<hbm>>)
    %dma_wait3A_1089 = arith.constant 0 : i32
    %dma_wait3A_1090 = tpu.memref_slice %arg4[%select_n3A, %add3A_998, %dma_wait3A_1089] : memref<4x4096x1024xf32, #tpu.memory_space<hbm>> -> memref<1x16x1024xf32, #tpu.memory_space<hbm>>
    %dma_wait3A_1091 = tpu.memref_squeeze %dma_wait3A_1090 : memref<1x16x1024xf32, #tpu.memory_space<hbm>> -> memref<16x1024xf32, #tpu.memory_space<hbm>>
    %dma_wait3A_1092 = arith.constant 0 : i32
    %dma_wait3A_1093 = tpu.memref_slice %arg4[%select_n3A, %add3A_998, %dma_wait3A_1092] : memref<4x4096x1024xf32, #tpu.memory_space<hbm>> -> memref<1x16x1024xf32, #tpu.memory_space<hbm>>
    %dma_wait3A_1094 = tpu.memref_squeeze %dma_wait3A_1093 : memref<1x16x1024xf32, #tpu.memory_space<hbm>> -> memref<16x1024xf32, #tpu.memory_space<hbm>>
    tpu.wait_dma2 semaphore(%arg26 : memref<!tpu.dma_semaphore, #tpu.memory_space<semaphore_mem>>) src(%arg12 : memref<16x1024xf32, #tpu.memory_space<vmem>>) dst(%dma_wait3A_1094 : memref<16x1024xf32, #tpu.memory_space<hbm>>)
    %dma_wait3A_1095 = arith.constant 0 : i32
    %dma_wait3A_1096 = tpu.memref_slice %arg4[%select_n3A, %add3A_1016, %dma_wait3A_1095] : memref<4x4096x1024xf32, #tpu.memory_space<hbm>> -> memref<1x16x1024xf32, #tpu.memory_space<hbm>>
    %dma_wait3A_1097 = tpu.memref_squeeze %dma_wait3A_1096 : memref<1x16x1024xf32, #tpu.memory_space<hbm>> -> memref<16x1024xf32, #tpu.memory_space<hbm>>
    %dma_wait3A_1098 = arith.constant 0 : i32
    %dma_wait3A_1099 = tpu.memref_slice %arg4[%select_n3A, %add3A_1016, %dma_wait3A_1098] : memref<4x4096x1024xf32, #tpu.memory_space<hbm>> -> memref<1x16x1024xf32, #tpu.memory_space<hbm>>
    %dma_wait3A_1100 = tpu.memref_squeeze %dma_wait3A_1099 : memref<1x16x1024xf32, #tpu.memory_space<hbm>> -> memref<16x1024xf32, #tpu.memory_space<hbm>>
    tpu.wait_dma2 semaphore(%arg20 : memref<!tpu.dma_semaphore, #tpu.memory_space<semaphore_mem>>) src(%arg6 : memref<16x1024xf32, #tpu.memory_space<vmem>>) dst(%dma_wait3A_1100 : memref<16x1024xf32, #tpu.memory_space<hbm>>)
    %dma_wait3A_1101 = arith.constant 0 : i32
    %dma_wait3A_1102 = tpu.memref_slice %arg4[%select_n3A, %add3A_1034, %dma_wait3A_1101] : memref<4x4096x1024xf32, #tpu.memory_space<hbm>> -> memref<1x16x1024xf32, #tpu.memory_space<hbm>>
    %dma_wait3A_1103 = tpu.memref_squeeze %dma_wait3A_1102 : memref<1x16x1024xf32, #tpu.memory_space<hbm>> -> memref<16x1024xf32, #tpu.memory_space<hbm>>
    %dma_wait3A_1104 = arith.constant 0 : i32
    %dma_wait3A_1105 = tpu.memref_slice %arg4[%select_n3A, %add3A_1034, %dma_wait3A_1104] : memref<4x4096x1024xf32, #tpu.memory_space<hbm>> -> memref<1x16x1024xf32, #tpu.memory_space<hbm>>
    %dma_wait3A_1106 = tpu.memref_squeeze %dma_wait3A_1105 : memref<1x16x1024xf32, #tpu.memory_space<hbm>> -> memref<16x1024xf32, #tpu.memory_space<hbm>>
    tpu.wait_dma2 semaphore(%arg21 : memref<!tpu.dma_semaphore, #tpu.memory_space<semaphore_mem>>) src(%arg7 : memref<16x1024xf32, #tpu.memory_space<vmem>>) dst(%dma_wait3A_1106 : memref<16x1024xf32, #tpu.memory_space<hbm>>)
    %dma_wait3A_1107 = arith.constant 0 : i32
    %dma_wait3A_1108 = tpu.memref_slice %arg4[%select_n3A, %add3A_1052, %dma_wait3A_1107] : memref<4x4096x1024xf32, #tpu.memory_space<hbm>> -> memref<1x16x1024xf32, #tpu.memory_space<hbm>>
    %dma_wait3A_1109 = tpu.memref_squeeze %dma_wait3A_1108 : memref<1x16x1024xf32, #tpu.memory_space<hbm>> -> memref<16x1024xf32, #tpu.memory_space<hbm>>
    %dma_wait3A_1110 = arith.constant 0 : i32
    %dma_wait3A_1111 = tpu.memref_slice %arg4[%select_n3A, %add3A_1052, %dma_wait3A_1110] : memref<4x4096x1024xf32, #tpu.memory_space<hbm>> -> memref<1x16x1024xf32, #tpu.memory_space<hbm>>
    %dma_wait3A_1112 = tpu.memref_squeeze %dma_wait3A_1111 : memref<1x16x1024xf32, #tpu.memory_space<hbm>> -> memref<16x1024xf32, #tpu.memory_space<hbm>>
    tpu.wait_dma2 semaphore(%arg22 : memref<!tpu.dma_semaphore, #tpu.memory_space<semaphore_mem>>) src(%arg8 : memref<16x1024xf32, #tpu.memory_space<vmem>>) dst(%dma_wait3A_1112 : memref<16x1024xf32, #tpu.memory_space<hbm>>)
    %dma_wait3A_1113 = arith.constant 0 : i32
    %dma_wait3A_1114 = tpu.memref_slice %arg4[%select_n3A, %add3A_1070, %dma_wait3A_1113] : memref<4x4096x1024xf32, #tpu.memory_space<hbm>> -> memref<1x16x1024xf32, #tpu.memory_space<hbm>>
    %dma_wait3A_1115 = tpu.memref_squeeze %dma_wait3A_1114 : memref<1x16x1024xf32, #tpu.memory_space<hbm>> -> memref<16x1024xf32, #tpu.memory_space<hbm>>
    %dma_wait3A_1116 = arith.constant 0 : i32
    %dma_wait3A_1117 = tpu.memref_slice %arg4[%select_n3A, %add3A_1070, %dma_wait3A_1116] : memref<4x4096x1024xf32, #tpu.memory_space<hbm>> -> memref<1x16x1024xf32, #tpu.memory_space<hbm>>
    %dma_wait3A_1118 = tpu.memref_squeeze %dma_wait3A_1117 : memref<1x16x1024xf32, #tpu.memory_space<hbm>> -> memref<16x1024xf32, #tpu.memory_space<hbm>>
    tpu.wait_dma2 semaphore(%arg23 : memref<!tpu.dma_semaphore, #tpu.memory_space<semaphore_mem>>) src(%arg9 : memref<16x1024xf32, #tpu.memory_space<vmem>>) dst(%dma_wait3A_1118 : memref<16x1024xf32, #tpu.memory_space<hbm>>)
    return
  }
}

</mosaic_0001>

<sc_bundles>
// kernel: _run.3.cloned.1.call-start
scs
__scs_entry_jumppad:
0x0: {  	(pc) =	sbr.rel $0x88, $3  }
0x1: {  	(tag) =	ssettag $0x0;
	lr =	simm.s32 $0x1  }
0x2: {  	[smem:$0x3F9F] =	sst lr;
	_ =	strace $0xD0000000  }
0x3: {  	_ = 	snop  }
0x4: {  	_ = 	snop  }
0x5: {  	_ = 	snop  }
0x6: {  	_ = 	snop  }
0x7: {  	_ = 	snop  }
__scs_overlays_trampoline_lowered:
0x8: {  	[smem:$0x3FAE] =	sst s0  }
0x9: {  	[smem:$0x3FAF] =	sst s1  }
0xa: {  	[smem:$0x3FB0] =	sst s2  }
0xb: {  	[smem:$0x3FB1] =	sst s3  }
0xc: {  	[smem:$0x3FB2] =	sst s4  }
0xd: {  	[smem:$0x3FB3] =	sst s5  }
0xe: {  	[smem:$0x3FB4] =	sst s6  }
0xf: {  	[smem:$0x3FB5] =	sst s7  }
0x10: {  	[smem:$0x3FB6] =	sst s8  }
0x11: {  	[smem:$0x3FB7] =	sst s9;
	s0 =	simm.s32 @!p0 $0x0  }
0x12: {  	s1 =	sld [smem:$0x3F9D];
	s0 =	simm.s32 @p0 $0x1  }
0x13: {  	[smem:$0x3FB8] =	sst s0;
	s0 =	simm.s32 @!p1 $0x0  }
0x14: {  	s2 =	sld [smem:$0x3F9C];
	s0 =	simm.s32 @p1 $0x1  }
0x15: {  	[smem:$0x3FB9] =	sst s0;
	s0 =	simm.s32 @!p2 $0x0  }
0x16: {  	s3 =	sld [smem:$0x3FDB];
	s0 =	simm.s32 @p2 $0x1  }
0x17: {  	s4 =	simm.s32 $0x1BF5;
	[smem:$0x3FBB] =	sst s0  }
0x18: {  	s0 =	sld [smem:$0x3F9E];
	_ =	swait.ge [sflag:s4], $0x0  }
0x19: {  	s7 =	sld [smem:$0x3F9F]  }
0x1a: {  	s8 =	sadd.s32 $0xFFFFE003, lr  }
0x1b: {  	s9 =	sadd.s32 $0xFFFFFEF7, lr;
	s5 =	simm.s32 $0xFFFFFFFF;
	p2 =	slt.u32 s8, $0xFFFFF086  }
0x1c: {  	p1 =	slt.u32 s9, $0xF7A;
	s5 =	simm.s32 @!p2 $0x0  }
0x1d: {  	s5 =	simm.s32 @p1 $0x1;
	p0 =	seq.s32 s7, s2  }
0x1e: {  	s7 =	smul.u32 @!p0 $0xF7A, s2;
	p2 =	seq.s32 @!p0 s5, $0x0  }
0x1f: {  	s9 =	smul.u32 $0xF7A, s1;
	s8 =	simm.s32 @!p0 $0x1BF5;
	p2 =	por !p2, p0  }
0x20: {  	[sflag:s8] =	ssyncset.s32 @!p0 $0xFFFFF086;
	s6 =	sadd.s32 @!p0 s3, s7;
	s7 =	simm.s32 @!p0 $0x108  }
0x21: {  	s3 =	sadd.s32 s3, s9;
	s6 =	sadd.s32 @!p0 $0x88, s6;
	s7 =	simm.s32 @p2 $0x1082  }
0x22: {  	[simem:s7], [sflag:s8] =	dma.local @!p0 [hbm:s6], $0xF7A  }
0x23: {  	s9 =	sor.u32 $0xD0000000, s2;
	s6 =	simm.s32 $0x108;
	_ =	swait.ge @!p0 [sflag:s8], $0x0  }
0x24: {  	s3 =	sadd.s32 $0x88, s3;
	s6 =	simm.s32 @!p1 $0x1082;
	[sflag:s4] =	ssyncset.s32 $0xFFFFF086  }
0x25: {  	[simem:s6], [sflag:s4] =	dma.local [hbm:s3], $0xF7A  }
0x26: {  	[smem:$0x3F9F] =	sst s1;
	(tag) =	ssettag s2;
	_ =	strace s9  }
0x27: {  	s1 =	sld [smem:$0x3FAF]  }
0x28: {  	s2 =	sld [smem:$0x3FB0]  }
0x29: {  	s4 =	sld [smem:$0x3FB2]  }
0x2a: {  	p0 =	seq.s32 s5, $0x0;
	s5 =	sld [smem:$0x3FB3]  }
0x2b: {  	s6 =	sld [smem:$0x3FB4]  }
0x2c: {  	s7 =	sld [smem:$0x3FB5]  }
0x2d: {  	s3 =	simm.s32 $0x108;
	s8 =	sld [smem:$0x3FB6]  }
0x2e: {  	s3 =	simm.s32 @!p0 $0x1082;
	s9 =	sld [smem:$0x3FB7]  }
0x2f: {  	lr =	sadd.s32 s0, s3;
	s0 =	sld [smem:$0x3FAE]  }
0x30: {  	s3 =	sld [smem:$0x3FB1]  }
0x31: {  	[smem:$0x3FBA] =	sst s10  }
0x32: {  	s10 =	sld [smem:$0x3FB8];
	_ =	sdelay $0x3  }
0x33: {  	p0 =	seq.s32 s10, $0x1;
	s10 =	sld [smem:$0x3FBA];
	_ =	sdelay $0x3  }
0x34: {  	[smem:$0x3FBA] =	sst s10  }
0x35: {  	s10 =	sld [smem:$0x3FB9];
	_ =	sdelay $0x3  }
0x36: {  	p1 =	seq.s32 s10, $0x1;
	s10 =	sld [smem:$0x3FBA];
	_ =	sdelay $0x3  }
0x37: {  	[smem:$0x3FBA] =	sst s10  }
0x38: {  	s10 =	sld [smem:$0x3FBB]  }
0x39: {  	_ = 	snop;
	(pc) =	sbr.ind lr, $3  }
0x3a: {  	_ = 	snop  }
0x3b: {  	_ = 	snop  }
0x3c: {  	p2 =	seq.s32 s10, $0x1;
	s10 =	sld [smem:$0x3FBA]  }
0x3d: {  	_ =	shalt  }
0x3e: {  	_ =	shalt  }
0x3f: {  	_ =	shalt  }
0x40: {  	_ =	shalt  }
0x41: {  	_ =	shalt  }
0x42: {  	_ =	shalt  }
0x43: {  	_ =	shalt  }
0x44: {  	_ =	shalt  }
0x45: {  	_ =	shalt  }
0x46: {  	_ =	shalt  }
0x47: {  	_ =	shalt  }
0x48: {  	_ =	shalt  }
0x49: {  	_ =	shalt  }
0x4a: {  	_ =	shalt  }
0x4b: {  	_ =	shalt  }
0x4c: {  	_ =	shalt  }
0x4d: {  	_ =	shalt  }
0x4e: {  	_ =	shalt  }
0x4f: {  	_ =	shalt  }
0x50: {  	_ =	shalt  }
0x51: {  	_ =	shalt  }
0x52: {  	_ =	shalt  }
0x53: {  	_ =	shalt  }
0x54: {  	_ =	shalt  }
0x55: {  	_ =	shalt  }
0x56: {  	_ =	shalt  }
0x57: {  	_ =	shalt  }
0x58: {  	_ =	shalt  }
0x59: {  	_ =	shalt  }
0x5a: {  	_ =	shalt  }
0x5b: {  	_ =	shalt  }
0x5c: {  	_ =	shalt  }
0x5d: {  	_ =	shalt  }
0x5e: {  	_ =	shalt  }
0x5f: {  	_ =	shalt  }
0x60: {  	_ =	shalt  }
0x61: {  	_ =	shalt  }
0x62: {  	_ =	shalt  }
0x63: {  	_ =	shalt  }
0x64: {  	_ =	shalt  }
0x65: {  	_ =	shalt  }
0x66: {  	_ =	shalt  }
0x67: {  	_ =	shalt  }
0x68: {  	_ =	shalt  }
0x69: {  	_ =	shalt  }
0x6a: {  	_ =	shalt  }
0x6b: {  	_ =	shalt  }
0x6c: {  	_ =	shalt  }
0x6d: {  	_ =	shalt  }
0x6e: {  	_ =	shalt  }
0x6f: {  	_ =	shalt  }
0x70: {  	_ =	shalt  }
0x71: {  	_ =	shalt  }
0x72: {  	_ =	shalt  }
0x73: {  	_ =	shalt  }
0x74: {  	_ =	shalt  }
0x75: {  	_ =	shalt  }
0x76: {  	_ =	shalt  }
0x77: {  	_ =	shalt  }
0x78: {  	_ =	shalt  }
0x79: {  	_ =	shalt  }
0x7a: {  	_ =	shalt  }
0x7b: {  	_ =	shalt  }
0x7c: {  	_ =	shalt  }
0x7d: {  	_ =	shalt  }
0x7e: {  	_ =	shalt  }
0x7f: {  	_ =	shalt  }
0x80: {  	_ =	shalt  }
0x81: {  	_ =	shalt  }
0x82: {  	_ =	shalt  }
0x83: {  	_ =	shalt  }
0x84: {  	_ =	shalt  }
0x85: {  	_ =	shalt  }
0x86: {  	_ =	shalt  }
0x87: {  	_ =	shalt  }
.Lfunc_end0:
.L_simem_size_0:
called_computation_lowered:
.L_overlay_start_0:
0x88: {  	s2 =	sld [smem:$0x3FD9]  }
0x89: {  	s3 =	sld [smem:$0x3FFE];
	_ =	sdelay $0x1  }
0x8a: {  	s1 =	srdreg.scid  }
0x8b: {  	s0 =	sand.u32 $0x1, s1  }
0x8c: {  	s17 =	sshll.u32 s0, $0xA;
	s2 =	sadd.s32 s3, s2  }
0x8d: {  	s2 =	sadd.s32 s2, s17  }
0x8e: {  	[smem:$0x3FC6] =	sst s2  }
0x8f: {  	_ = 	snop  }
0x90: {  	s2 =	sld [smem:$0x3FC9]  }
0x91: {  	s18 =	sld [smem:$0x3FD0];
	(tm) =	ssettm $0x1  }
0x92: {  	s4 =	sld [smem:$0x3FFB];
	_ =	sdelay $0x3  }
0x93: {  	_ =	strace s4  }
0x94: {  	s4 =	sld [smem:$0x3FFC];
	_ =	sdelay $0x3  }
0x95: {  	_ =	strace s4  }
0x96: {  	s4 =	sld [smem:$0x3FFD];
	_ =	sdelay $0x3  }
0x97: {  	_ =	strace s4  }
0x98: {  	_ =	strace $0x8FFFFFFF  }
0x99: {  	s19 =	sld [smem:$0x3FDB];
	_ =	sdelay $0x1  }
0x9a: {  	s5 =	simm.s32 $_scs_section_size  }
0x9b: {  	s6 =	simm.s32 $_size__tile_overlayer_lowered;
	s7 =	simm.s32 $_tile_overlayer_lowered  }
0x9c: {  	s22 =	simm.s32 $0x1BFF;
	s21 =	sshll.u32 s7, $0x1;
	s4 =	sadd.s32 s5, s19  }
0x9d: {  	s8 =	simm.s32 $0x0;
	s20 =	sshll.u32 s6, $0x1;
	s6 =	sadd.s32 s21, s4  }
0x9e: {  	[timem:s8], [sflag:s22] =	dma.local [hbm:s6], s20  }
0x9f: {  	_ =	swait.ge [sflag:s22], s20  }
0xa0: {  	s5 =	ssub.s32 $0x0, s20;
	[sflag:s22] =	ssyncset.done $0x0  }
0xa1: {  	[sflag:s22] =	ssyncadd.s32 s5;
	_ =	sdelay $0x1  }
0xa2: {  	s23 =	simm.s32 $0x1B8B  }
0xa3: {  	_ =	swait.ge [sflag:s23], $0x1  }
0xa4: {  	[sflag:s23] =	ssyncset.done $0x0  }
0xa5: {  	s25 =	simm.s32 $0x1B8E;
	s24 =	sld [smem:$0x3FFE];
	[sflag:s23] =	ssyncadd.s32 $0xFFFFFFFF  }
0xa6: {  	s26 =	simm.s32 $execute0_lowered;
	[smem:$0x3FD2] =	sst s25  }
0xa7: {  	s6 =	sshll.u32 s26, $0x1;
	_ =	strace $0x80000046;
	[dreg:$0x1] =	wrdreg $0xFFFFFFFF  }
0xa8: {  	s28 =	simm.s32 $_size_execute0_lowered;
	s4 =	sadd.s32 s4, s6;
	[dreg:$0x0] =	wrdreg $0x0  }
0xa9: {  	s6 =	sshll.u32 s28, $0x1;
	[dreg:$0x2] =	wrdreg s4  }
0xaa: {  	[dreg:$0x3] =	wrdreg s6  }
0xab: {  	[dreg:$0x4] =	wrdreg $0xC0  }
0xac: {  	_ =	task [dreg:s8], $0x5FFFF  }
0xad: {  	[dreg:$0x1] =	wrdreg $0xFFFFFFFF  }
0xae: {  	[dreg:$0x0] =	wrdreg $0x60  }
0xaf: {  	[dreg:$0x2] =	wrdreg s2  }
0xb0: {  	[dreg:$0x3] =	wrdreg s24  }
0xb1: {  	[dreg:$0x4] =	wrdreg s18  }
0xb2: {  	[dreg:$0x5] =	wrdreg $0x9  }
0xb3: {  	_ =	task.clear_ibuf [dreg:s8], $0x6FFFF;
	_ =	strace $0x90000046  }
0xb4: {  	s29 =	simm.s32 $0x9;
	_ =	strace $0x80000048  }
0xb5: {  	_ =	swait.ge [sflag:s29], $0x1  }
0xb6: {  	[sflag:s29] =	ssyncadd.s32 $0xFFFFFFFF  }
0xb7: {  	_ =	strace $0x90000048  }
0xb8: {  	_ =	sfence  }
0xb9: {  	s30 =	sld [smem:$0x0];
	_ =	sdelay $0x2  }
0xba: {  	s31 =	sshll.u32 s1, $0xD;
	s1 =	sshrl.u32 s1, $0x2  }
0xbb: {  	s3 =	sand.u32 $0x4000, s31;
	s1 =	sadd.s32 s1, s30  }
0xbc: {  	s0 =	sor.u32 s3, s0;
	s1 =	sshll.u32 s1, $0x11  }
0xbd: {  	s0 =	sor.u32 s1, s0  }
0xbe: {  	s0 =	sadd.s32 $0x8F2B, s0  }
0xbf: {  	[sflag:s0] =	ssyncadd.remote.s32 $0x1  }
0xc0: {  	_ =	sfence.sel $0xFFFF  }
0xc1: {  	[dreg:$0x0] =	wrdreg $0xFFFFFFFF;
	(pc) =	sbr.abs _section_cstart, $3  }
0xc2: {  	[dreg:$0x1] =	wrdreg $0xFFFFFFFF  }
0xc3: {  	_ =	task.clear_ibuf [dreg:s8], $0x2FFFF;
	_ =	strace $0x9FFFFFFF  }
0xc4: {  	(tm) =	ssettm $0x7FFFFFFF  }
0xc5: {  	_ =	shalt  }
tec
execute0_lowered:
.L_overlay_start_1:
0x0: {  	(tag) =	ssettag $0x1  }
0x1: {  	s3 =	rddreg [dreg:$0x0]  }
0x2: {  	s0 =	rddreg [dreg:$0x1]  }
0x3: {  	s4 =	rddreg [dreg:$0x2];
	s6 =	stileid.u32  }
0x4: {  	s1 =	srdreg.scid;
	s2 =	simm.s32 $0x0;
	s5 =	sshll.u32 s6, $0x1  }
0x5: {  	s1 =	sand.u32 $0x1, s1;
	s6 =	sshrl.u32 s6, $0x2;
	s5 =	sand.u32 $0x6, s5  }
0x6: {  	s8 =	sshll.u32 s6, $0x4;
	s6 =	sshll.u32 s6, $0x13;
	s5 =	sor.u32 s1, s5  }
0x7: {  	s3 =	sadd.s32 s3, s8;
	s7 =	sshll.u32 s5, $0x10;
	s5 =	sshll.u32 s5, $0x8  }
0x8: {  	[smem:$0x7FF] =	sst s2;
	s6 =	sor.u32 s6, s7;
	s3 =	sadd.s32 s5, s3  }
0x9: {  	_ =	strace $0x80000047;
	s8 =	sadd.s32 s4, s6;
	[dreg:$0x4] =	wrdreg s3  }
0xa: {  	s16 =	sadd.s32 $0x800, s8;
	[smem:$0x7FB] =	sst s8  }
0xb: {  	s17 =	sadd.s32 $0x1000, s8;
	[dreg:$0x5] =	wrdreg s16  }
0xc: {  	s18 =	sadd.s32 $0x1800, s8;
	[dreg:$0x6] =	wrdreg s17  }
0xd: {  	s19 =	sadd.s32 $0x2000, s8;
	[dreg:$0x7] =	wrdreg s18  }
0xe: {  	s20 =	sadd.s32 $0x2800, s8;
	[dreg:$0x8] =	wrdreg s19  }
0xf: {  	s21 =	sadd.s32 $0x3000, s8;
	[dreg:$0x9] =	wrdreg s20  }
0x10: {  	s22 =	sadd.s32 $0x3800, s8;
	[dreg:$0xa] =	wrdreg s21  }
0x11: {  	s23 =	sadd.s32 $0x4000, s8;
	[dreg:$0xb] =	wrdreg s22  }
0x12: {  	s24 =	sadd.s32 $0x4800, s8;
	[dreg:$0xc] =	wrdreg s23  }
0x13: {  	s25 =	sadd.s32 $0x5000, s8;
	[dreg:$0xd] =	wrdreg s24  }
0x14: {  	s26 =	sadd.s32 $0x5800, s8;
	[dreg:$0xe] =	wrdreg s25  }
0x15: {  	s4 =	sadd.s32 $0x6000, s8;
	[dreg:$0xf] =	wrdreg s26  }
0x16: {  	s5 =	sadd.s32 $0x6800, s8;
	[dreg:$0x10] =	wrdreg s4  }
0x17: {  	s6 =	sadd.s32 $0x7000, s8;
	[dreg:$0x11] =	wrdreg s5  }
0x18: {  	s7 =	sadd.s32 $0x7800, s8;
	[dreg:$0x12] =	wrdreg s6  }
0x19: {  	s9 =	sadd.s32 $0x8000, s8;
	[dreg:$0x13] =	wrdreg s7  }
0x1a: {  	s10 =	sadd.s32 $0x8800, s8;
	[dreg:$0x14] =	wrdreg s9  }
0x1b: {  	s11 =	sadd.s32 $0x9000, s8;
	[dreg:$0x15] =	wrdreg s10  }
0x1c: {  	s12 =	sadd.s32 $0x9800, s8;
	[dreg:$0x16] =	wrdreg s11  }
0x1d: {  	s13 =	sadd.s32 $0xA000, s8;
	[dreg:$0x17] =	wrdreg s12  }
0x1e: {  	s14 =	sadd.s32 $0xA800, s8;
	[dreg:$0x18] =	wrdreg s13  }
0x1f: {  	s15 =	sadd.s32 $0xB000, s8;
	[dreg:$0x19] =	wrdreg s14  }
0x20: {  	[dreg:$0x1a] =	wrdreg s15;
	s16 =	sadd.s32 $0xB800, s8  }
0x21: {  	s28 =	simm.s32 $0x4;
	s17 =	sadd.s32 $0xC000, s8;
	[dreg:$0x1b] =	wrdreg s16  }
0x22: {  	s29 =	simm.s32 $0x9;
	s18 =	sadd.s32 $0xC800, s8;
	[dreg:$0x1c] =	wrdreg s17  }
0x23: {  	s31 =	simm.s32 $0xA;
	s19 =	sadd.s32 $0xD000, s8;
	[dreg:$0x1d] =	wrdreg s18  }
0x24: {  	s30 =	simm.s32 $0x200;
	s21 =	sadd.s32 $0xD800, s8;
	[dreg:$0x1e] =	wrdreg s19  }
0x25: {  	s1 =	ssub.s32 $0x2, s1;
	s22 =	sadd.s32 $0xE000, s8;
	[dreg:$0x1f] =	wrdreg s21  }
0x26: {  	s4 =	sadd.s32 $0x400, s0;
	s23 =	sadd.s32 $0xE800, s8;
	[smem:$0x7F8] =	sst s22  }
0x27: {  	s20 =	sshrl.u32 s1, $0x1;
	s24 =	sadd.s32 $0xF000, s8;
	[smem:$0x7F9] =	sst s23  }
0x28: {  	s5 =	sadd.s32 $0x500, s0;
	s25 =	sadd.s32 $0xF800, s8;
	[smem:$0x7FA] =	sst s24  }
0x29: {  	s6 =	sadd.s32 $0x600, s0;
	s26 =	simm.s32 $0x80;
	[smem:$0x7FC] =	sst s25  }
0x2a: {  	v2 =	vlaneseq.u32;
	s7 =	sadd.s32 $0x700, s0;
	s1 =	ssub.s32 s1, s20;
	[smem:$0x7FD] =	sst s26  }
0x2b: {  	vm0 =	vmmov $0xffff;
	v1 =	vshrl.u32 v2, $0x3;
	s20 =	simm.s32 $0x1;
	s22 =	simm.s32 $0x2;
	s24 =	simm.s32 $0x3  }
0x2c: {  	v0 =	vand.u32 $0x7, v2;
	v2 =	vor.u32 $0x8, v2;
	v1 =	vmul.u32 $0x8, v1;
	s25 =	simm.s32 $0x8;
	s18 =	smax.u32 s1, $0x1;
	s1 =	simm.s32 $0xB  }
.LBB2_1:
0x2d: {  	s15 =	sld [smem:$0x7FD];
	_ =	sdelay $0x1  }
0x2e: {  	s14 =	rddreg [dreg:$0x4];
	s17 =	simm.s32 $0xF  }
0x2f: {  	[tilespmem:s2], [sflag:$0xF] =	stream.strided.gather [hbm4b:s14+s15], $0x200, s30, s15, $0x38;
	[tilespmem:$0x1C200] =	vst v63  }
0x30: {  	_ =	swait.ge [sflag:s17], $0x200  }
0x31: {  	[sflag:s17] =	ssyncset.done $0x0  }
0x32: {  	[sflag:s17] =	ssyncadd.s32 $0xFFFFFE00  }
0x33: {  	v3 =	vld [tilespmem:$0x0];
	_ =	sdelay $0x4  }
0x34: {  	v4 =	vshll.u32 v3, $0x3  }
0x35: {  	v3 =	vand.u32 $0x7, v3;
	v4 =	vand.u32 $0xFFFFFFC0, v4  }
0x36: {  	v3 =	vor.u32 v3, v4  }
0x37: {  	v4 =	vperm.xlane v3, v0;
	_ =	sdelay $0x1  }
0x38: {  	v4 =	vadd.s32 v1, v4;
	_ =	sdelay $0x4  }
0x39: {  	[tilespmem:s30], [sflag:$0x1] =	stream.indirect_vreg.gather [hbm4b:s4+s2], $0x80, v4, vm0, $0xb8;
	[tilespmem:$0x1C200] =	vst v63  }
0x3a: {  	s3 =	simm.s32 $0xA00;
	v3 =	vperm.xlane v3, v2  }
0x3b: {  	[tilespmem:s3], [sflag:$0x1] =	stream.indirect_vreg.gather [hbm4b:s5+s2], $0x80, v4, vm0, $0xb8;
	[tilespmem:$0x1C200] =	vst v63  }
0x3c: {  	s19 =	simm.s32 $0x1200;
	v3 =	vadd.s32 v1, v3  }
0x3d: {  	[tilespmem:s19], [sflag:$0x1] =	stream.indirect_vreg.gather [hbm4b:s6+s2], $0x80, v4, vm0, $0xb8;
	[tilespmem:$0x1C200] =	vst v63  }
0x3e: {  	s21 =	simm.s32 $0x1A00  }
0x3f: {  	[tilespmem:s21], [sflag:$0x1] =	stream.indirect_vreg.gather [hbm4b:s7+s2], $0x80, v4, vm0, $0xb8;
	[tilespmem:$0x1C200] =	vst v63  }
0x40: {  	s23 =	simm.s32 $0x2200  }
0x41: {  	[tilespmem:s23], [sflag:$0x1] =	stream.indirect_vreg.gather [hbm4b:s4+s2], $0x80, v3, vm0, $0xb8;
	[tilespmem:$0x1C200] =	vst v63  }
0x42: {  	s26 =	simm.s32 $0x2A00  }
0x43: {  	[tilespmem:s26], [sflag:$0x1] =	stream.indirect_vreg.gather [hbm4b:s5+s2], $0x80, v3, vm0, $0xb8;
	[tilespmem:$0x1C200] =	vst v63  }
0x44: {  	s0 =	simm.s32 $0x3200  }
0x45: {  	[tilespmem:s0], [sflag:$0x1] =	stream.indirect_vreg.gather [hbm4b:s6+s2], $0x80, v3, vm0, $0xb8;
	[tilespmem:$0x1C200] =	vst v63  }
0x46: {  	s8 =	simm.s32 $0x3A00  }
0x47: {  	[tilespmem:s8], [sflag:$0x1] =	stream.indirect_vreg.gather [hbm4b:s7+s2], $0x80, v3, vm0, $0xb8;
	[tilespmem:$0x1C200] =	vst v63  }
0x48: {  	v3 =	vld [tilespmem:$0x10];
	_ =	sdelay $0x4  }
0x49: {  	v33 =	vshll.u32 v3, $0x3  }
0x4a: {  	v3 =	vand.u32 $0x7, v3;
	v4 =	vand.u32 $0xFFFFFFC0, v33  }
0x4b: {  	v3 =	vor.u32 v3, v4  }
0x4c: {  	v4 =	vperm.xlane v3, v0;
	_ =	sdelay $0x1  }
0x4d: {  	v4 =	vadd.s32 v1, v4;
	_ =	sdelay $0x3  }
0x4e: {  	s0 =	simm.s32 $0x4200  }
0x4f: {  	[tilespmem:s0], [sflag:$0x2] =	stream.indirect_vreg.gather [hbm4b:s4+s2], $0x80, v4, vm0, $0xb8;
	[tilespmem:$0x1C200] =	vst v63  }
0x50: {  	s11 =	simm.s32 $0x4A00;
	v3 =	vperm.xlane v3, v2  }
0x51: {  	[tilespmem:s11], [sflag:$0x2] =	stream.indirect_vreg.gather [hbm4b:s5+s2], $0x80, v4, vm0, $0xb8;
	[tilespmem:$0x1C200] =	vst v63  }
0x52: {  	s13 =	simm.s32 $0x5200;
	v3 =	vadd.s32 v1, v3  }
0x53: {  	[tilespmem:s13], [sflag:$0x2] =	stream.indirect_vreg.gather [hbm4b:s6+s2], $0x80, v4, vm0, $0xb8;
	[tilespmem:$0x1C200] =	vst v63  }
0x54: {  	s14 =	simm.s32 $0x5A00  }
0x55: {  	[tilespmem:s14], [sflag:$0x2] =	stream.indirect_vreg.gather [hbm4b:s7+s2], $0x80, v4, vm0, $0xb8;
	[tilespmem:$0x1C200] =	vst v63  }
0x56: {  	s15 =	simm.s32 $0x6200  }
0x57: {  	[tilespmem:s15], [sflag:$0x2] =	stream.indirect_vreg.gather [hbm4b:s4+s2], $0x80, v3, vm0, $0xb8;
	[tilespmem:$0x1C200] =	vst v63  }
0x58: {  	s21 =	simm.s32 $0x6A00  }
0x59: {  	[tilespmem:s21], [sflag:$0x2] =	stream.indirect_vreg.gather [hbm4b:s5+s2], $0x80, v3, vm0, $0xb8;
	[tilespmem:$0x1C200] =	vst v63  }
0x5a: {  	s26 =	simm.s32 $0x7200  }
0x5b: {  	[tilespmem:s26], [sflag:$0x2] =	stream.indirect_vreg.gather [hbm4b:s6+s2], $0x80, v3, vm0, $0xb8;
	[tilespmem:$0x1C200] =	vst v63  }
0x5c: {  	s0 =	simm.s32 $0x7A00  }
0x5d: {  	[tilespmem:s0], [sflag:$0x2] =	stream.indirect_vreg.gather [hbm4b:s7+s2], $0x80, v3, vm0, $0xb8;
	[tilespmem:$0x1C200] =	vst v63  }
0x5e: {  	v3 =	vld [tilespmem:$0x20];
	_ =	sdelay $0x4  }
0x5f: {  	v34 =	vshll.u32 v3, $0x3  }
0x60: {  	v3 =	vand.u32 $0x7, v3;
	v4 =	vand.u32 $0xFFFFFFC0, v34  }
0x61: {  	v3 =	vor.u32 v3, v4  }
0x62: {  	v4 =	vperm.xlane v3, v0;
	_ =	sdelay $0x1  }
0x63: {  	v4 =	vadd.s32 v1, v4;
	_ =	sdelay $0x3  }
0x64: {  	s8 =	simm.s32 $0x8200  }
0x65: {  	[tilespmem:s8], [sflag:$0x3] =	stream.indirect_vreg.gather [hbm4b:s4+s2], $0x80, v4, vm0, $0xb8;
	[tilespmem:$0x1C200] =	vst v63  }
0x66: {  	s11 =	simm.s32 $0x8A00;
	v3 =	vperm.xlane v3, v2  }
0x67: {  	[tilespmem:s11], [sflag:$0x3] =	stream.indirect_vreg.gather [hbm4b:s5+s2], $0x80, v4, vm0, $0xb8;
	[tilespmem:$0x1C200] =	vst v63  }
0x68: {  	s13 =	simm.s32 $0x9200;
	v3 =	vadd.s32 v1, v3  }
0x69: {  	[tilespmem:s13], [sflag:$0x3] =	stream.indirect_vreg.gather [hbm4b:s6+s2], $0x80, v4, vm0, $0xb8;
	[tilespmem:$0x1C200] =	vst v63  }
0x6a: {  	s15 =	simm.s32 $0x9A00  }
0x6b: {  	[tilespmem:s15], [sflag:$0x3] =	stream.indirect_vreg.gather [hbm4b:s7+s2], $0x80, v4, vm0, $0xb8;
	[tilespmem:$0x1C200] =	vst v63  }
0x6c: {  	s21 =	simm.s32 $0xA200  }
0x6d: {  	[tilespmem:s21], [sflag:$0x3] =	stream.indirect_vreg.gather [hbm4b:s4+s2], $0x80, v3, vm0, $0xb8;
	[tilespmem:$0x1C200] =	vst v63  }
0x6e: {  	s0 =	simm.s32 $0xAA00  }
0x6f: {  	[tilespmem:s0], [sflag:$0x3] =	stream.indirect_vreg.gather [hbm4b:s5+s2], $0x80, v3, vm0, $0xb8;
	[tilespmem:$0x1C200] =	vst v63  }
0x70: {  	s3 =	simm.s32 $0xB200  }
0x71: {  	[tilespmem:s3], [sflag:$0x3] =	stream.indirect_vreg.gather [hbm4b:s6+s2], $0x80, v3, vm0, $0xb8;
	[tilespmem:$0x1C200] =	vst v63  }
0x72: {  	s8 =	simm.s32 $0xBA00  }
0x73: {  	[tilespmem:s8], [sflag:$0x3] =	stream.indirect_vreg.gather [hbm4b:s7+s2], $0x80, v3, vm0, $0xb8;
	[tilespmem:$0x1C200] =	vst v63  }
0x74: {  	v3 =	vld [tilespmem:$0x30];
	_ =	sdelay $0x4  }
0x75: {  	v35 =	vshll.u32 v3, $0x3  }
0x76: {  	v3 =	vand.u32 $0x7, v3;
	v4 =	vand.u32 $0xFFFFFFC0, v35  }
0x77: {  	v3 =	vor.u32 v3, v4  }
0x78: {  	v4 =	vperm.xlane v3, v0;
	_ =	sdelay $0x1  }
0x79: {  	v4 =	vadd.s32 v1, v4;
	_ =	sdelay $0x3  }
0x7a: {  	s11 =	simm.s32 $0xC200  }
0x7b: {  	[tilespmem:s11], [sflag:$0x4] =	stream.indirect_vreg.gather [hbm4b:s4+s2], $0x80, v4, vm0, $0xb8;
	[tilespmem:$0x1C200] =	vst v63  }
0x7c: {  	s13 =	simm.s32 $0xCA00;
	v3 =	vperm.xlane v3, v2  }
0x7d: {  	[tilespmem:s13], [sflag:$0x4] =	stream.indirect_vreg.gather [hbm4b:s5+s2], $0x80, v4, vm0, $0xb8;
	[tilespmem:$0x1C200] =	vst v63  }
0x7e: {  	s15 =	simm.s32 $0xD200;
	v3 =	vadd.s32 v1, v3  }
0x7f: {  	[tilespmem:s15], [sflag:$0x4] =	stream.indirect_vreg.gather [hbm4b:s6+s2], $0x80, v4, vm0, $0xb8;
	[tilespmem:$0x1C200] =	vst v63  }
0x80: {  	s21 =	simm.s32 $0xDA00  }
0x81: {  	[tilespmem:s21], [sflag:$0x4] =	stream.indirect_vreg.gather [hbm4b:s7+s2], $0x80, v4, vm0, $0xb8;
	[tilespmem:$0x1C200] =	vst v63  }
0x82: {  	s0 =	simm.s32 $0xE200  }
0x83: {  	[tilespmem:s0], [sflag:$0x4] =	stream.indirect_vreg.gather [hbm4b:s4+s2], $0x80, v3, vm0, $0xb8;
	[tilespmem:$0x1C200] =	vst v63  }
0x84: {  	s3 =	simm.s32 $0xEA00  }
0x85: {  	[tilespmem:s3], [sflag:$0x4] =	stream.indirect_vreg.gather [hbm4b:s5+s2], $0x80, v3, vm0, $0xb8;
	[tilespmem:$0x1C200] =	vst v63  }
0x86: {  	s8 =	simm.s32 $0xF200  }
0x87: {  	[tilespmem:s8], [sflag:$0x4] =	stream.indirect_vreg.gather [hbm4b:s6+s2], $0x80, v3, vm0, $0xb8;
	[tilespmem:$0x1C200] =	vst v63  }
0x88: {  	s11 =	simm.s32 $0xFA00  }
0x89: {  	[tilespmem:s11], [sflag:$0x4] =	stream.indirect_vreg.gather [hbm4b:s7+s2], $0x80, v3, vm0, $0xb8;
	[tilespmem:$0x1C200] =	vst v63  }
0x8a: {  	v3 =	vld [tilespmem:$0x40];
	_ =	sdelay $0x4  }
0x8b: {  	v36 =	vshll.u32 v3, $0x3  }
0x8c: {  	v3 =	vand.u32 $0x7, v3;
	v4 =	vand.u32 $0xFFFFFFC0, v36  }
0x8d: {  	v3 =	vor.u32 v3, v4  }
0x8e: {  	v4 =	vperm.xlane v3, v0;
	_ =	sdelay $0x1  }
0x8f: {  	v4 =	vadd.s32 v1, v4;
	_ =	sdelay $0x3  }
0x90: {  	s13 =	simm.s32 $0x10200  }
0x91: {  	[tilespmem:s13], [sflag:$0x5] =	stream.indirect_vreg.gather [hbm4b:s4+s2], $0x80, v4, vm0, $0xb8;
	[tilespmem:$0x1C200] =	vst v63  }
0x92: {  	s14 =	simm.s32 $0x10A00;
	v3 =	vperm.xlane v3, v2  }
0x93: {  	[tilespmem:s14], [sflag:$0x5] =	stream.indirect_vreg.gather [hbm4b:s5+s2], $0x80, v4, vm0, $0xb8;
	[tilespmem:$0x1C200] =	vst v63  }
0x94: {  	s21 =	simm.s32 $0x11200;
	v3 =	vadd.s32 v1, v3  }
0x95: {  	[tilespmem:s21], [sflag:$0x5] =	stream.indirect_vreg.gather [hbm4b:s6+s2], $0x80, v4, vm0, $0xb8;
	[tilespmem:$0x1C200] =	vst v63  }
0x96: {  	s3 =	simm.s32 $0x11A00  }
0x97: {  	[tilespmem:s3], [sflag:$0x5] =	stream.indirect_vreg.gather [hbm4b:s7+s2], $0x80, v4, vm0, $0xb8;
	[tilespmem:$0x1C200] =	vst v63  }
0x98: {  	s8 =	simm.s32 $0x12200  }
0x99: {  	[tilespmem:s8], [sflag:$0x5] =	stream.indirect_vreg.gather [hbm4b:s4+s2], $0x80, v3, vm0, $0xb8;
	[tilespmem:$0x1C200] =	vst v63  }
0x9a: {  	s11 =	simm.s32 $0x12A00  }
0x9b: {  	[tilespmem:s11], [sflag:$0x5] =	stream.indirect_vreg.gather [hbm4b:s5+s2], $0x80, v3, vm0, $0xb8;
	[tilespmem:$0x1C200] =	vst v63  }
0x9c: {  	s14 =	simm.s32 $0x13200  }
0x9d: {  	[tilespmem:s14], [sflag:$0x5] =	stream.indirect_vreg.gather [hbm4b:s6+s2], $0x80, v3, vm0, $0xb8;
	[tilespmem:$0x1C200] =	vst v63  }
0x9e: {  	s21 =	simm.s32 $0x13A00  }
0x9f: {  	[tilespmem:s21], [sflag:$0x5] =	stream.indirect_vreg.gather [hbm4b:s7+s2], $0x80, v3, vm0, $0xb8;
	[tilespmem:$0x1C200] =	vst v63  }
0xa0: {  	_ =	swait.ge [sflag:s20], $0x4000  }
0xa1: {  	s0 =	sld [smem:$0x7FB]  }
0xa2: {  	[sflag:s20] =	ssyncset.done $0x0  }
0xa3: {  	[sflag:s20] =	ssyncadd.s32 $0xFFFFC000  }
0xa4: {  	[hbm4b:s0+s2] =	stream.linear.scatter [tilespmem:s30], [sflag:$0x8], $0x4000, $0x38;
	[tilespmem:$0x1C200] =	vst v63  }
0xa5: {  	v3 =	vld [tilespmem:$0x50];
	_ =	sdelay $0x4  }
0xa6: {  	v37 =	vshll.u32 v3, $0x3  }
0xa7: {  	v3 =	vand.u32 $0x7, v3;
	v4 =	vand.u32 $0xFFFFFFC0, v37  }
0xa8: {  	v3 =	vor.u32 v3, v4  }
0xa9: {  	v4 =	vperm.xlane v3, v0;
	_ =	sdelay $0x1  }
0xaa: {  	v4 =	vadd.s32 v1, v4;
	_ =	sdelay $0x3  }
0xab: {  	s3 =	simm.s32 $0x14200  }
0xac: {  	[tilespmem:s3], [sflag:$0x6] =	stream.indirect_vreg.gather [hbm4b:s4+s2], $0x80, v4, vm0, $0xb8;
	[tilespmem:$0x1C200] =	vst v63  }
0xad: {  	s8 =	simm.s32 $0x14A00;
	v3 =	vperm.xlane v3, v2  }
0xae: {  	[tilespmem:s8], [sflag:$0x6] =	stream.indirect_vreg.gather [hbm4b:s5+s2], $0x80, v4, vm0, $0xb8;
	[tilespmem:$0x1C200] =	vst v63  }
0xaf: {  	s14 =	simm.s32 $0x15200;
	v3 =	vadd.s32 v1, v3  }
0xb0: {  	[tilespmem:s14], [sflag:$0x6] =	stream.indirect_vreg.gather [hbm4b:s6+s2], $0x80, v4, vm0, $0xb8;
	[tilespmem:$0x1C200] =	vst v63  }
0xb1: {  	s21 =	simm.s32 $0x15A00  }
0xb2: {  	[tilespmem:s21], [sflag:$0x6] =	stream.indirect_vreg.gather [hbm4b:s7+s2], $0x80, v4, vm0, $0xb8;
	[tilespmem:$0x1C200] =	vst v63  }
0xb3: {  	s3 =	simm.s32 $0x16200  }
0xb4: {  	[tilespmem:s3], [sflag:$0x6] =	stream.indirect_vreg.gather [hbm4b:s4+s2], $0x80, v3, vm0, $0xb8;
	[tilespmem:$0x1C200] =	vst v63  }
0xb5: {  	s8 =	simm.s32 $0x16A00  }
0xb6: {  	[tilespmem:s8], [sflag:$0x6] =	stream.indirect_vreg.gather [hbm4b:s5+s2], $0x80, v3, vm0, $0xb8;
	[tilespmem:$0x1C200] =	vst v63  }
0xb7: {  	s14 =	simm.s32 $0x17200  }
0xb8: {  	[tilespmem:s14], [sflag:$0x6] =	stream.indirect_vreg.gather [hbm4b:s6+s2], $0x80, v3, vm0, $0xb8;
	[tilespmem:$0x1C200] =	vst v63  }
0xb9: {  	s21 =	simm.s32 $0x17A00  }
0xba: {  	[tilespmem:s21], [sflag:$0x6] =	stream.indirect_vreg.gather [hbm4b:s7+s2], $0x80, v3, vm0, $0xb8;
	[tilespmem:$0x1C200] =	vst v63  }
0xbb: {  	_ =	swait.ge [sflag:s22], $0x4000  }
0xbc: {  	[sflag:s22] =	ssyncset.done $0x0  }
0xbd: {  	s8 =	simm.s32 $0x4200;
	s0 =	rddreg [dreg:$0x5];
	[sflag:s22] =	ssyncadd.s32 $0xFFFFC000  }
0xbe: {  	[hbm4b:s0+s2] =	stream.linear.scatter [tilespmem:s8], [sflag:$0x9], $0x4000, $0x38;
	[tilespmem:$0x1C200] =	vst v63  }
0xbf: {  	v3 =	vld [tilespmem:$0x60];
	_ =	sdelay $0x4  }
0xc0: {  	v38 =	vshll.u32 v3, $0x3  }
0xc1: {  	v3 =	vand.u32 $0x7, v3;
	v4 =	vand.u32 $0xFFFFFFC0, v38  }
0xc2: {  	v3 =	vor.u32 v3, v4  }
0xc3: {  	v4 =	vperm.xlane v3, v0;
	_ =	sdelay $0x1  }
0xc4: {  	v4 =	vadd.s32 v1, v4;
	_ =	sdelay $0x3  }
0xc5: {  	s3 =	simm.s32 $0x18200  }
0xc6: {  	[tilespmem:s3], [sflag:$0x7] =	stream.indirect_vreg.gather [hbm4b:s4+s2], $0x80, v4, vm0, $0xb8;
	[tilespmem:$0x1C200] =	vst v63  }
0xc7: {  	s14 =	simm.s32 $0x18A00;
	v3 =	vperm.xlane v3, v2  }
0xc8: {  	[tilespmem:s14], [sflag:$0x7] =	stream.indirect_vreg.gather [hbm4b:s5+s2], $0x80, v4, vm0, $0xb8;
	[tilespmem:$0x1C200] =	vst v63  }
0xc9: {  	v3 =	vadd.s32 v1, v3;
	s3 =	simm.s32 $0x19200  }
0xca: {  	[tilespmem:s3], [sflag:$0x7] =	stream.indirect_vreg.gather [hbm4b:s6+s2], $0x80, v4, vm0, $0xb8;
	[tilespmem:$0x1C200] =	vst v63  }
0xcb: {  	s14 =	simm.s32 $0x19A00  }
0xcc: {  	[tilespmem:s14], [sflag:$0x7] =	stream.indirect_vreg.gather [hbm4b:s7+s2], $0x80, v4, vm0, $0xb8;
	[tilespmem:$0x1C200] =	vst v63  }
0xcd: {  	s3 =	simm.s32 $0x1A200  }
0xce: {  	[tilespmem:s3], [sflag:$0x7] =	stream.indirect_vreg.gather [hbm4b:s4+s2], $0x80, v3, vm0, $0xb8;
	[tilespmem:$0x1C200] =	vst v63  }
0xcf: {  	s14 =	simm.s32 $0x1AA00  }
0xd0: {  	[tilespmem:s14], [sflag:$0x7] =	stream.indirect_vreg.gather [hbm4b:s5+s2], $0x80, v3, vm0, $0xb8;
	[tilespmem:$0x1C200] =	vst v63  }
0xd1: {  	s3 =	simm.s32 $0x1B200  }
0xd2: {  	[tilespmem:s3], [sflag:$0x7] =	stream.indirect_vreg.gather [hbm4b:s6+s2], $0x80, v3, vm0, $0xb8;
	[tilespmem:$0x1C200] =	vst v63  }
0xd3: {  	s14 =	simm.s32 $0x1BA00  }
0xd4: {  	[tilespmem:s14], [sflag:$0x7] =	stream.indirect_vreg.gather [hbm4b:s7+s2], $0x80, v3, vm0, $0xb8;
	[tilespmem:$0x1C200] =	vst v63  }
0xd5: {  	_ =	swait.ge [sflag:s24], $0x4000  }
0xd6: {  	[sflag:s24] =	ssyncset.done $0x0  }
0xd7: {  	s3 =	simm.s32 $0x8200;
	s0 =	rddreg [dreg:$0x6];
	[sflag:s24] =	ssyncadd.s32 $0xFFFFC000  }
0xd8: {  	[hbm4b:s0+s2] =	stream.linear.scatter [tilespmem:s3], [sflag:$0xA], $0x4000, $0x38;
	[tilespmem:$0x1C200] =	vst v63  }
0xd9: {  	_ =	swait.ge [sflag:s25], $0x4000  }
0xda: {  	[sflag:s25] =	ssyncset.done $0x0  }
0xdb: {  	[sflag:s25] =	ssyncadd.s32 $0xFFFFC000  }
0xdc: {  	v3 =	vld [tilespmem:$0x70];
	_ =	sdelay $0x4  }
0xdd: {  	v39 =	vshll.u32 v3, $0x3  }
0xde: {  	v3 =	vand.u32 $0x7, v3;
	v4 =	vand.u32 $0xFFFFFFC0, v39  }
0xdf: {  	v3 =	vor.u32 v3, v4  }
0xe0: {  	v4 =	vperm.xlane v3, v0;
	_ =	sdelay $0x1  }
0xe1: {  	v4 =	vadd.s32 v1, v4;
	_ =	sdelay $0x4  }
0xe2: {  	[tilespmem:s30], [sflag:$0x1] =	stream.indirect_vreg.gather [hbm4b:s4+s2], $0x80, v4, vm0, $0xb8;
	[tilespmem:$0x1C200] =	vst v63  }
0xe3: {  	s9 =	simm.s32 $0xA00;
	v3 =	vperm.xlane v3, v2  }
0xe4: {  	[tilespmem:s9], [sflag:$0x1] =	stream.indirect_vreg.gather [hbm4b:s5+s2], $0x80, v4, vm0, $0xb8;
	[tilespmem:$0x1C200] =	vst v63  }
0xe5: {  	s12 =	simm.s32 $0x1200;
	v3 =	vadd.s32 v1, v3  }
0xe6: {  	[tilespmem:s12], [sflag:$0x1] =	stream.indirect_vreg.gather [hbm4b:s6+s2], $0x80, v4, vm0, $0xb8;
	[tilespmem:$0x1C200] =	vst v63  }
0xe7: {  	s10 =	simm.s32 $0x1A00  }
0xe8: {  	[tilespmem:s10], [sflag:$0x1] =	stream.indirect_vreg.gather [hbm4b:s7+s2], $0x80, v4, vm0, $0xb8;
	[tilespmem:$0x1C200] =	vst v63  }
0xe9: {  	s19 =	simm.s32 $0x2200  }
0xea: {  	[tilespmem:s19], [sflag:$0x1] =	stream.indirect_vreg.gather [hbm4b:s4+s2], $0x80, v3, vm0, $0xb8;
	[tilespmem:$0x1C200] =	vst v63  }
0xeb: {  	s23 =	simm.s32 $0x2A00  }
0xec: {  	[tilespmem:s23], [sflag:$0x1] =	stream.indirect_vreg.gather [hbm4b:s5+s2], $0x80, v3, vm0, $0xb8;
	[tilespmem:$0x1C200] =	vst v63  }
0xed: {  	s9 =	simm.s32 $0x3200  }
0xee: {  	[tilespmem:s9], [sflag:$0x1] =	stream.indirect_vreg.gather [hbm4b:s6+s2], $0x80, v3, vm0, $0xb8;
	[tilespmem:$0x1C200] =	vst v63  }
0xef: {  	s17 =	simm.s32 $0x3A00  }
0xf0: {  	[tilespmem:s17], [sflag:$0x1] =	stream.indirect_vreg.gather [hbm4b:s7+s2], $0x80, v3, vm0, $0xb8;
	[tilespmem:$0x1C200] =	vst v63  }
0xf1: {  	_ =	swait.ge [sflag:s28], $0x4000  }
0xf2: {  	[sflag:s28] =	ssyncset.done $0x0  }
0xf3: {  	s9 =	simm.s32 $0xC200;
	s10 =	rddreg [dreg:$0x7];
	[sflag:s28] =	ssyncadd.s32 $0xFFFFC000  }
0xf4: {  	[hbm4b:s10+s2] =	stream.linear.scatter [tilespmem:s9], [sflag:$0xB], $0x4000, $0x38;
	[tilespmem:$0x1C200] =	vst v63  }
0xf5: {  	_ =	swait.ge [sflag:s29], $0x4000  }
0xf6: {  	[sflag:s29] =	ssyncset.done $0x0  }
0xf7: {  	[sflag:s29] =	ssyncadd.s32 $0xFFFFC000  }
0xf8: {  	v3 =	vld [tilespmem:$0x80];
	_ =	sdelay $0x4  }
0xf9: {  	v40 =	vshll.u32 v3, $0x3  }
0xfa: {  	v3 =	vand.u32 $0x7, v3;
	v4 =	vand.u32 $0xFFFFFFC0, v40  }
0xfb: {  	v3 =	vor.u32 v3, v4  }
0xfc: {  	v4 =	vperm.xlane v3, v0;
	_ =	sdelay $0x1  }
0xfd: {  	v4 =	vadd.s32 v1, v4;
	_ =	sdelay $0x4  }
0xfe: {  	[tilespmem:s8], [sflag:$0x2] =	stream.indirect_vreg.gather [hbm4b:s4+s2], $0x80, v4, vm0, $0xb8;
	[tilespmem:$0x1C200] =	vst v63  }
0xff: {  	s16 =	simm.s32 $0x4A00;
	v3 =	vperm.xlane v3, v2  }
0x100: {  	[tilespmem:s16], [sflag:$0x2] =	stream.indirect_vreg.gather [hbm4b:s5+s2], $0x80, v4, vm0, $0xb8;
	[tilespmem:$0x1C200] =	vst v63  }
0x101: {  	s17 =	simm.s32 $0x5200;
	v3 =	vadd.s32 v1, v3  }
0x102: {  	[tilespmem:s17], [sflag:$0x2] =	stream.indirect_vreg.gather [hbm4b:s6+s2], $0x80, v4, vm0, $0xb8;
	[tilespmem:$0x1C200] =	vst v63  }
0x103: {  	s19 =	simm.s32 $0x5A00  }
0x104: {  	[tilespmem:s19], [sflag:$0x2] =	stream.indirect_vreg.gather [hbm4b:s7+s2], $0x80, v4, vm0, $0xb8;
	[tilespmem:$0x1C200] =	vst v63  }
0x105: {  	s23 =	simm.s32 $0x6200  }
0x106: {  	[tilespmem:s23], [sflag:$0x2] =	stream.indirect_vreg.gather [hbm4b:s4+s2], $0x80, v3, vm0, $0xb8;
	[tilespmem:$0x1C200] =	vst v63  }
0x107: {  	s16 =	simm.s32 $0x6A00  }
0x108: {  	[tilespmem:s16], [sflag:$0x2] =	stream.indirect_vreg.gather [hbm4b:s5+s2], $0x80, v3, vm0, $0xb8;
	[tilespmem:$0x1C200] =	vst v63  }
0x109: {  	s23 =	simm.s32 $0x7200  }
0x10a: {  	[tilespmem:s23], [sflag:$0x2] =	stream.indirect_vreg.gather [hbm4b:s6+s2], $0x80, v3, vm0, $0xb8;
	[tilespmem:$0x1C200] =	vst v63  }
0x10b: {  	s26 =	simm.s32 $0x7A00;
	s0 =	simm.s32 $0x5  }
0x10c: {  	[tilespmem:s26], [sflag:$0x2] =	stream.indirect_vreg.gather [hbm4b:s7+s2], $0x80, v3, vm0, $0xb8;
	[tilespmem:$0x1C200] =	vst v63  }
0x10d: {  	_ =	swait.ge [sflag:s0], $0x4000  }
0x10e: {  	[sflag:s0] =	ssyncset.done $0x0  }
0x10f: {  	s26 =	simm.s32 $0x10200;
	s10 =	rddreg [dreg:$0x8];
	[sflag:s0] =	ssyncadd.s32 $0xFFFFC000  }
0x110: {  	[hbm4b:s10+s2] =	stream.linear.scatter [tilespmem:s26], [sflag:$0xC], $0x4000, $0x38;
	[tilespmem:$0x1C200] =	vst v63  }
0x111: {  	_ =	swait.ge [sflag:s31], $0x4000  }
0x112: {  	[sflag:s31] =	ssyncset.done $0x0  }
0x113: {  	[sflag:s31] =	ssyncadd.s32 $0xFFFFC000  }
0x114: {  	v3 =	vld [tilespmem:$0x90];
	_ =	sdelay $0x4  }
0x115: {  	v41 =	vshll.u32 v3, $0x3  }
0x116: {  	v3 =	vand.u32 $0x7, v3;
	v4 =	vand.u32 $0xFFFFFFC0, v41  }
0x117: {  	v3 =	vor.u32 v3, v4  }
0x118: {  	v4 =	vperm.xlane v3, v0;
	_ =	sdelay $0x1  }
0x119: {  	v4 =	vadd.s32 v1, v4;
	_ =	sdelay $0x4  }
0x11a: {  	[tilespmem:s3], [sflag:$0x3] =	stream.indirect_vreg.gather [hbm4b:s4+s2], $0x80, v4, vm0, $0xb8;
	[tilespmem:$0x1C200] =	vst v63  }
0x11b: {  	s14 =	simm.s32 $0x8A00;
	v3 =	vperm.xlane v3, v2  }
0x11c: {  	[tilespmem:s14], [sflag:$0x3] =	stream.indirect_vreg.gather [hbm4b:s5+s2], $0x80, v4, vm0, $0xb8;
	[tilespmem:$0x1C200] =	vst v63  }
0x11d: {  	s17 =	simm.s32 $0x9200;
	v3 =	vadd.s32 v1, v3  }
0x11e: {  	[tilespmem:s17], [sflag:$0x3] =	stream.indirect_vreg.gather [hbm4b:s6+s2], $0x80, v4, vm0, $0xb8;
	[tilespmem:$0x1C200] =	vst v63  }
0x11f: {  	s19 =	simm.s32 $0x9A00  }
0x120: {  	[tilespmem:s19], [sflag:$0x3] =	stream.indirect_vreg.gather [hbm4b:s7+s2], $0x80, v4, vm0, $0xb8;
	[tilespmem:$0x1C200] =	vst v63  }
0x121: {  	s10 =	simm.s32 $0xA200  }
0x122: {  	[tilespmem:s10], [sflag:$0x3] =	stream.indirect_vreg.gather [hbm4b:s4+s2], $0x80, v3, vm0, $0xb8;
	[tilespmem:$0x1C200] =	vst v63  }
0x123: {  	s14 =	simm.s32 $0xAA00  }
0x124: {  	[tilespmem:s14], [sflag:$0x3] =	stream.indirect_vreg.gather [hbm4b:s5+s2], $0x80, v3, vm0, $0xb8;
	[tilespmem:$0x1C200] =	vst v63  }
0x125: {  	s17 =	simm.s32 $0xB200  }
0x126: {  	[tilespmem:s17], [sflag:$0x3] =	stream.indirect_vreg.gather [hbm4b:s6+s2], $0x80, v3, vm0, $0xb8;
	[tilespmem:$0x1C200] =	vst v63  }
0x127: {  	s19 =	simm.s32 $0xBA00;
	s10 =	simm.s32 $0x6  }
0x128: {  	[tilespmem:s19], [sflag:$0x3] =	stream.indirect_vreg.gather [hbm4b:s7+s2], $0x80, v3, vm0, $0xb8;
	[tilespmem:$0x1C200] =	vst v63  }
0x129: {  	_ =	swait.ge [sflag:s10], $0x4000  }
0x12a: {  	[sflag:s10] =	ssyncset.done $0x0  }
0x12b: {  	s11 =	simm.s32 $0x14200;
	s3 =	rddreg [dreg:$0x9];
	[sflag:s10] =	ssyncadd.s32 $0xFFFFC000  }
0x12c: {  	[hbm4b:s3+s2] =	stream.linear.scatter [tilespmem:s11], [sflag:$0xD], $0x4000, $0x38;
	[tilespmem:$0x1C200] =	vst v63  }
0x12d: {  	_ =	swait.ge [sflag:s1], $0x4000  }
0x12e: {  	[sflag:s1] =	ssyncset.done $0x0  }
0x12f: {  	[sflag:s1] =	ssyncadd.s32 $0xFFFFC000  }
0x130: {  	v3 =	vld [tilespmem:$0xA0];
	_ =	sdelay $0x4  }
0x131: {  	v42 =	vshll.u32 v3, $0x3  }
0x132: {  	v3 =	vand.u32 $0x7, v3;
	v4 =	vand.u32 $0xFFFFFFC0, v42  }
0x133: {  	v3 =	vor.u32 v3, v4  }
0x134: {  	v4 =	vperm.xlane v3, v0;
	_ =	sdelay $0x1  }
0x135: {  	v4 =	vadd.s32 v1, v4;
	_ =	sdelay $0x4  }
0x136: {  	[tilespmem:s9], [sflag:$0x4] =	stream.indirect_vreg.gather [hbm4b:s4+s2], $0x80, v4, vm0, $0xb8;
	[tilespmem:$0x1C200] =	vst v63  }
0x137: {  	s17 =	simm.s32 $0xCA00;
	v3 =	vperm.xlane v3, v2  }
0x138: {  	[tilespmem:s17], [sflag:$0x4] =	stream.indirect_vreg.gather [hbm4b:s5+s2], $0x80, v4, vm0, $0xb8;
	[tilespmem:$0x1C200] =	vst v63  }
0x139: {  	s15 =	simm.s32 $0xD200;
	v3 =	vadd.s32 v1, v3  }
0x13a: {  	[tilespmem:s15], [sflag:$0x4] =	stream.indirect_vreg.gather [hbm4b:s6+s2], $0x80, v4, vm0, $0xb8;
	[tilespmem:$0x1C200] =	vst v63  }
0x13b: {  	s19 =	simm.s32 $0xDA00  }
0x13c: {  	[tilespmem:s19], [sflag:$0x4] =	stream.indirect_vreg.gather [hbm4b:s7+s2], $0x80, v4, vm0, $0xb8;
	[tilespmem:$0x1C200] =	vst v63  }
0x13d: {  	s11 =	simm.s32 $0xE200  }
0x13e: {  	[tilespmem:s11], [sflag:$0x4] =	stream.indirect_vreg.gather [hbm4b:s4+s2], $0x80, v3, vm0, $0xb8;
	[tilespmem:$0x1C200] =	vst v63  }
0x13f: {  	s14 =	simm.s32 $0xEA00  }
0x140: {  	[tilespmem:s14], [sflag:$0x4] =	stream.indirect_vreg.gather [hbm4b:s5+s2], $0x80, v3, vm0, $0xb8;
	[tilespmem:$0x1C200] =	vst v63  }
0x141: {  	s15 =	simm.s32 $0xF200  }
0x142: {  	[tilespmem:s15], [sflag:$0x4] =	stream.indirect_vreg.gather [hbm4b:s6+s2], $0x80, v3, vm0, $0xb8;
	[tilespmem:$0x1C200] =	vst v63  }
0x143: {  	s17 =	simm.s32 $0xFA00;
	s11 =	simm.s32 $0x7  }
0x144: {  	[tilespmem:s17], [sflag:$0x4] =	stream.indirect_vreg.gather [hbm4b:s7+s2], $0x80, v3, vm0, $0xb8;
	[tilespmem:$0x1C200] =	vst v63  }
0x145: {  	_ =	swait.ge [sflag:s11], $0x4000  }
0x146: {  	[sflag:s11] =	ssyncset.done $0x0  }
0x147: {  	s21 =	simm.s32 $0x18200;
	s19 =	rddreg [dreg:$0xa];
	[sflag:s11] =	ssyncadd.s32 $0xFFFFC000  }
0x148: {  	[hbm4b:s19+s2] =	stream.linear.scatter [tilespmem:s21], [sflag:$0xE], $0x4000, $0x38;
	[tilespmem:$0x1C200] =	vst v63  }
0x149: {  	s21 =	simm.s32 $0xC  }
0x14a: {  	_ =	swait.ge [sflag:s21], $0x4000  }
0x14b: {  	[sflag:s21] =	ssyncset.done $0x0  }
0x14c: {  	[sflag:s21] =	ssyncadd.s32 $0xFFFFC000  }
0x14d: {  	v3 =	vld [tilespmem:$0xB0];
	_ =	sdelay $0x4  }
0x14e: {  	v43 =	vshll.u32 v3, $0x3  }
0x14f: {  	v3 =	vand.u32 $0x7, v3;
	v4 =	vand.u32 $0xFFFFFFC0, v43  }
0x150: {  	v3 =	vor.u32 v3, v4  }
0x151: {  	v4 =	vperm.xlane v3, v0;
	_ =	sdelay $0x1  }
0x152: {  	v4 =	vadd.s32 v1, v4;
	_ =	sdelay $0x4  }
0x153: {  	[tilespmem:s26], [sflag:$0x5] =	stream.indirect_vreg.gather [hbm4b:s4+s2], $0x80, v4, vm0, $0xb8;
	[tilespmem:$0x1C200] =	vst v63  }
0x154: {  	v3 =	vperm.xlane v3, v2;
	s26 =	simm.s32 $0x10A00  }
0x155: {  	[tilespmem:s26], [sflag:$0x5] =	stream.indirect_vreg.gather [hbm4b:s5+s2], $0x80, v4, vm0, $0xb8;
	[tilespmem:$0x1C200] =	vst v63  }
0x156: {  	s13 =	simm.s32 $0x11200;
	v3 =	vadd.s32 v1, v3  }
0x157: {  	[tilespmem:s13], [sflag:$0x5] =	stream.indirect_vreg.gather [hbm4b:s6+s2], $0x80, v4, vm0, $0xb8;
	[tilespmem:$0x1C200] =	vst v63  }
0x158: {  	s19 =	simm.s32 $0x11A00  }
0x159: {  	[tilespmem:s19], [sflag:$0x5] =	stream.indirect_vreg.gather [hbm4b:s7+s2], $0x80, v4, vm0, $0xb8;
	[tilespmem:$0x1C200] =	vst v63  }
0x15a: {  	s13 =	simm.s32 $0x12200  }
0x15b: {  	[tilespmem:s13], [sflag:$0x5] =	stream.indirect_vreg.gather [hbm4b:s4+s2], $0x80, v3, vm0, $0xb8;
	[tilespmem:$0x1C200] =	vst v63  }
0x15c: {  	s14 =	simm.s32 $0x12A00  }
0x15d: {  	[tilespmem:s14], [sflag:$0x5] =	stream.indirect_vreg.gather [hbm4b:s5+s2], $0x80, v3, vm0, $0xb8;
	[tilespmem:$0x1C200] =	vst v63  }
0x15e: {  	s17 =	simm.s32 $0x13200  }
0x15f: {  	[tilespmem:s17], [sflag:$0x5] =	stream.indirect_vreg.gather [hbm4b:s6+s2], $0x80, v3, vm0, $0xb8;
	[tilespmem:$0x1C200] =	vst v63  }
0x160: {  	s26 =	simm.s32 $0x13A00  }
0x161: {  	[tilespmem:s26], [sflag:$0x5] =	stream.indirect_vreg.gather [hbm4b:s7+s2], $0x80, v3, vm0, $0xb8;
	[tilespmem:$0x1C200] =	vst v63  }
0x162: {  	_ =	swait.ge [sflag:s20], $0x4000  }
0x163: {  	[sflag:s20] =	ssyncset.done $0x0  }
0x164: {  	s13 =	rddreg [dreg:$0xb];
	[sflag:s20] =	ssyncadd.s32 $0xFFFFC000  }
0x165: {  	[hbm4b:s13+s2] =	stream.linear.scatter [tilespmem:s30], [sflag:$0x8], $0x4000, $0x38;
	[tilespmem:$0x1C200] =	vst v63  }
0x166: {  	s13 =	simm.s32 $0xD  }
0x167: {  	_ =	swait.ge [sflag:s13], $0x4000  }
0x168: {  	[sflag:s13] =	ssyncset.done $0x0  }
0x169: {  	[sflag:s13] =	ssyncadd.s32 $0xFFFFC000  }
0x16a: {  	v3 =	vld [tilespmem:$0xC0];
	_ =	sdelay $0x4  }
0x16b: {  	v44 =	vshll.u32 v3, $0x3  }
0x16c: {  	v3 =	vand.u32 $0x7, v3;
	v4 =	vand.u32 $0xFFFFFFC0, v44  }
0x16d: {  	v3 =	vor.u32 v3, v4  }
0x16e: {  	v4 =	vperm.xlane v3, v0;
	_ =	sdelay $0x1  }
0x16f: {  	v4 =	vadd.s32 v1, v4;
	_ =	sdelay $0x3  }
0x170: {  	s3 =	simm.s32 $0x14200  }
0x171: {  	[tilespmem:s3], [sflag:$0x6] =	stream.indirect_vreg.gather [hbm4b:s4+s2], $0x80, v4, vm0, $0xb8;
	[tilespmem:$0x1C200] =	vst v63  }
0x172: {  	s14 =	simm.s32 $0x14A00;
	v3 =	vperm.xlane v3, v2  }
0x173: {  	[tilespmem:s14], [sflag:$0x6] =	stream.indirect_vreg.gather [hbm4b:s5+s2], $0x80, v4, vm0, $0xb8;
	[tilespmem:$0x1C200] =	vst v63  }
0x174: {  	s17 =	simm.s32 $0x15200;
	v3 =	vadd.s32 v1, v3  }
0x175: {  	[tilespmem:s17], [sflag:$0x6] =	stream.indirect_vreg.gather [hbm4b:s6+s2], $0x80, v4, vm0, $0xb8;
	[tilespmem:$0x1C200] =	vst v63  }
0x176: {  	s26 =	simm.s32 $0x15A00  }
0x177: {  	[tilespmem:s26], [sflag:$0x6] =	stream.indirect_vreg.gather [hbm4b:s7+s2], $0x80, v4, vm0, $0xb8;
	[tilespmem:$0x1C200] =	vst v63  }
0x178: {  	s9 =	simm.s32 $0x16200  }
0x179: {  	[tilespmem:s9], [sflag:$0x6] =	stream.indirect_vreg.gather [hbm4b:s4+s2], $0x80, v3, vm0, $0xb8;
	[tilespmem:$0x1C200] =	vst v63  }
0x17a: {  	s14 =	simm.s32 $0x16A00  }
0x17b: {  	[tilespmem:s14], [sflag:$0x6] =	stream.indirect_vreg.gather [hbm4b:s5+s2], $0x80, v3, vm0, $0xb8;
	[tilespmem:$0x1C200] =	vst v63  }
0x17c: {  	s17 =	simm.s32 $0x17200  }
0x17d: {  	[tilespmem:s17], [sflag:$0x6] =	stream.indirect_vreg.gather [hbm4b:s6+s2], $0x80, v3, vm0, $0xb8;
	[tilespmem:$0x1C200] =	vst v63  }
0x17e: {  	s26 =	simm.s32 $0x17A00  }
0x17f: {  	[tilespmem:s26], [sflag:$0x6] =	stream.indirect_vreg.gather [hbm4b:s7+s2], $0x80, v3, vm0, $0xb8;
	[tilespmem:$0x1C200] =	vst v63  }
0x180: {  	_ =	swait.ge [sflag:s22], $0x4000  }
0x181: {  	[sflag:s22] =	ssyncset.done $0x0  }
0x182: {  	s8 =	simm.s32 $0x4200;
	s9 =	rddreg [dreg:$0xc];
	[sflag:s22] =	ssyncadd.s32 $0xFFFFC000  }
0x183: {  	[hbm4b:s9+s2] =	stream.linear.scatter [tilespmem:s8], [sflag:$0x9], $0x4000, $0x38;
	[tilespmem:$0x1C200] =	vst v63  }
0x184: {  	s8 =	simm.s32 $0xE  }
0x185: {  	_ =	swait.ge [sflag:s8], $0x4000  }
0x186: {  	[sflag:s8] =	ssyncset.done $0x0  }
0x187: {  	[sflag:s8] =	ssyncadd.s32 $0xFFFFC000  }
0x188: {  	v3 =	vld [tilespmem:$0xD0];
	_ =	sdelay $0x4  }
0x189: {  	v45 =	vshll.u32 v3, $0x3  }
0x18a: {  	v3 =	vand.u32 $0x7, v3;
	v4 =	vand.u32 $0xFFFFFFC0, v45  }
0x18b: {  	v3 =	vor.u32 v3, v4  }
0x18c: {  	v4 =	vperm.xlane v3, v0;
	_ =	sdelay $0x1  }
0x18d: {  	v4 =	vadd.s32 v1, v4;
	_ =	sdelay $0x3  }
0x18e: {  	s15 =	simm.s32 $0x18200  }
0x18f: {  	[tilespmem:s15], [sflag:$0x7] =	stream.indirect_vreg.gather [hbm4b:s4+s2], $0x80, v4, vm0, $0xb8;
	[tilespmem:$0x1C200] =	vst v63  }
0x190: {  	s14 =	simm.s32 $0x18A00;
	v3 =	vperm.xlane v3, v2  }
0x191: {  	[tilespmem:s14], [sflag:$0x7] =	stream.indirect_vreg.gather [hbm4b:s5+s2], $0x80, v4, vm0, $0xb8;
	[tilespmem:$0x1C200] =	vst v63  }
0x192: {  	s26 =	simm.s32 $0x19200;
	v3 =	vadd.s32 v1, v3  }
0x193: {  	[tilespmem:s26], [sflag:$0x7] =	stream.indirect_vreg.gather [hbm4b:s6+s2], $0x80, v4, vm0, $0xb8;
	[tilespmem:$0x1C200] =	vst v63  }
0x194: {  	s9 =	simm.s32 $0x19A00  }
0x195: {  	[tilespmem:s9], [sflag:$0x7] =	stream.indirect_vreg.gather [hbm4b:s7+s2], $0x80, v4, vm0, $0xb8;
	[tilespmem:$0x1C200] =	vst v63  }
0x196: {  	s14 =	simm.s32 $0x1A200  }
0x197: {  	[tilespmem:s14], [sflag:$0x7] =	stream.indirect_vreg.gather [hbm4b:s4+s2], $0x80, v3, vm0, $0xb8;
	[tilespmem:$0x1C200] =	vst v63  }
0x198: {  	s3 =	simm.s32 $0x1AA00  }
0x199: {  	[tilespmem:s3], [sflag:$0x7] =	stream.indirect_vreg.gather [hbm4b:s5+s2], $0x80, v3, vm0, $0xb8;
	[tilespmem:$0x1C200] =	vst v63  }
0x19a: {  	s26 =	simm.s32 $0x1B200  }
0x19b: {  	[tilespmem:s26], [sflag:$0x7] =	stream.indirect_vreg.gather [hbm4b:s6+s2], $0x80, v3, vm0, $0xb8;
	[tilespmem:$0x1C200] =	vst v63  }
0x19c: {  	s14 =	simm.s32 $0x1BA00  }
0x19d: {  	[tilespmem:s14], [sflag:$0x7] =	stream.indirect_vreg.gather [hbm4b:s7+s2], $0x80, v3, vm0, $0xb8;
	[tilespmem:$0x1C200] =	vst v63  }
0x19e: {  	_ =	swait.ge [sflag:s24], $0x4000  }
0x19f: {  	[sflag:s24] =	ssyncset.done $0x0  }
0x1a0: {  	s9 =	simm.s32 $0x8200;
	s26 =	rddreg [dreg:$0xd];
	[sflag:s24] =	ssyncadd.s32 $0xFFFFC000  }
0x1a1: {  	[hbm4b:s26+s2] =	stream.linear.scatter [tilespmem:s9], [sflag:$0xA], $0x4000, $0x38;
	[tilespmem:$0x1C200] =	vst v63  }
0x1a2: {  	_ =	swait.ge [sflag:s25], $0x4000  }
0x1a3: {  	[sflag:s25] =	ssyncset.done $0x0  }
0x1a4: {  	[sflag:s25] =	ssyncadd.s32 $0xFFFFC000  }
0x1a5: {  	v3 =	vld [tilespmem:$0xE0];
	_ =	sdelay $0x4  }
0x1a6: {  	v46 =	vshll.u32 v3, $0x3  }
0x1a7: {  	v3 =	vand.u32 $0x7, v3;
	v4 =	vand.u32 $0xFFFFFFC0, v46  }
0x1a8: {  	v3 =	vor.u32 v3, v4  }
0x1a9: {  	v4 =	vperm.xlane v3, v0;
	_ =	sdelay $0x1  }
0x1aa: {  	v4 =	vadd.s32 v1, v4;
	_ =	sdelay $0x4  }
0x1ab: {  	[tilespmem:s30], [sflag:$0x1] =	stream.indirect_vreg.gather [hbm4b:s4+s2], $0x80, v4, vm0, $0xb8;
	[tilespmem:$0x1C200] =	vst v63  }
0x1ac: {  	s26 =	simm.s32 $0xA00;
	v3 =	vperm.xlane v3, v2  }
0x1ad: {  	[tilespmem:s26], [sflag:$0x1] =	stream.indirect_vreg.gather [hbm4b:s5+s2], $0x80, v4, vm0, $0xb8;
	[tilespmem:$0x1C200] =	vst v63  }
0x1ae: {  	s12 =	simm.s32 $0x1200;
	v3 =	vadd.s32 v1, v3  }
0x1af: {  	[tilespmem:s12], [sflag:$0x1] =	stream.indirect_vreg.gather [hbm4b:s6+s2], $0x80, v4, vm0, $0xb8;
	[tilespmem:$0x1C200] =	vst v63  }
0x1b0: {  	s26 =	simm.s32 $0x1A00  }
0x1b1: {  	[tilespmem:s26], [sflag:$0x1] =	stream.indirect_vreg.gather [hbm4b:s7+s2], $0x80, v4, vm0, $0xb8;
	[tilespmem:$0x1C200] =	vst v63  }
0x1b2: {  	s14 =	simm.s32 $0x2200  }
0x1b3: {  	[tilespmem:s14], [sflag:$0x1] =	stream.indirect_vreg.gather [hbm4b:s4+s2], $0x80, v3, vm0, $0xb8;
	[tilespmem:$0x1C200] =	vst v63  }
0x1b4: {  	s14 =	simm.s32 $0x2A00  }
0x1b5: {  	[tilespmem:s14], [sflag:$0x1] =	stream.indirect_vreg.gather [hbm4b:s5+s2], $0x80, v3, vm0, $0xb8;
	[tilespmem:$0x1C200] =	vst v63  }
0x1b6: {  	s14 =	simm.s32 $0x3200  }
0x1b7: {  	[tilespmem:s14], [sflag:$0x1] =	stream.indirect_vreg.gather [hbm4b:s6+s2], $0x80, v3, vm0, $0xb8;
	[tilespmem:$0x1C200] =	vst v63  }
0x1b8: {  	s14 =	simm.s32 $0x3A00  }
0x1b9: {  	[tilespmem:s14], [sflag:$0x1] =	stream.indirect_vreg.gather [hbm4b:s7+s2], $0x80, v3, vm0, $0xb8;
	[tilespmem:$0x1C200] =	vst v63  }
0x1ba: {  	_ =	swait.ge [sflag:s28], $0x4000  }
0x1bb: {  	[sflag:s28] =	ssyncset.done $0x0  }
0x1bc: {  	s12 =	simm.s32 $0xC200;
	s14 =	rddreg [dreg:$0xe];
	[sflag:s28] =	ssyncadd.s32 $0xFFFFC000  }
0x1bd: {  	[hbm4b:s14+s2] =	stream.linear.scatter [tilespmem:s12], [sflag:$0xB], $0x4000, $0x38;
	[tilespmem:$0x1C200] =	vst v63  }
0x1be: {  	_ =	swait.ge [sflag:s29], $0x4000  }
0x1bf: {  	[sflag:s29] =	ssyncset.done $0x0  }
0x1c0: {  	[sflag:s29] =	ssyncadd.s32 $0xFFFFC000  }
0x1c1: {  	v3 =	vld [tilespmem:$0xF0];
	_ =	sdelay $0x4  }
0x1c2: {  	v47 =	vshll.u32 v3, $0x3  }
0x1c3: {  	v3 =	vand.u32 $0x7, v3;
	v4 =	vand.u32 $0xFFFFFFC0, v47  }
0x1c4: {  	v3 =	vor.u32 v3, v4  }
0x1c5: {  	v4 =	vperm.xlane v3, v0;
	_ =	sdelay $0x1  }
0x1c6: {  	v4 =	vadd.s32 v1, v4;
	_ =	sdelay $0x3  }
0x1c7: {  	s17 =	simm.s32 $0x4200  }
0x1c8: {  	[tilespmem:s17], [sflag:$0x2] =	stream.indirect_vreg.gather [hbm4b:s4+s2], $0x80, v4, vm0, $0xb8;
	[tilespmem:$0x1C200] =	vst v63  }
0x1c9: {  	s14 =	simm.s32 $0x4A00;
	v3 =	vperm.xlane v3, v2  }
0x1ca: {  	[tilespmem:s14], [sflag:$0x2] =	stream.indirect_vreg.gather [hbm4b:s5+s2], $0x80, v4, vm0, $0xb8;
	[tilespmem:$0x1C200] =	vst v63  }
0x1cb: {  	v3 =	vadd.s32 v1, v3;
	s14 =	simm.s32 $0x5200  }
0x1cc: {  	[tilespmem:s14], [sflag:$0x2] =	stream.indirect_vreg.gather [hbm4b:s6+s2], $0x80, v4, vm0, $0xb8;
	[tilespmem:$0x1C200] =	vst v63  }
0x1cd: {  	s14 =	simm.s32 $0x5A00  }
0x1ce: {  	[tilespmem:s14], [sflag:$0x2] =	stream.indirect_vreg.gather [hbm4b:s7+s2], $0x80, v4, vm0, $0xb8;
	[tilespmem:$0x1C200] =	vst v63  }
0x1cf: {  	s14 =	simm.s32 $0x6200  }
0x1d0: {  	[tilespmem:s14], [sflag:$0x2] =	stream.indirect_vreg.gather [hbm4b:s4+s2], $0x80, v3, vm0, $0xb8;
	[tilespmem:$0x1C200] =	vst v63  }
0x1d1: {  	_ = 	snop  }
0x1d2: {  	[tilespmem:s16], [sflag:$0x2] =	stream.indirect_vreg.gather [hbm4b:s5+s2], $0x80, v3, vm0, $0xb8;
	[tilespmem:$0x1C200] =	vst v63  }
0x1d3: {  	_ = 	snop  }
0x1d4: {  	[tilespmem:s23], [sflag:$0x2] =	stream.indirect_vreg.gather [hbm4b:s6+s2], $0x80, v3, vm0, $0xb8;
	[tilespmem:$0x1C200] =	vst v63  }
0x1d5: {  	s16 =	simm.s32 $0x7A00  }
0x1d6: {  	[tilespmem:s16], [sflag:$0x2] =	stream.indirect_vreg.gather [hbm4b:s7+s2], $0x80, v3, vm0, $0xb8;
	[tilespmem:$0x1C200] =	vst v63  }
0x1d7: {  	_ =	swait.ge [sflag:s0], $0x4000  }
0x1d8: {  	[sflag:s0] =	ssyncset.done $0x0  }
0x1d9: {  	s16 =	simm.s32 $0x10200;
	s23 =	rddreg [dreg:$0xf];
	[sflag:s0] =	ssyncadd.s32 $0xFFFFC000  }
0x1da: {  	[hbm4b:s23+s2] =	stream.linear.scatter [tilespmem:s16], [sflag:$0xC], $0x4000, $0x38;
	[tilespmem:$0x1C200] =	vst v63  }
0x1db: {  	_ =	swait.ge [sflag:s31], $0x4000  }
0x1dc: {  	[sflag:s31] =	ssyncset.done $0x0  }
0x1dd: {  	[sflag:s31] =	ssyncadd.s32 $0xFFFFC000  }
0x1de: {  	v3 =	vld [tilespmem:$0x100];
	_ =	sdelay $0x4  }
0x1df: {  	v48 =	vshll.u32 v3, $0x3  }
0x1e0: {  	v3 =	vand.u32 $0x7, v3;
	v4 =	vand.u32 $0xFFFFFFC0, v48  }
0x1e1: {  	v3 =	vor.u32 v3, v4  }
0x1e2: {  	v4 =	vperm.xlane v3, v0;
	_ =	sdelay $0x1  }
0x1e3: {  	v4 =	vadd.s32 v1, v4;
	_ =	sdelay $0x4  }
0x1e4: {  	[tilespmem:s9], [sflag:$0x3] =	stream.indirect_vreg.gather [hbm4b:s4+s2], $0x80, v4, vm0, $0xb8;
	[tilespmem:$0x1C200] =	vst v63  }
0x1e5: {  	s23 =	simm.s32 $0x8A00;
	v3 =	vperm.xlane v3, v2  }
0x1e6: {  	[tilespmem:s23], [sflag:$0x3] =	stream.indirect_vreg.gather [hbm4b:s5+s2], $0x80, v4, vm0, $0xb8;
	[tilespmem:$0x1C200] =	vst v63  }
0x1e7: {  	v3 =	vadd.s32 v1, v3;
	s23 =	simm.s32 $0x9200  }
0x1e8: {  	[tilespmem:s23], [sflag:$0x3] =	stream.indirect_vreg.gather [hbm4b:s6+s2], $0x80, v4, vm0, $0xb8;
	[tilespmem:$0x1C200] =	vst v63  }
0x1e9: {  	s23 =	simm.s32 $0x9A00  }
0x1ea: {  	[tilespmem:s23], [sflag:$0x3] =	stream.indirect_vreg.gather [hbm4b:s7+s2], $0x80, v4, vm0, $0xb8;
	[tilespmem:$0x1C200] =	vst v63  }
0x1eb: {  	s23 =	simm.s32 $0xA200  }
0x1ec: {  	[tilespmem:s23], [sflag:$0x3] =	stream.indirect_vreg.gather [hbm4b:s4+s2], $0x80, v3, vm0, $0xb8;
	[tilespmem:$0x1C200] =	vst v63  }
0x1ed: {  	s23 =	simm.s32 $0xAA00  }
0x1ee: {  	[tilespmem:s23], [sflag:$0x3] =	stream.indirect_vreg.gather [hbm4b:s5+s2], $0x80, v3, vm0, $0xb8;
	[tilespmem:$0x1C200] =	vst v63  }
0x1ef: {  	s23 =	simm.s32 $0xB200  }
0x1f0: {  	[tilespmem:s23], [sflag:$0x3] =	stream.indirect_vreg.gather [hbm4b:s6+s2], $0x80, v3, vm0, $0xb8;
	[tilespmem:$0x1C200] =	vst v63  }
0x1f1: {  	s23 =	simm.s32 $0xBA00  }
0x1f2: {  	[tilespmem:s23], [sflag:$0x3] =	stream.indirect_vreg.gather [hbm4b:s7+s2], $0x80, v3, vm0, $0xb8;
	[tilespmem:$0x1C200] =	vst v63  }
0x1f3: {  	_ =	swait.ge [sflag:s10], $0x4000  }
0x1f4: {  	[sflag:s10] =	ssyncset.done $0x0  }
0x1f5: {  	s23 =	simm.s32 $0x14200;
	s14 =	rddreg [dreg:$0x10];
	[sflag:s10] =	ssyncadd.s32 $0xFFFFC000  }
0x1f6: {  	[hbm4b:s14+s2] =	stream.linear.scatter [tilespmem:s23], [sflag:$0xD], $0x4000, $0x38;
	[tilespmem:$0x1C200] =	vst v63  }
0x1f7: {  	_ =	swait.ge [sflag:s1], $0x4000  }
0x1f8: {  	[sflag:s1] =	ssyncset.done $0x0  }
0x1f9: {  	[sflag:s1] =	ssyncadd.s32 $0xFFFFC000  }
0x1fa: {  	v3 =	vld [tilespmem:$0x110];
	_ =	sdelay $0x4  }
0x1fb: {  	v49 =	vshll.u32 v3, $0x3  }
0x1fc: {  	v3 =	vand.u32 $0x7, v3;
	v4 =	vand.u32 $0xFFFFFFC0, v49  }
0x1fd: {  	v3 =	vor.u32 v3, v4  }
0x1fe: {  	v4 =	vperm.xlane v3, v0;
	_ =	sdelay $0x1  }
0x1ff: {  	v4 =	vadd.s32 v1, v4;
	_ =	sdelay $0x4  }
0x200: {  	[tilespmem:s12], [sflag:$0x4] =	stream.indirect_vreg.gather [hbm4b:s4+s2], $0x80, v4, vm0, $0xb8;
	[tilespmem:$0x1C200] =	vst v63  }
0x201: {  	s14 =	simm.s32 $0xCA00;
	v3 =	vperm.xlane v3, v2  }
0x202: {  	[tilespmem:s14], [sflag:$0x4] =	stream.indirect_vreg.gather [hbm4b:s5+s2], $0x80, v4, vm0, $0xb8;
	[tilespmem:$0x1C200] =	vst v63  }
0x203: {  	v3 =	vadd.s32 v1, v3;
	s14 =	simm.s32 $0xD200  }
0x204: {  	[tilespmem:s14], [sflag:$0x4] =	stream.indirect_vreg.gather [hbm4b:s6+s2], $0x80, v4, vm0, $0xb8;
	[tilespmem:$0x1C200] =	vst v63  }
0x205: {  	s14 =	simm.s32 $0xDA00  }
0x206: {  	[tilespmem:s14], [sflag:$0x4] =	stream.indirect_vreg.gather [hbm4b:s7+s2], $0x80, v4, vm0, $0xb8;
	[tilespmem:$0x1C200] =	vst v63  }
0x207: {  	s14 =	simm.s32 $0xE200  }
0x208: {  	[tilespmem:s14], [sflag:$0x4] =	stream.indirect_vreg.gather [hbm4b:s4+s2], $0x80, v3, vm0, $0xb8;
	[tilespmem:$0x1C200] =	vst v63  }
0x209: {  	s14 =	simm.s32 $0xEA00  }
0x20a: {  	[tilespmem:s14], [sflag:$0x4] =	stream.indirect_vreg.gather [hbm4b:s5+s2], $0x80, v3, vm0, $0xb8;
	[tilespmem:$0x1C200] =	vst v63  }
0x20b: {  	s14 =	simm.s32 $0xF200  }
0x20c: {  	[tilespmem:s14], [sflag:$0x4] =	stream.indirect_vreg.gather [hbm4b:s6+s2], $0x80, v3, vm0, $0xb8;
	[tilespmem:$0x1C200] =	vst v63  }
0x20d: {  	s14 =	simm.s32 $0xFA00  }
0x20e: {  	[tilespmem:s14], [sflag:$0x4] =	stream.indirect_vreg.gather [hbm4b:s7+s2], $0x80, v3, vm0, $0xb8;
	[tilespmem:$0x1C200] =	vst v63  }
0x20f: {  	_ =	swait.ge [sflag:s11], $0x4000  }
0x210: {  	[sflag:s11] =	ssyncset.done $0x0  }
0x211: {  	s14 =	rddreg [dreg:$0x11];
	[sflag:s11] =	ssyncadd.s32 $0xFFFFC000  }
0x212: {  	[hbm4b:s14+s2] =	stream.linear.scatter [tilespmem:s15], [sflag:$0xE], $0x4000, $0x38;
	[tilespmem:$0x1C200] =	vst v63  }
0x213: {  	_ =	swait.ge [sflag:s21], $0x4000  }
0x214: {  	[sflag:s21] =	ssyncset.done $0x0  }
0x215: {  	[sflag:s21] =	ssyncadd.s32 $0xFFFFC000  }
0x216: {  	v3 =	vld [tilespmem:$0x120];
	_ =	sdelay $0x4  }
0x217: {  	v50 =	vshll.u32 v3, $0x3  }
0x218: {  	v3 =	vand.u32 $0x7, v3;
	v4 =	vand.u32 $0xFFFFFFC0, v50  }
0x219: {  	v3 =	vor.u32 v3, v4  }
0x21a: {  	v4 =	vperm.xlane v3, v0;
	_ =	sdelay $0x1  }
0x21b: {  	v4 =	vadd.s32 v1, v4;
	_ =	sdelay $0x4  }
0x21c: {  	[tilespmem:s16], [sflag:$0x5] =	stream.indirect_vreg.gather [hbm4b:s4+s2], $0x80, v4, vm0, $0xb8;
	[tilespmem:$0x1C200] =	vst v63  }
0x21d: {  	v3 =	vperm.xlane v3, v2;
	s16 =	simm.s32 $0x10A00  }
0x21e: {  	[tilespmem:s16], [sflag:$0x5] =	stream.indirect_vreg.gather [hbm4b:s5+s2], $0x80, v4, vm0, $0xb8;
	[tilespmem:$0x1C200] =	vst v63  }
0x21f: {  	v3 =	vadd.s32 v1, v3;
	s16 =	simm.s32 $0x11200  }
0x220: {  	[tilespmem:s16], [sflag:$0x5] =	stream.indirect_vreg.gather [hbm4b:s6+s2], $0x80, v4, vm0, $0xb8;
	[tilespmem:$0x1C200] =	vst v63  }
0x221: {  	_ = 	snop  }
0x222: {  	[tilespmem:s19], [sflag:$0x5] =	stream.indirect_vreg.gather [hbm4b:s7+s2], $0x80, v4, vm0, $0xb8;
	[tilespmem:$0x1C200] =	vst v63  }
0x223: {  	s16 =	simm.s32 $0x12200  }
0x224: {  	[tilespmem:s16], [sflag:$0x5] =	stream.indirect_vreg.gather [hbm4b:s4+s2], $0x80, v3, vm0, $0xb8;
	[tilespmem:$0x1C200] =	vst v63  }
0x225: {  	s19 =	simm.s32 $0x12A00  }
0x226: {  	[tilespmem:s19], [sflag:$0x5] =	stream.indirect_vreg.gather [hbm4b:s5+s2], $0x80, v3, vm0, $0xb8;
	[tilespmem:$0x1C200] =	vst v63  }
0x227: {  	s16 =	simm.s32 $0x13200  }
0x228: {  	[tilespmem:s16], [sflag:$0x5] =	stream.indirect_vreg.gather [hbm4b:s6+s2], $0x80, v3, vm0, $0xb8;
	[tilespmem:$0x1C200] =	vst v63  }
0x229: {  	s19 =	simm.s32 $0x13A00  }
0x22a: {  	[tilespmem:s19], [sflag:$0x5] =	stream.indirect_vreg.gather [hbm4b:s7+s2], $0x80, v3, vm0, $0xb8;
	[tilespmem:$0x1C200] =	vst v63  }
0x22b: {  	_ =	swait.ge [sflag:s20], $0x4000  }
0x22c: {  	[sflag:s20] =	ssyncset.done $0x0  }
0x22d: {  	s16 =	rddreg [dreg:$0x12];
	[sflag:s20] =	ssyncadd.s32 $0xFFFFC000  }
0x22e: {  	[hbm4b:s16+s2] =	stream.linear.scatter [tilespmem:s30], [sflag:$0x8], $0x4000, $0x38;
	[tilespmem:$0x1C200] =	vst v63  }
0x22f: {  	_ =	swait.ge [sflag:s13], $0x4000  }
0x230: {  	[sflag:s13] =	ssyncset.done $0x0  }
0x231: {  	[sflag:s13] =	ssyncadd.s32 $0xFFFFC000  }
0x232: {  	v3 =	vld [tilespmem:$0x130];
	_ =	sdelay $0x4  }
0x233: {  	v51 =	vshll.u32 v3, $0x3  }
0x234: {  	v3 =	vand.u32 $0x7, v3;
	v4 =	vand.u32 $0xFFFFFFC0, v51  }
0x235: {  	v3 =	vor.u32 v3, v4  }
0x236: {  	v4 =	vperm.xlane v3, v0;
	_ =	sdelay $0x1  }
0x237: {  	v4 =	vadd.s32 v1, v4;
	_ =	sdelay $0x4  }
0x238: {  	[tilespmem:s23], [sflag:$0x6] =	stream.indirect_vreg.gather [hbm4b:s4+s2], $0x80, v4, vm0, $0xb8;
	[tilespmem:$0x1C200] =	vst v63  }
0x239: {  	s19 =	simm.s32 $0x14A00;
	v3 =	vperm.xlane v3, v2  }
0x23a: {  	[tilespmem:s19], [sflag:$0x6] =	stream.indirect_vreg.gather [hbm4b:s5+s2], $0x80, v4, vm0, $0xb8;
	[tilespmem:$0x1C200] =	vst v63  }
0x23b: {  	v3 =	vadd.s32 v1, v3;
	s23 =	simm.s32 $0x15200  }
0x23c: {  	[tilespmem:s23], [sflag:$0x6] =	stream.indirect_vreg.gather [hbm4b:s6+s2], $0x80, v4, vm0, $0xb8;
	[tilespmem:$0x1C200] =	vst v63  }
0x23d: {  	s16 =	simm.s32 $0x15A00  }
0x23e: {  	[tilespmem:s16], [sflag:$0x6] =	stream.indirect_vreg.gather [hbm4b:s7+s2], $0x80, v4, vm0, $0xb8;
	[tilespmem:$0x1C200] =	vst v63  }
0x23f: {  	s19 =	simm.s32 $0x16200  }
0x240: {  	[tilespmem:s19], [sflag:$0x6] =	stream.indirect_vreg.gather [hbm4b:s4+s2], $0x80, v3, vm0, $0xb8;
	[tilespmem:$0x1C200] =	vst v63  }
0x241: {  	s23 =	simm.s32 $0x16A00  }
0x242: {  	[tilespmem:s23], [sflag:$0x6] =	stream.indirect_vreg.gather [hbm4b:s5+s2], $0x80, v3, vm0, $0xb8;
	[tilespmem:$0x1C200] =	vst v63  }
0x243: {  	s16 =	simm.s32 $0x17200  }
0x244: {  	[tilespmem:s16], [sflag:$0x6] =	stream.indirect_vreg.gather [hbm4b:s6+s2], $0x80, v3, vm0, $0xb8;
	[tilespmem:$0x1C200] =	vst v63  }
0x245: {  	s19 =	simm.s32 $0x17A00  }
0x246: {  	[tilespmem:s19], [sflag:$0x6] =	stream.indirect_vreg.gather [hbm4b:s7+s2], $0x80, v3, vm0, $0xb8;
	[tilespmem:$0x1C200] =	vst v63  }
0x247: {  	_ =	swait.ge [sflag:s22], $0x4000  }
0x248: {  	[sflag:s22] =	ssyncset.done $0x0  }
0x249: {  	s23 =	rddreg [dreg:$0x13];
	[sflag:s22] =	ssyncadd.s32 $0xFFFFC000  }
0x24a: {  	[hbm4b:s23+s2] =	stream.linear.scatter [tilespmem:s17], [sflag:$0x9], $0x4000, $0x38;
	[tilespmem:$0x1C200] =	vst v63  }
0x24b: {  	_ =	swait.ge [sflag:s8], $0x4000  }
0x24c: {  	[sflag:s8] =	ssyncset.done $0x0  }
0x24d: {  	[sflag:s8] =	ssyncadd.s32 $0xFFFFC000  }
0x24e: {  	v3 =	vld [tilespmem:$0x140];
	_ =	sdelay $0x4  }
0x24f: {  	v52 =	vshll.u32 v3, $0x3  }
0x250: {  	v3 =	vand.u32 $0x7, v3;
	v4 =	vand.u32 $0xFFFFFFC0, v52  }
0x251: {  	v3 =	vor.u32 v3, v4  }
0x252: {  	v4 =	vperm.xlane v3, v0;
	_ =	sdelay $0x1  }
0x253: {  	v4 =	vadd.s32 v1, v4;
	_ =	sdelay $0x4  }
0x254: {  	[tilespmem:s15], [sflag:$0x7] =	stream.indirect_vreg.gather [hbm4b:s4+s2], $0x80, v4, vm0, $0xb8;
	[tilespmem:$0x1C200] =	vst v63  }
0x255: {  	s16 =	simm.s32 $0x18A00;
	v3 =	vperm.xlane v3, v2  }
0x256: {  	[tilespmem:s16], [sflag:$0x7] =	stream.indirect_vreg.gather [hbm4b:s5+s2], $0x80, v4, vm0, $0xb8;
	[tilespmem:$0x1C200] =	vst v63  }
0x257: {  	s19 =	simm.s32 $0x19200;
	v3 =	vadd.s32 v1, v3  }
0x258: {  	[tilespmem:s19], [sflag:$0x7] =	stream.indirect_vreg.gather [hbm4b:s6+s2], $0x80, v4, vm0, $0xb8;
	[tilespmem:$0x1C200] =	vst v63  }
0x259: {  	s23 =	simm.s32 $0x19A00  }
0x25a: {  	[tilespmem:s23], [sflag:$0x7] =	stream.indirect_vreg.gather [hbm4b:s7+s2], $0x80, v4, vm0, $0xb8;
	[tilespmem:$0x1C200] =	vst v63  }
0x25b: {  	s15 =	simm.s32 $0x1A200  }
0x25c: {  	[tilespmem:s15], [sflag:$0x7] =	stream.indirect_vreg.gather [hbm4b:s4+s2], $0x80, v3, vm0, $0xb8;
	[tilespmem:$0x1C200] =	vst v63  }
0x25d: {  	_ = 	snop  }
0x25e: {  	[tilespmem:s3], [sflag:$0x7] =	stream.indirect_vreg.gather [hbm4b:s5+s2], $0x80, v3, vm0, $0xb8;
	[tilespmem:$0x1C200] =	vst v63  }
0x25f: {  	s16 =	simm.s32 $0x1B200  }
0x260: {  	[tilespmem:s16], [sflag:$0x7] =	stream.indirect_vreg.gather [hbm4b:s6+s2], $0x80, v3, vm0, $0xb8;
	[tilespmem:$0x1C200] =	vst v63  }
0x261: {  	s19 =	simm.s32 $0x1BA00  }
0x262: {  	[tilespmem:s19], [sflag:$0x7] =	stream.indirect_vreg.gather [hbm4b:s7+s2], $0x80, v3, vm0, $0xb8;
	[tilespmem:$0x1C200] =	vst v63  }
0x263: {  	_ =	swait.ge [sflag:s24], $0x4000  }
0x264: {  	[sflag:s24] =	ssyncset.done $0x0  }
0x265: {  	s23 =	rddreg [dreg:$0x14];
	[sflag:s24] =	ssyncadd.s32 $0xFFFFC000  }
0x266: {  	[hbm4b:s23+s2] =	stream.linear.scatter [tilespmem:s9], [sflag:$0xA], $0x4000, $0x38;
	[tilespmem:$0x1C200] =	vst v63  }
0x267: {  	_ =	swait.ge [sflag:s25], $0x4000  }
0x268: {  	[sflag:s25] =	ssyncset.done $0x0  }
0x269: {  	[sflag:s25] =	ssyncadd.s32 $0xFFFFC000  }
0x26a: {  	v3 =	vld [tilespmem:$0x150];
	_ =	sdelay $0x4  }
0x26b: {  	v53 =	vshll.u32 v3, $0x3  }
0x26c: {  	v3 =	vand.u32 $0x7, v3;
	v4 =	vand.u32 $0xFFFFFFC0, v53  }
0x26d: {  	v3 =	vor.u32 v3, v4  }
0x26e: {  	v4 =	vperm.xlane v3, v0;
	_ =	sdelay $0x1  }
0x26f: {  	v4 =	vadd.s32 v1, v4;
	_ =	sdelay $0x4  }
0x270: {  	[tilespmem:s30], [sflag:$0x1] =	stream.indirect_vreg.gather [hbm4b:s4+s2], $0x80, v4, vm0, $0xb8;
	[tilespmem:$0x1C200] =	vst v63  }
0x271: {  	s3 =	simm.s32 $0xA00;
	v3 =	vperm.xlane v3, v2  }
0x272: {  	[tilespmem:s3], [sflag:$0x1] =	stream.indirect_vreg.gather [hbm4b:s5+s2], $0x80, v4, vm0, $0xb8;
	[tilespmem:$0x1C200] =	vst v63  }
0x273: {  	s9 =	simm.s32 $0x1200;
	v3 =	vadd.s32 v1, v3  }
0x274: {  	[tilespmem:s9], [sflag:$0x1] =	stream.indirect_vreg.gather [hbm4b:s6+s2], $0x80, v4, vm0, $0xb8;
	[tilespmem:$0x1C200] =	vst v63  }
0x275: {  	_ = 	snop  }
0x276: {  	[tilespmem:s26], [sflag:$0x1] =	stream.indirect_vreg.gather [hbm4b:s7+s2], $0x80, v4, vm0, $0xb8;
	[tilespmem:$0x1C200] =	vst v63  }
0x277: {  	s14 =	simm.s32 $0x2200  }
0x278: {  	[tilespmem:s14], [sflag:$0x1] =	stream.indirect_vreg.gather [hbm4b:s4+s2], $0x80, v3, vm0, $0xb8;
	[tilespmem:$0x1C200] =	vst v63  }
0x279: {  	s15 =	simm.s32 $0x2A00  }
0x27a: {  	[tilespmem:s15], [sflag:$0x1] =	stream.indirect_vreg.gather [hbm4b:s5+s2], $0x80, v3, vm0, $0xb8;
	[tilespmem:$0x1C200] =	vst v63  }
0x27b: {  	s16 =	simm.s32 $0x3200  }
0x27c: {  	[tilespmem:s16], [sflag:$0x1] =	stream.indirect_vreg.gather [hbm4b:s6+s2], $0x80, v3, vm0, $0xb8;
	[tilespmem:$0x1C200] =	vst v63  }
0x27d: {  	s19 =	simm.s32 $0x3A00  }
0x27e: {  	[tilespmem:s19], [sflag:$0x1] =	stream.indirect_vreg.gather [hbm4b:s7+s2], $0x80, v3, vm0, $0xb8;
	[tilespmem:$0x1C200] =	vst v63  }
0x27f: {  	_ =	swait.ge [sflag:s28], $0x4000  }
0x280: {  	[sflag:s28] =	ssyncset.done $0x0  }
0x281: {  	s26 =	rddreg [dreg:$0x15];
	[sflag:s28] =	ssyncadd.s32 $0xFFFFC000  }
0x282: {  	[hbm4b:s26+s2] =	stream.linear.scatter [tilespmem:s12], [sflag:$0xB], $0x4000, $0x38;
	[tilespmem:$0x1C200] =	vst v63  }
0x283: {  	_ =	swait.ge [sflag:s29], $0x4000  }
0x284: {  	[sflag:s29] =	ssyncset.done $0x0  }
0x285: {  	[sflag:s29] =	ssyncadd.s32 $0xFFFFC000  }
0x286: {  	v3 =	vld [tilespmem:$0x160];
	_ =	sdelay $0x4  }
0x287: {  	v54 =	vshll.u32 v3, $0x3  }
0x288: {  	v3 =	vand.u32 $0x7, v3;
	v4 =	vand.u32 $0xFFFFFFC0, v54  }
0x289: {  	v3 =	vor.u32 v3, v4  }
0x28a: {  	v4 =	vperm.xlane v3, v0;
	_ =	sdelay $0x1  }
0x28b: {  	v4 =	vadd.s32 v1, v4;
	_ =	sdelay $0x4  }
0x28c: {  	[tilespmem:s17], [sflag:$0x2] =	stream.indirect_vreg.gather [hbm4b:s4+s2], $0x80, v4, vm0, $0xb8;
	[tilespmem:$0x1C200] =	vst v63  }
0x28d: {  	s3 =	simm.s32 $0x4A00;
	v3 =	vperm.xlane v3, v2  }
0x28e: {  	[tilespmem:s3], [sflag:$0x2] =	stream.indirect_vreg.gather [hbm4b:s5+s2], $0x80, v4, vm0, $0xb8;
	[tilespmem:$0x1C200] =	vst v63  }
0x28f: {  	s15 =	simm.s32 $0x5200;
	v3 =	vadd.s32 v1, v3  }
0x290: {  	[tilespmem:s15], [sflag:$0x2] =	stream.indirect_vreg.gather [hbm4b:s6+s2], $0x80, v4, vm0, $0xb8;
	[tilespmem:$0x1C200] =	vst v63  }
0x291: {  	s16 =	simm.s32 $0x5A00  }
0x292: {  	[tilespmem:s16], [sflag:$0x2] =	stream.indirect_vreg.gather [hbm4b:s7+s2], $0x80, v4, vm0, $0xb8;
	[tilespmem:$0x1C200] =	vst v63  }
0x293: {  	s14 =	simm.s32 $0x6200  }
0x294: {  	[tilespmem:s14], [sflag:$0x2] =	stream.indirect_vreg.gather [hbm4b:s4+s2], $0x80, v3, vm0, $0xb8;
	[tilespmem:$0x1C200] =	vst v63  }
0x295: {  	s17 =	simm.s32 $0x6A00  }
0x296: {  	[tilespmem:s17], [sflag:$0x2] =	stream.indirect_vreg.gather [hbm4b:s5+s2], $0x80, v3, vm0, $0xb8;
	[tilespmem:$0x1C200] =	vst v63  }
0x297: {  	s19 =	simm.s32 $0x7200  }
0x298: {  	[tilespmem:s19], [sflag:$0x2] =	stream.indirect_vreg.gather [hbm4b:s6+s2], $0x80, v3, vm0, $0xb8;
	[tilespmem:$0x1C200] =	vst v63  }
0x299: {  	s26 =	simm.s32 $0x7A00  }
0x29a: {  	[tilespmem:s26], [sflag:$0x2] =	stream.indirect_vreg.gather [hbm4b:s7+s2], $0x80, v3, vm0, $0xb8;
	[tilespmem:$0x1C200] =	vst v63  }
0x29b: {  	_ =	swait.ge [sflag:s0], $0x4000  }
0x29c: {  	[sflag:s0] =	ssyncset.done $0x0  }
0x29d: {  	s17 =	simm.s32 $0x10200;
	s12 =	rddreg [dreg:$0x16];
	[sflag:s0] =	ssyncadd.s32 $0xFFFFC000  }
0x29e: {  	[hbm4b:s12+s2] =	stream.linear.scatter [tilespmem:s17], [sflag:$0xC], $0x4000, $0x38;
	[tilespmem:$0x1C200] =	vst v63  }
0x29f: {  	_ =	swait.ge [sflag:s31], $0x4000  }
0x2a0: {  	[sflag:s31] =	ssyncset.done $0x0  }
0x2a1: {  	[sflag:s31] =	ssyncadd.s32 $0xFFFFC000  }
0x2a2: {  	v3 =	vld [tilespmem:$0x170];
	_ =	sdelay $0x4  }
0x2a3: {  	v55 =	vshll.u32 v3, $0x3  }
0x2a4: {  	v3 =	vand.u32 $0x7, v3;
	v4 =	vand.u32 $0xFFFFFFC0, v55  }
0x2a5: {  	v3 =	vor.u32 v3, v4  }
0x2a6: {  	v4 =	vperm.xlane v3, v0;
	_ =	sdelay $0x1  }
0x2a7: {  	v4 =	vadd.s32 v1, v4;
	_ =	sdelay $0x3  }
0x2a8: {  	s23 =	simm.s32 $0x8200  }
0x2a9: {  	[tilespmem:s23], [sflag:$0x3] =	stream.indirect_vreg.gather [hbm4b:s4+s2], $0x80, v4, vm0, $0xb8;
	[tilespmem:$0x1C200] =	vst v63  }
0x2aa: {  	s19 =	simm.s32 $0x8A00;
	v3 =	vperm.xlane v3, v2  }
0x2ab: {  	[tilespmem:s19], [sflag:$0x3] =	stream.indirect_vreg.gather [hbm4b:s5+s2], $0x80, v4, vm0, $0xb8;
	[tilespmem:$0x1C200] =	vst v63  }
0x2ac: {  	s26 =	simm.s32 $0x9200;
	v3 =	vadd.s32 v1, v3  }
0x2ad: {  	[tilespmem:s26], [sflag:$0x3] =	stream.indirect_vreg.gather [hbm4b:s6+s2], $0x80, v4, vm0, $0xb8;
	[tilespmem:$0x1C200] =	vst v63  }
0x2ae: {  	s3 =	simm.s32 $0x9A00  }
0x2af: {  	[tilespmem:s3], [sflag:$0x3] =	stream.indirect_vreg.gather [hbm4b:s7+s2], $0x80, v4, vm0, $0xb8;
	[tilespmem:$0x1C200] =	vst v63  }
0x2b0: {  	s14 =	simm.s32 $0xA200  }
0x2b1: {  	[tilespmem:s14], [sflag:$0x3] =	stream.indirect_vreg.gather [hbm4b:s4+s2], $0x80, v3, vm0, $0xb8;
	[tilespmem:$0x1C200] =	vst v63  }
0x2b2: {  	s19 =	simm.s32 $0xAA00  }
0x2b3: {  	[tilespmem:s19], [sflag:$0x3] =	stream.indirect_vreg.gather [hbm4b:s5+s2], $0x80, v3, vm0, $0xb8;
	[tilespmem:$0x1C200] =	vst v63  }
0x2b4: {  	s26 =	simm.s32 $0xB200  }
0x2b5: {  	[tilespmem:s26], [sflag:$0x3] =	stream.indirect_vreg.gather [hbm4b:s6+s2], $0x80, v3, vm0, $0xb8;
	[tilespmem:$0x1C200] =	vst v63  }
0x2b6: {  	s3 =	simm.s32 $0xBA00  }
0x2b7: {  	[tilespmem:s3], [sflag:$0x3] =	stream.indirect_vreg.gather [hbm4b:s7+s2], $0x80, v3, vm0, $0xb8;
	[tilespmem:$0x1C200] =	vst v63  }
0x2b8: {  	_ =	swait.ge [sflag:s10], $0x4000  }
0x2b9: {  	[sflag:s10] =	ssyncset.done $0x0  }
0x2ba: {  	s26 =	simm.s32 $0x14200;
	s12 =	rddreg [dreg:$0x17];
	[sflag:s10] =	ssyncadd.s32 $0xFFFFC000  }
0x2bb: {  	[hbm4b:s12+s2] =	stream.linear.scatter [tilespmem:s26], [sflag:$0xD], $0x4000, $0x38;
	[tilespmem:$0x1C200] =	vst v63  }
0x2bc: {  	_ =	swait.ge [sflag:s1], $0x4000  }
0x2bd: {  	[sflag:s1] =	ssyncset.done $0x0  }
0x2be: {  	[sflag:s1] =	ssyncadd.s32 $0xFFFFC000  }
0x2bf: {  	v3 =	vld [tilespmem:$0x180];
	_ =	sdelay $0x4  }
0x2c0: {  	v56 =	vshll.u32 v3, $0x3  }
0x2c1: {  	v3 =	vand.u32 $0x7, v3;
	v4 =	vand.u32 $0xFFFFFFC0, v56  }
0x2c2: {  	v3 =	vor.u32 v3, v4  }
0x2c3: {  	v4 =	vperm.xlane v3, v0;
	_ =	sdelay $0x1  }
0x2c4: {  	v4 =	vadd.s32 v1, v4;
	_ =	sdelay $0x3  }
0x2c5: {  	s9 =	simm.s32 $0xC200  }
0x2c6: {  	[tilespmem:s9], [sflag:$0x4] =	stream.indirect_vreg.gather [hbm4b:s4+s2], $0x80, v4, vm0, $0xb8;
	[tilespmem:$0x1C200] =	vst v63  }
0x2c7: {  	s19 =	simm.s32 $0xCA00;
	v3 =	vperm.xlane v3, v2  }
0x2c8: {  	[tilespmem:s19], [sflag:$0x4] =	stream.indirect_vreg.gather [hbm4b:s5+s2], $0x80, v4, vm0, $0xb8;
	[tilespmem:$0x1C200] =	vst v63  }
0x2c9: {  	s3 =	simm.s32 $0xD200;
	v3 =	vadd.s32 v1, v3  }
0x2ca: {  	[tilespmem:s3], [sflag:$0x4] =	stream.indirect_vreg.gather [hbm4b:s6+s2], $0x80, v4, vm0, $0xb8;
	[tilespmem:$0x1C200] =	vst v63  }
0x2cb: {  	s14 =	simm.s32 $0xDA00  }
0x2cc: {  	[tilespmem:s14], [sflag:$0x4] =	stream.indirect_vreg.gather [hbm4b:s7+s2], $0x80, v4, vm0, $0xb8;
	[tilespmem:$0x1C200] =	vst v63  }
0x2cd: {  	s19 =	simm.s32 $0xE200  }
0x2ce: {  	[tilespmem:s19], [sflag:$0x4] =	stream.indirect_vreg.gather [hbm4b:s4+s2], $0x80, v3, vm0, $0xb8;
	[tilespmem:$0x1C200] =	vst v63  }
0x2cf: {  	s3 =	simm.s32 $0xEA00  }
0x2d0: {  	[tilespmem:s3], [sflag:$0x4] =	stream.indirect_vreg.gather [hbm4b:s5+s2], $0x80, v3, vm0, $0xb8;
	[tilespmem:$0x1C200] =	vst v63  }
0x2d1: {  	s12 =	simm.s32 $0xF200  }
0x2d2: {  	[tilespmem:s12], [sflag:$0x4] =	stream.indirect_vreg.gather [hbm4b:s6+s2], $0x80, v3, vm0, $0xb8;
	[tilespmem:$0x1C200] =	vst v63  }
0x2d3: {  	s3 =	simm.s32 $0xFA00  }
0x2d4: {  	[tilespmem:s3], [sflag:$0x4] =	stream.indirect_vreg.gather [hbm4b:s7+s2], $0x80, v3, vm0, $0xb8;
	[tilespmem:$0x1C200] =	vst v63  }
0x2d5: {  	_ =	swait.ge [sflag:s11], $0x4000  }
0x2d6: {  	[sflag:s11] =	ssyncset.done $0x0  }
0x2d7: {  	s3 =	simm.s32 $0x18200;
	s12 =	rddreg [dreg:$0x18];
	[sflag:s11] =	ssyncadd.s32 $0xFFFFC000  }
0x2d8: {  	[hbm4b:s12+s2] =	stream.linear.scatter [tilespmem:s3], [sflag:$0xE], $0x4000, $0x38;
	[tilespmem:$0x1C200] =	vst v63  }
0x2d9: {  	_ =	swait.ge [sflag:s21], $0x4000  }
0x2da: {  	[sflag:s21] =	ssyncset.done $0x0  }
0x2db: {  	[sflag:s21] =	ssyncadd.s32 $0xFFFFC000  }
0x2dc: {  	v3 =	vld [tilespmem:$0x190];
	_ =	sdelay $0x4  }
0x2dd: {  	v57 =	vshll.u32 v3, $0x3  }
0x2de: {  	v3 =	vand.u32 $0x7, v3;
	v4 =	vand.u32 $0xFFFFFFC0, v57  }
0x2df: {  	v3 =	vor.u32 v3, v4  }
0x2e0: {  	v4 =	vperm.xlane v3, v0;
	_ =	sdelay $0x1  }
0x2e1: {  	v4 =	vadd.s32 v1, v4;
	_ =	sdelay $0x4  }
0x2e2: {  	[tilespmem:s17], [sflag:$0x5] =	stream.indirect_vreg.gather [hbm4b:s4+s2], $0x80, v4, vm0, $0xb8;
	[tilespmem:$0x1C200] =	vst v63  }
0x2e3: {  	s14 =	simm.s32 $0x10A00;
	v3 =	vperm.xlane v3, v2  }
0x2e4: {  	[tilespmem:s14], [sflag:$0x5] =	stream.indirect_vreg.gather [hbm4b:s5+s2], $0x80, v4, vm0, $0xb8;
	[tilespmem:$0x1C200] =	vst v63  }
0x2e5: {  	v3 =	vadd.s32 v1, v3;
	s14 =	simm.s32 $0x11200  }
0x2e6: {  	[tilespmem:s14], [sflag:$0x5] =	stream.indirect_vreg.gather [hbm4b:s6+s2], $0x80, v4, vm0, $0xb8;
	[tilespmem:$0x1C200] =	vst v63  }
0x2e7: {  	s14 =	simm.s32 $0x11A00  }
0x2e8: {  	[tilespmem:s14], [sflag:$0x5] =	stream.indirect_vreg.gather [hbm4b:s7+s2], $0x80, v4, vm0, $0xb8;
	[tilespmem:$0x1C200] =	vst v63  }
0x2e9: {  	s14 =	simm.s32 $0x12200  }
0x2ea: {  	[tilespmem:s14], [sflag:$0x5] =	stream.indirect_vreg.gather [hbm4b:s4+s2], $0x80, v3, vm0, $0xb8;
	[tilespmem:$0x1C200] =	vst v63  }
0x2eb: {  	s14 =	simm.s32 $0x12A00  }
0x2ec: {  	[tilespmem:s14], [sflag:$0x5] =	stream.indirect_vreg.gather [hbm4b:s5+s2], $0x80, v3, vm0, $0xb8;
	[tilespmem:$0x1C200] =	vst v63  }
0x2ed: {  	s14 =	simm.s32 $0x13200  }
0x2ee: {  	[tilespmem:s14], [sflag:$0x5] =	stream.indirect_vreg.gather [hbm4b:s6+s2], $0x80, v3, vm0, $0xb8;
	[tilespmem:$0x1C200] =	vst v63  }
0x2ef: {  	s14 =	simm.s32 $0x13A00  }
0x2f0: {  	[tilespmem:s14], [sflag:$0x5] =	stream.indirect_vreg.gather [hbm4b:s7+s2], $0x80, v3, vm0, $0xb8;
	[tilespmem:$0x1C200] =	vst v63  }
0x2f1: {  	_ =	swait.ge [sflag:s20], $0x4000  }
0x2f2: {  	[sflag:s20] =	ssyncset.done $0x0  }
0x2f3: {  	s12 =	rddreg [dreg:$0x19];
	[sflag:s20] =	ssyncadd.s32 $0xFFFFC000  }
0x2f4: {  	[hbm4b:s12+s2] =	stream.linear.scatter [tilespmem:s30], [sflag:$0x8], $0x4000, $0x38;
	[tilespmem:$0x1C200] =	vst v63  }
0x2f5: {  	_ =	swait.ge [sflag:s13], $0x4000  }
0x2f6: {  	[sflag:s13] =	ssyncset.done $0x0  }
0x2f7: {  	[sflag:s13] =	ssyncadd.s32 $0xFFFFC000  }
0x2f8: {  	v3 =	vld [tilespmem:$0x1A0];
	_ =	sdelay $0x4  }
0x2f9: {  	v58 =	vshll.u32 v3, $0x3  }
0x2fa: {  	v3 =	vand.u32 $0x7, v3;
	v4 =	vand.u32 $0xFFFFFFC0, v58  }
0x2fb: {  	v3 =	vor.u32 v3, v4  }
0x2fc: {  	v4 =	vperm.xlane v3, v0;
	_ =	sdelay $0x1  }
0x2fd: {  	v4 =	vadd.s32 v1, v4;
	_ =	sdelay $0x4  }
0x2fe: {  	[tilespmem:s26], [sflag:$0x6] =	stream.indirect_vreg.gather [hbm4b:s4+s2], $0x80, v4, vm0, $0xb8;
	[tilespmem:$0x1C200] =	vst v63  }
0x2ff: {  	v3 =	vperm.xlane v3, v2;
	s26 =	simm.s32 $0x14A00  }
0x300: {  	[tilespmem:s26], [sflag:$0x6] =	stream.indirect_vreg.gather [hbm4b:s5+s2], $0x80, v4, vm0, $0xb8;
	[tilespmem:$0x1C200] =	vst v63  }
0x301: {  	v3 =	vadd.s32 v1, v3;
	s26 =	simm.s32 $0x15200  }
0x302: {  	[tilespmem:s26], [sflag:$0x6] =	stream.indirect_vreg.gather [hbm4b:s6+s2], $0x80, v4, vm0, $0xb8;
	[tilespmem:$0x1C200] =	vst v63  }
0x303: {  	s26 =	simm.s32 $0x15A00  }
0x304: {  	[tilespmem:s26], [sflag:$0x6] =	stream.indirect_vreg.gather [hbm4b:s7+s2], $0x80, v4, vm0, $0xb8;
	[tilespmem:$0x1C200] =	vst v63  }
0x305: {  	s26 =	simm.s32 $0x16200  }
0x306: {  	[tilespmem:s26], [sflag:$0x6] =	stream.indirect_vreg.gather [hbm4b:s4+s2], $0x80, v3, vm0, $0xb8;
	[tilespmem:$0x1C200] =	vst v63  }
0x307: {  	s26 =	simm.s32 $0x16A00  }
0x308: {  	[tilespmem:s26], [sflag:$0x6] =	stream.indirect_vreg.gather [hbm4b:s5+s2], $0x80, v3, vm0, $0xb8;
	[tilespmem:$0x1C200] =	vst v63  }
0x309: {  	s26 =	simm.s32 $0x17200  }
0x30a: {  	[tilespmem:s26], [sflag:$0x6] =	stream.indirect_vreg.gather [hbm4b:s6+s2], $0x80, v3, vm0, $0xb8;
	[tilespmem:$0x1C200] =	vst v63  }
0x30b: {  	s26 =	simm.s32 $0x17A00  }
0x30c: {  	[tilespmem:s26], [sflag:$0x6] =	stream.indirect_vreg.gather [hbm4b:s7+s2], $0x80, v3, vm0, $0xb8;
	[tilespmem:$0x1C200] =	vst v63  }
0x30d: {  	_ =	swait.ge [sflag:s22], $0x4000  }
0x30e: {  	[sflag:s22] =	ssyncset.done $0x0  }
0x30f: {  	s26 =	simm.s32 $0x4200;
	s14 =	rddreg [dreg:$0x1a];
	[sflag:s22] =	ssyncadd.s32 $0xFFFFC000  }
0x310: {  	[hbm4b:s14+s2] =	stream.linear.scatter [tilespmem:s26], [sflag:$0x9], $0x4000, $0x38;
	[tilespmem:$0x1C200] =	vst v63  }
0x311: {  	_ =	swait.ge [sflag:s8], $0x4000  }
0x312: {  	[sflag:s8] =	ssyncset.done $0x0  }
0x313: {  	[sflag:s8] =	ssyncadd.s32 $0xFFFFC000  }
0x314: {  	v3 =	vld [tilespmem:$0x1B0];
	_ =	sdelay $0x4  }
0x315: {  	v59 =	vshll.u32 v3, $0x3  }
0x316: {  	v3 =	vand.u32 $0x7, v3;
	v4 =	vand.u32 $0xFFFFFFC0, v59  }
0x317: {  	v3 =	vor.u32 v3, v4  }
0x318: {  	v4 =	vperm.xlane v3, v0;
	_ =	sdelay $0x1  }
0x319: {  	v4 =	vadd.s32 v1, v4;
	_ =	sdelay $0x4  }
0x31a: {  	[tilespmem:s3], [sflag:$0x7] =	stream.indirect_vreg.gather [hbm4b:s4+s2], $0x80, v4, vm0, $0xb8;
	[tilespmem:$0x1C200] =	vst v63  }
0x31b: {  	s14 =	simm.s32 $0x18A00;
	v3 =	vperm.xlane v3, v2  }
0x31c: {  	[tilespmem:s14], [sflag:$0x7] =	stream.indirect_vreg.gather [hbm4b:s5+s2], $0x80, v4, vm0, $0xb8;
	[tilespmem:$0x1C200] =	vst v63  }
0x31d: {  	v3 =	vadd.s32 v1, v3;
	s14 =	simm.s32 $0x19200  }
0x31e: {  	[tilespmem:s14], [sflag:$0x7] =	stream.indirect_vreg.gather [hbm4b:s6+s2], $0x80, v4, vm0, $0xb8;
	[tilespmem:$0x1C200] =	vst v63  }
0x31f: {  	s14 =	simm.s32 $0x19A00  }
0x320: {  	[tilespmem:s14], [sflag:$0x7] =	stream.indirect_vreg.gather [hbm4b:s7+s2], $0x80, v4, vm0, $0xb8;
	[tilespmem:$0x1C200] =	vst v63  }
0x321: {  	s14 =	simm.s32 $0x1A200  }
0x322: {  	[tilespmem:s14], [sflag:$0x7] =	stream.indirect_vreg.gather [hbm4b:s4+s2], $0x80, v3, vm0, $0xb8;
	[tilespmem:$0x1C200] =	vst v63  }
0x323: {  	s14 =	simm.s32 $0x1AA00  }
0x324: {  	[tilespmem:s14], [sflag:$0x7] =	stream.indirect_vreg.gather [hbm4b:s5+s2], $0x80, v3, vm0, $0xb8;
	[tilespmem:$0x1C200] =	vst v63  }
0x325: {  	s14 =	simm.s32 $0x1B200  }
0x326: {  	[tilespmem:s14], [sflag:$0x7] =	stream.indirect_vreg.gather [hbm4b:s6+s2], $0x80, v3, vm0, $0xb8;
	[tilespmem:$0x1C200] =	vst v63  }
0x327: {  	s14 =	simm.s32 $0x1BA00  }
0x328: {  	[tilespmem:s14], [sflag:$0x7] =	stream.indirect_vreg.gather [hbm4b:s7+s2], $0x80, v3, vm0, $0xb8;
	[tilespmem:$0x1C200] =	vst v63  }
0x329: {  	_ =	swait.ge [sflag:s24], $0x4000  }
0x32a: {  	[sflag:s24] =	ssyncset.done $0x0  }
0x32b: {  	s14 =	rddreg [dreg:$0x1b];
	[sflag:s24] =	ssyncadd.s32 $0xFFFFC000  }
0x32c: {  	[hbm4b:s14+s2] =	stream.linear.scatter [tilespmem:s23], [sflag:$0xA], $0x4000, $0x38;
	[tilespmem:$0x1C200] =	vst v63  }
0x32d: {  	_ =	swait.ge [sflag:s25], $0x4000  }
0x32e: {  	[sflag:s25] =	ssyncset.done $0x0  }
0x32f: {  	[sflag:s25] =	ssyncadd.s32 $0xFFFFC000  }
0x330: {  	v3 =	vld [tilespmem:$0x1C0];
	_ =	sdelay $0x4  }
0x331: {  	v60 =	vshll.u32 v3, $0x3  }
0x332: {  	v3 =	vand.u32 $0x7, v3;
	v4 =	vand.u32 $0xFFFFFFC0, v60  }
0x333: {  	v3 =	vor.u32 v3, v4  }
0x334: {  	v4 =	vperm.xlane v3, v0;
	_ =	sdelay $0x1  }
0x335: {  	v4 =	vadd.s32 v1, v4;
	_ =	sdelay $0x4  }
0x336: {  	[tilespmem:s30], [sflag:$0x1] =	stream.indirect_vreg.gather [hbm4b:s4+s2], $0x80, v4, vm0, $0xb8;
	[tilespmem:$0x1C200] =	vst v63  }
0x337: {  	s14 =	simm.s32 $0xA00;
	v3 =	vperm.xlane v3, v2  }
0x338: {  	[tilespmem:s14], [sflag:$0x1] =	stream.indirect_vreg.gather [hbm4b:s5+s2], $0x80, v4, vm0, $0xb8;
	[tilespmem:$0x1C200] =	vst v63  }
0x339: {  	v3 =	vadd.s32 v1, v3;
	s14 =	simm.s32 $0x1200  }
0x33a: {  	[tilespmem:s14], [sflag:$0x1] =	stream.indirect_vreg.gather [hbm4b:s6+s2], $0x80, v4, vm0, $0xb8;
	[tilespmem:$0x1C200] =	vst v63  }
0x33b: {  	s14 =	simm.s32 $0x1A00  }
0x33c: {  	[tilespmem:s14], [sflag:$0x1] =	stream.indirect_vreg.gather [hbm4b:s7+s2], $0x80, v4, vm0, $0xb8;
	[tilespmem:$0x1C200] =	vst v63  }
0x33d: {  	s14 =	simm.s32 $0x2200  }
0x33e: {  	[tilespmem:s14], [sflag:$0x1] =	stream.indirect_vreg.gather [hbm4b:s4+s2], $0x80, v3, vm0, $0xb8;
	[tilespmem:$0x1C200] =	vst v63  }
0x33f: {  	s14 =	simm.s32 $0x2A00  }
0x340: {  	[tilespmem:s14], [sflag:$0x1] =	stream.indirect_vreg.gather [hbm4b:s5+s2], $0x80, v3, vm0, $0xb8;
	[tilespmem:$0x1C200] =	vst v63  }
0x341: {  	s14 =	simm.s32 $0x3200  }
0x342: {  	[tilespmem:s14], [sflag:$0x1] =	stream.indirect_vreg.gather [hbm4b:s6+s2], $0x80, v3, vm0, $0xb8;
	[tilespmem:$0x1C200] =	vst v63  }
0x343: {  	s14 =	simm.s32 $0x3A00  }
0x344: {  	[tilespmem:s14], [sflag:$0x1] =	stream.indirect_vreg.gather [hbm4b:s7+s2], $0x80, v3, vm0, $0xb8;
	[tilespmem:$0x1C200] =	vst v63  }
0x345: {  	_ =	swait.ge [sflag:s28], $0x4000  }
0x346: {  	[sflag:s28] =	ssyncset.done $0x0  }
0x347: {  	s14 =	rddreg [dreg:$0x1c];
	[sflag:s28] =	ssyncadd.s32 $0xFFFFC000  }
0x348: {  	[hbm4b:s14+s2] =	stream.linear.scatter [tilespmem:s9], [sflag:$0xB], $0x4000, $0x38;
	[tilespmem:$0x1C200] =	vst v63  }
0x349: {  	_ =	swait.ge [sflag:s29], $0x4000  }
0x34a: {  	[sflag:s29] =	ssyncset.done $0x0  }
0x34b: {  	[sflag:s29] =	ssyncadd.s32 $0xFFFFC000  }
0x34c: {  	v3 =	vld [tilespmem:$0x1D0];
	_ =	sdelay $0x4  }
0x34d: {  	v61 =	vshll.u32 v3, $0x3  }
0x34e: {  	v3 =	vand.u32 $0x7, v3;
	v4 =	vand.u32 $0xFFFFFFC0, v61  }
0x34f: {  	v3 =	vor.u32 v3, v4  }
0x350: {  	v4 =	vperm.xlane v3, v0;
	_ =	sdelay $0x1  }
0x351: {  	v4 =	vadd.s32 v1, v4;
	_ =	sdelay $0x4  }
0x352: {  	[tilespmem:s26], [sflag:$0x2] =	stream.indirect_vreg.gather [hbm4b:s4+s2], $0x80, v4, vm0, $0xb8;
	[tilespmem:$0x1C200] =	vst v63  }
0x353: {  	s14 =	simm.s32 $0x4A00;
	v3 =	vperm.xlane v3, v2  }
0x354: {  	[tilespmem:s14], [sflag:$0x2] =	stream.indirect_vreg.gather [hbm4b:s5+s2], $0x80, v4, vm0, $0xb8;
	[tilespmem:$0x1C200] =	vst v63  }
0x355: {  	v3 =	vadd.s32 v1, v3  }
0x356: {  	[tilespmem:s15], [sflag:$0x2] =	stream.indirect_vreg.gather [hbm4b:s6+s2], $0x80, v4, vm0, $0xb8;
	[tilespmem:$0x1C200] =	vst v63  }
0x357: {  	_ = 	snop  }
0x358: {  	[tilespmem:s16], [sflag:$0x2] =	stream.indirect_vreg.gather [hbm4b:s7+s2], $0x80, v4, vm0, $0xb8;
	[tilespmem:$0x1C200] =	vst v63  }
0x359: {  	s16 =	simm.s32 $0x6200  }
0x35a: {  	[tilespmem:s16], [sflag:$0x2] =	stream.indirect_vreg.gather [hbm4b:s4+s2], $0x80, v3, vm0, $0xb8;
	[tilespmem:$0x1C200] =	vst v63  }
0x35b: {  	s15 =	simm.s32 $0x6A00  }
0x35c: {  	[tilespmem:s15], [sflag:$0x2] =	stream.indirect_vreg.gather [hbm4b:s5+s2], $0x80, v3, vm0, $0xb8;
	[tilespmem:$0x1C200] =	vst v63  }
0x35d: {  	s16 =	simm.s32 $0x7200  }
0x35e: {  	[tilespmem:s16], [sflag:$0x2] =	stream.indirect_vreg.gather [hbm4b:s6+s2], $0x80, v3, vm0, $0xb8;
	[tilespmem:$0x1C200] =	vst v63  }
0x35f: {  	s15 =	simm.s32 $0x7A00  }
0x360: {  	[tilespmem:s15], [sflag:$0x2] =	stream.indirect_vreg.gather [hbm4b:s7+s2], $0x80, v3, vm0, $0xb8;
	[tilespmem:$0x1C200] =	vst v63  }
0x361: {  	_ =	swait.ge [sflag:s0], $0x4000  }
0x362: {  	[sflag:s0] =	ssyncset.done $0x0  }
0x363: {  	s17 =	simm.s32 $0x10200;
	s16 =	rddreg [dreg:$0x1d];
	[sflag:s0] =	ssyncadd.s32 $0xFFFFC000  }
0x364: {  	[hbm4b:s16+s2] =	stream.linear.scatter [tilespmem:s17], [sflag:$0xC], $0x4000, $0x38;
	[tilespmem:$0x1C200] =	vst v63  }
0x365: {  	_ =	swait.ge [sflag:s31], $0x4000  }
0x366: {  	[sflag:s31] =	ssyncset.done $0x0  }
0x367: {  	[sflag:s31] =	ssyncadd.s32 $0xFFFFC000  }
0x368: {  	v3 =	vld [tilespmem:$0x1E0];
	_ =	sdelay $0x4  }
0x369: {  	v62 =	vshll.u32 v3, $0x3  }
0x36a: {  	v3 =	vand.u32 $0x7, v3;
	v4 =	vand.u32 $0xFFFFFFC0, v62  }
0x36b: {  	v3 =	vor.u32 v3, v4  }
0x36c: {  	v4 =	vperm.xlane v3, v0;
	_ =	sdelay $0x1  }
0x36d: {  	v4 =	vadd.s32 v1, v4;
	_ =	sdelay $0x4  }
0x36e: {  	[tilespmem:s23], [sflag:$0x3] =	stream.indirect_vreg.gather [hbm4b:s4+s2], $0x80, v4, vm0, $0xb8;
	[tilespmem:$0x1C200] =	vst v63  }
0x36f: {  	s15 =	simm.s32 $0x8A00;
	v3 =	vperm.xlane v3, v2  }
0x370: {  	[tilespmem:s15], [sflag:$0x3] =	stream.indirect_vreg.gather [hbm4b:s5+s2], $0x80, v4, vm0, $0xb8;
	[tilespmem:$0x1C200] =	vst v63  }
0x371: {  	s16 =	simm.s32 $0x9200;
	v3 =	vadd.s32 v1, v3  }
0x372: {  	[tilespmem:s16], [sflag:$0x3] =	stream.indirect_vreg.gather [hbm4b:s6+s2], $0x80, v4, vm0, $0xb8;
	[tilespmem:$0x1C200] =	vst v63  }
0x373: {  	s17 =	simm.s32 $0x9A00  }
0x374: {  	[tilespmem:s17], [sflag:$0x3] =	stream.indirect_vreg.gather [hbm4b:s7+s2], $0x80, v4, vm0, $0xb8;
	[tilespmem:$0x1C200] =	vst v63  }
0x375: {  	s14 =	simm.s32 $0xA200  }
0x376: {  	[tilespmem:s14], [sflag:$0x3] =	stream.indirect_vreg.gather [hbm4b:s4+s2], $0x80, v3, vm0, $0xb8;
	[tilespmem:$0x1C200] =	vst v63  }
0x377: {  	s15 =	simm.s32 $0xAA00  }
0x378: {  	[tilespmem:s15], [sflag:$0x3] =	stream.indirect_vreg.gather [hbm4b:s5+s2], $0x80, v3, vm0, $0xb8;
	[tilespmem:$0x1C200] =	vst v63  }
0x379: {  	s16 =	simm.s32 $0xB200  }
0x37a: {  	[tilespmem:s16], [sflag:$0x3] =	stream.indirect_vreg.gather [hbm4b:s6+s2], $0x80, v3, vm0, $0xb8;
	[tilespmem:$0x1C200] =	vst v63  }
0x37b: {  	s17 =	simm.s32 $0xBA00  }
0x37c: {  	[tilespmem:s17], [sflag:$0x3] =	stream.indirect_vreg.gather [hbm4b:s7+s2], $0x80, v3, vm0, $0xb8;
	[tilespmem:$0x1C200] =	vst v63  }
0x37d: {  	_ =	swait.ge [sflag:s10], $0x4000  }
0x37e: {  	[sflag:s10] =	ssyncset.done $0x0  }
0x37f: {  	s12 =	simm.s32 $0x14200;
	s0 =	rddreg [dreg:$0x1e];
	[sflag:s10] =	ssyncadd.s32 $0xFFFFC000  }
0x380: {  	[hbm4b:s0+s2] =	stream.linear.scatter [tilespmem:s12], [sflag:$0xD], $0x4000, $0x38;
	[tilespmem:$0x1C200] =	vst v63  }
0x381: {  	_ =	swait.ge [sflag:s1], $0x4000  }
0x382: {  	[sflag:s1] =	ssyncset.done $0x0  }
0x383: {  	[sflag:s1] =	ssyncadd.s32 $0xFFFFC000  }
0x384: {  	v3 =	vld [tilespmem:$0x1F0];
	_ =	sdelay $0x4  }
0x385: {  	v63 =	vshll.u32 v3, $0x3  }
0x386: {  	v3 =	vand.u32 $0x7, v3;
	v4 =	vand.u32 $0xFFFFFFC0, v63  }
0x387: {  	v3 =	vor.u32 v3, v4  }
0x388: {  	v4 =	vperm.xlane v3, v0;
	_ =	sdelay $0x1  }
0x389: {  	v4 =	vadd.s32 v1, v4;
	_ =	sdelay $0x4  }
0x38a: {  	[tilespmem:s9], [sflag:$0x4] =	stream.indirect_vreg.gather [hbm4b:s4+s2], $0x80, v4, vm0, $0xb8;
	[tilespmem:$0x1C200] =	vst v63  }
0x38b: {  	s15 =	simm.s32 $0xCA00;
	v3 =	vperm.xlane v3, v2  }
0x38c: {  	[tilespmem:s15], [sflag:$0x4] =	stream.indirect_vreg.gather [hbm4b:s5+s2], $0x80, v4, vm0, $0xb8;
	[tilespmem:$0x1C200] =	vst v63  }
0x38d: {  	s16 =	simm.s32 $0xD200;
	v3 =	vadd.s32 v1, v3  }
0x38e: {  	[tilespmem:s16], [sflag:$0x4] =	stream.indirect_vreg.gather [hbm4b:s6+s2], $0x80, v4, vm0, $0xb8;
	[tilespmem:$0x1C200] =	vst v63  }
0x38f: {  	s17 =	simm.s32 $0xDA00  }
0x390: {  	[tilespmem:s17], [sflag:$0x4] =	stream.indirect_vreg.gather [hbm4b:s7+s2], $0x80, v4, vm0, $0xb8;
	[tilespmem:$0x1C200] =	vst v63  }
0x391: {  	s10 =	simm.s32 $0xE200  }
0x392: {  	[tilespmem:s10], [sflag:$0x4] =	stream.indirect_vreg.gather [hbm4b:s4+s2], $0x80, v3, vm0, $0xb8;
	[tilespmem:$0x1C200] =	vst v63  }
0x393: {  	s19 =	simm.s32 $0xEA00  }
0x394: {  	[tilespmem:s19], [sflag:$0x4] =	stream.indirect_vreg.gather [hbm4b:s5+s2], $0x80, v3, vm0, $0xb8;
	[tilespmem:$0x1C200] =	vst v63  }
0x395: {  	s12 =	simm.s32 $0xF200  }
0x396: {  	[tilespmem:s12], [sflag:$0x4] =	stream.indirect_vreg.gather [hbm4b:s6+s2], $0x80, v3, vm0, $0xb8;
	[tilespmem:$0x1C200] =	vst v63  }
0x397: {  	s14 =	simm.s32 $0xFA00  }
0x398: {  	[tilespmem:s14], [sflag:$0x4] =	stream.indirect_vreg.gather [hbm4b:s7+s2], $0x80, v3, vm0, $0xb8;
	[tilespmem:$0x1C200] =	vst v63  }
0x399: {  	_ =	swait.ge [sflag:s11], $0x4000  }
0x39a: {  	[sflag:s11] =	ssyncset.done $0x0  }
0x39b: {  	s3 =	simm.s32 $0x18200;
	s15 =	rddreg [dreg:$0x1f];
	[sflag:s11] =	ssyncadd.s32 $0xFFFFC000  }
0x39c: {  	[hbm4b:s15+s2] =	stream.linear.scatter [tilespmem:s3], [sflag:$0xE], $0x4000, $0x38;
	[tilespmem:$0x1C200] =	vst v63  }
0x39d: {  	_ =	swait.ge [sflag:s20], $0x4000  }
0x39e: {  	s16 =	sld [smem:$0x7F8]  }
0x39f: {  	[sflag:s20] =	ssyncset.done $0x0  }
0x3a0: {  	[sflag:s20] =	ssyncadd.s32 $0xFFFFC000  }
0x3a1: {  	[hbm4b:s16+s2] =	stream.linear.scatter [tilespmem:s30], [sflag:$0x8], $0x4000, $0x38;
	[tilespmem:$0x1C200] =	vst v63  }
0x3a2: {  	_ =	swait.ge [sflag:s22], $0x4000  }
0x3a3: {  	s17 =	sld [smem:$0x7F9]  }
0x3a4: {  	[sflag:s22] =	ssyncset.done $0x0  }
0x3a5: {  	s26 =	simm.s32 $0x4200;
	[sflag:s22] =	ssyncadd.s32 $0xFFFFC000  }
0x3a6: {  	[hbm4b:s17+s2] =	stream.linear.scatter [tilespmem:s26], [sflag:$0x9], $0x4000, $0x38;
	[tilespmem:$0x1C200] =	vst v63  }
0x3a7: {  	_ =	swait.ge [sflag:s24], $0x4000  }
0x3a8: {  	s19 =	sld [smem:$0x7FA]  }
0x3a9: {  	[sflag:s24] =	ssyncset.done $0x0  }
0x3aa: {  	[sflag:s24] =	ssyncadd.s32 $0xFFFFC000  }
0x3ab: {  	[hbm4b:s19+s2] =	stream.linear.scatter [tilespmem:s23], [sflag:$0xA], $0x4000, $0x38;
	[tilespmem:$0x1C200] =	vst v63  }
0x3ac: {  	_ =	swait.ge [sflag:s28], $0x4000  }
0x3ad: {  	s26 =	sld [smem:$0x7FC]  }
0x3ae: {  	[sflag:s28] =	ssyncset.done $0x0  }
0x3af: {  	[sflag:s28] =	ssyncadd.s32 $0xFFFFC000  }
0x3b0: {  	[hbm4b:s26+s2] =	stream.linear.scatter [tilespmem:s9], [sflag:$0xB], $0x4000, $0x38;
	[tilespmem:$0x1C200] =	vst v63  }
0x3b1: {  	_ =	swait.ge [sflag:s21], $0x4000  }
0x3b2: {  	[sflag:s21] =	ssyncset.done $0x0  }
0x3b3: {  	[sflag:s21] =	ssyncadd.s32 $0xFFFFC000  }
0x3b4: {  	_ =	swait.ge [sflag:s13], $0x4000  }
0x3b5: {  	[sflag:s13] =	ssyncset.done $0x0  }
0x3b6: {  	[sflag:s13] =	ssyncadd.s32 $0xFFFFC000  }
0x3b7: {  	_ =	swait.ge [sflag:s8], $0x4000  }
0x3b8: {  	[sflag:s8] =	ssyncset.done $0x0  }
0x3b9: {  	[sflag:s8] =	ssyncadd.s32 $0xFFFFC000  }
0x3ba: {  	_ =	swait.ge [sflag:s25], $0x4000  }
0x3bb: {  	[sflag:s25] =	ssyncset.done $0x0  }
0x3bc: {  	[sflag:s25] =	ssyncadd.s32 $0xFFFFC000  }
0x3bd: {  	_ =	swait.ge [sflag:s29], $0x4000  }
0x3be: {  	[sflag:s29] =	ssyncset.done $0x0  }
0x3bf: {  	[sflag:s29] =	ssyncadd.s32 $0xFFFFC000  }
0x3c0: {  	p0 =	sne.s32 s18, $0x1;
	_ =	swait.ge [sflag:s31], $0x4000  }
.Ltmp0:
0x3c1: {  	[sflag:s31] =	ssyncset.done $0x0;
	(pc) =	sbr.rel @p0 .LBB2_1-.Ltmp0, $4  }
0x3c2: {  	[sflag:s31] =	ssyncadd.s32 $0xFFFFC000  }
0x3c3: {  	_ =	swait.ge [sflag:s1], $0x4000  }
0x3c4: {  	[sflag:s1] =	ssyncset.done $0x0  }
0x3c5: {  	s18 =	sadd.s32 $0xFFFFFFFF, s18;
	[sflag:s1] =	ssyncadd.s32 $0xFFFFC000  }
0x3c6: {  	_ =	sfence.sel $0x180000  }
0x3c7: {  	[bflag:$0x0] =	sbarrier.arrive $0xFFFF  }
0x3c8: {  	_ =	strace $0x90000047  }
0x3c9: {  	s0 =	stileid.u32;
	[bflag:$0x2] =	sbarrier.arrive $0xFFFF  }
0x3ca: {  	p0 =	sne.s32 s0, $0x0;
	s0 =	rddreg [dreg:$0x3]  }
0x3cb: {  	s0 =	sadd.s32 @!p0 $0x100000, s0  }
0x3cc: {  	[sflag:s0] =	ssyncadd.tile.s32 @!p0 $0x1;
	_ =	shalt  }
.Lfunc_end2:
_tile_overlayer_lowered:
.L_overlay_start_2:
0x3cd: {  	(tag) =	ssettag $0x2  }
0x3ce: {  	s0 =	rddreg [dreg:$0x0];
	s2 =	stileid.u32  }
0x3cf: {  	s1 =	rddreg [dreg:$0x1];
	p0 =	sne.s32 s2, $0x0  }
0x3d0: {  	s3 =	rddreg [dreg:$0x2];
	[bflag:$0x3] =	sbarrier.arrive $0xFFFF;
	s2 =	simm.s32 @!p0 $0x1C0F  }
0x3d1: {  	[timem:s3], [sflag:s2] =	dma.local @!p0 [hbm:s0], s1  }
0x3d2: {  	s0 =	simm.s32 @!p0 $0xF  }
0x3d3: {  	_ =	swait.ge @!p0 [sflag:s0], s1  }
0x3d4: {  	s1 =	ssub.s32 @!p0 $0x0, s1;
	[sflag:s0] =	ssyncset.done @!p0 $0x0  }
0x3d5: {  	[sflag:s0] =	ssyncadd.s32 @!p0 s1  }
0x3d6: {  	[bflag:$0x3] =	sbarrier.arrive $0xFFFF  }
0x3d7: {  	_ =	shalt  }

</sc_bundles>
